<compile_context>
chip_gen: v7x
topology: tpu7x:2x2x1
jax: 0.10.2.dev20260603
libtpu: 0.0.44.dev20260713+nightly
codegen_flags: <defaults>
</compile_context>

<pallas_src>
import functools

import jax
import jax.numpy as jnp
from jax import lax
from jax.experimental import pallas as pl
from jax.experimental.pallas import tpu as pltpu
from jax.experimental.pallas import tpu_sc as plsc

N = 10000
E = 320000
D = 128
DE = 16

_NC = 2
_NS = 16
_NW = _NC * _NS
_BATCH = 128
_NBAT = E // _BATCH
_ROWS_N = N // _NS

_CHUNKS = 2
_CBAT = _NBAT // _CHUNKS
_CE = E // _CHUNKS


def _silu(x):
    return x * jax.nn.sigmoid(x)


def _ln(x, g, b, eps=1e-5):
    mu = jnp.mean(x, axis=-1, keepdims=True)
    var = jnp.var(x, axis=-1, keepdims=True)
    return (x - mu) / jnp.sqrt(var + eps) * g + b


def _worker_batches(pw, rem, wid, w_lt_rem):
    del w_lt_rem
    return wid * pw, pw


def _sc_gather_body(chunk, nb, p_hbm, src_hbm, g_hbm, idx_v, rows_v, sem):
    cid = lax.axis_index("c")
    sid = lax.axis_index("s")
    wid = sid * _NC + cid
    pw = _CBAT // _NW
    rem = _CBAT - pw * _NW
    base = chunk * _CBAT

    def do_chunk(b0, nbatch):
        pltpu.sync_copy(src_hbm.at[pl.ds(b0, nbatch)], idx_v.at[pl.ds(0, nbatch)])
        descs = [
            pltpu.async_copy(
                p_hbm.at[idx_v.at[j]],
                rows_v.at[pl.ds(j * _BATCH, _BATCH)],
                sem,
            )
            for j in range(nbatch)
        ]
        for d in descs:
            d.wait()
        pltpu.sync_copy(
            rows_v.at[pl.ds(0, nbatch * _BATCH)],
            g_hbm.at[pl.ds((b0 - base) * _BATCH, nbatch * _BATCH)],
        )

    def body(i, carry):
        do_chunk(base + wid * pw + i * nb, nb)
        return carry

    lax.fori_loop(0, pw // nb, body, 0)

    if rem:
        @pl.when(wid < rem)
        def _():
            do_chunk(base + pw * _NW + wid, 1)


def _sc_scatter_body(chunk, m_hbm, dst_hbm, zero_hbm, out_hbm,
                     idx_v, rows_a, rows_b, acc_sh, lsem, asem):
    cid = lax.axis_index("c")
    sid = lax.axis_index("s")
    wid = sid * _NC + cid
    pw = _CBAT // _NW
    rem = _CBAT - pw * _NW
    base = chunk * _CBAT

    pltpu.sync_copy(
        zero_hbm.at[pl.ds(sid * _ROWS_N, _ROWS_N)],
        acc_sh.at[pl.ds(sid * _ROWS_N, _ROWS_N)],
    )
    plsc.subcore_barrier()

    def do_pair(b0):
        pltpu.sync_copy(dst_hbm.at[pl.ds(b0, 2)], idx_v)
        la = pltpu.async_copy(
            m_hbm.at[pl.ds((b0 - base) * _BATCH, _BATCH)], rows_a, lsem)
        lb = pltpu.async_copy(
            m_hbm.at[pl.ds((b0 - base + 1) * _BATCH, _BATCH)], rows_b, lsem)
        la.wait()
        aa = pltpu.async_copy(rows_a, acc_sh.at[idx_v.at[0]], asem, add=True)
        lb.wait()
        ab = pltpu.async_copy(rows_b, acc_sh.at[idx_v.at[1]], asem, add=True)
        aa.wait()
        ab.wait()

    def do_one(b0):
        pltpu.sync_copy(dst_hbm.at[pl.ds(b0, 1)], idx_v.at[pl.ds(0, 1)])
        pltpu.sync_copy(
            m_hbm.at[pl.ds((b0 - base) * _BATCH, _BATCH)], rows_a)
        pltpu.sync_copy(rows_a, acc_sh.at[idx_v.at[0]], add=True)

    def body(i, carry):
        do_pair(base + wid * pw + i * 2)
        return carry

    lax.fori_loop(0, pw // 2, body, 0)

    if pw % 2:
        do_one(base + wid * pw + (pw // 2) * 2)

    if rem:
        @pl.when(wid < rem)
        def _():
            do_one(base + pw * _NW + wid)

    plsc.subcore_barrier()
    pltpu.sync_copy(
        acc_sh.at[pl.ds(sid * _ROWS_N, _ROWS_N)],
        out_hbm.at[cid, pl.ds(sid * _ROWS_N, _ROWS_N)],
    )


@functools.lru_cache(maxsize=None)
def _sc_kernels(chunk):
    mesh = plsc.VectorSubcoreMesh(
        core_axis_name="c", subcore_axis_name="s",
        num_cores=_NC, num_subcores=_NS)
    params = pltpu.CompilerParams(use_tc_tiling_on_sc=False)
    nb_g = 3
    gather = pl.kernel(
        functools.partial(_sc_gather_body, chunk, nb_g),
        out_type=jax.ShapeDtypeStruct((_CE, D), jnp.float32),
        mesh=mesh,
        compiler_params=params,
        scratch_types=[
            pltpu.VMEM((nb_g, _BATCH), jnp.int32),
            pltpu.VMEM((nb_g * _BATCH, D), jnp.float32),
            pltpu.SemaphoreType.DMA,
        ],
    )
    scatter = pl.kernel(
        functools.partial(_sc_scatter_body, chunk),
        out_type=jax.ShapeDtypeStruct((_NC, N, D), jnp.float32),
        mesh=mesh,
        compiler_params=params,
        scratch_types=[
            pltpu.VMEM((2, _BATCH), jnp.int32),
            pltpu.VMEM((_BATCH, D), jnp.float32),
            pltpu.VMEM((_BATCH, D), jnp.float32),
            pltpu.VMEM_SHARED((N, D), jnp.float32),
            pltpu.SemaphoreType.DMA,
            pltpu.SemaphoreType.DMA,
        ],
    )
    return gather, scatter


_BE = 3200


def _mlp_body(g_ref, efp_ref, w1a_ref, w1bd_ref, b1_ref, w2_ref, b2_ref,
              o_ref):
    pg = jnp.dot(g_ref[...].astype(jnp.bfloat16), w1a_ref[...],
                 preferred_element_type=jnp.float32)
    qp = jnp.dot(efp_ref[...].astype(jnp.bfloat16), w1bd_ref[...],
                 preferred_element_type=jnp.float32)
    q = qp.reshape(_BE, D)
    m1 = _silu(pg + (q + b1_ref[...]))
    o_ref[...] = _silu(jnp.dot(m1.astype(jnp.bfloat16), w2_ref[...],
                               preferred_element_type=jnp.float32) + b2_ref[...])


def _final_body(x_ref, pa_ref, pb_ref, w3_ref, b3_ref, w4_ref, b4_ref,
                g1_ref, be1_ref, g2_ref, be2_ref, o_ref):
    agg = (pa_ref[0] + pa_ref[1] + pb_ref[0] + pb_ref[1]) * 0.1
    h = _ln(x_ref[...] + agg, g1_ref[...], be1_ref[...])
    r = _silu(jnp.dot(h, w3_ref[...],
                      preferred_element_type=jnp.float32) + b3_ref[...])
    r = _silu(jnp.dot(r, w4_ref[...],
                      preferred_element_type=jnp.float32) + b4_ref[...])
    o_ref[...] = _ln(h + r, g2_ref[...], be2_ref[...])


def kernel(scalar_feats, edge_feats, edge_index, W1, b1, W2, b2, W3, b3,
           W4, b4, g1, be1, g2, be2):
    src2d = edge_index[0].reshape(_NBAT, _BATCH)
    dst2d = edge_index[1].reshape(_NBAT, _BATCH)
    efp = edge_feats.reshape(E // 8, 8 * DE)
    w1ab = W1[:D].astype(jnp.bfloat16)
    w1bd = jnp.kron(jnp.eye(8, dtype=W1.dtype), W1[D:]).astype(jnp.bfloat16)
    w2b = W2.astype(jnp.bfloat16)

    zeros = jnp.zeros((N, D), jnp.float32)
    steps = _CE // _BE
    parts = []
    for c in range(_CHUNKS):
        sc_gather, sc_scatter = _sc_kernels(c)
        g = sc_gather(scalar_feats, src2d)
        m = pl.pallas_call(
            _mlp_body,
            grid=(steps,),
            in_specs=[
                pl.BlockSpec((_BE, D), lambda i: (i, 0)),
                pl.BlockSpec((_BE // 8, 8 * DE), lambda i, c=c: (i + c * steps, 0)),
                pl.BlockSpec((D, D), lambda i: (0, 0)),
                pl.BlockSpec((8 * DE, 8 * D), lambda i: (0, 0)),
                pl.BlockSpec((1, D), lambda i: (0, 0)),
                pl.BlockSpec((D, D), lambda i: (0, 0)),
                pl.BlockSpec((1, D), lambda i: (0, 0)),
            ],
            out_specs=pl.BlockSpec((_BE, D), lambda i: (i, 0)),
            out_shape=jax.ShapeDtypeStruct((_CE, D), jnp.float32),
        )(g, efp, w1ab, w1bd, b1.reshape(1, D), w2b, b2.reshape(1, D))
        parts.append(sc_scatter(m, dst2d, zeros))

    out = pl.pallas_call(
        _final_body,
        out_shape=jax.ShapeDtypeStruct((N, D), jnp.float32),
    )(scalar_feats, parts[0], parts[1], W3, b3.reshape(1, D),
      W4, b4.reshape(1, D),
      g1.reshape(1, D), be1.reshape(1, D), g2.reshape(1, D), be2.reshape(1, D))
    return out

# --- scband reference (transcript-rebuilt; emitter-appended) ---
"""Pipeline reference for scband-scalar-gvpconv2-d-87522843558203 (READ-ONLY COPY).

The authoritative reference and input builder live on the scoring server;
editing this copy changes nothing except your own understanding.
"""

import jax, jax.numpy as jnp
import numpy as np

N = 10000
E = 320000
D = 128
DE = 16

def _silu(x):
    return x * jax.nn.sigmoid(x)

def _ln(x, g, b, eps=1e-5):
    mu = jnp.mean(x, axis=-1, keepdims=True)
    var = jnp.var(x, axis=-1, keepdims=True)
    return (x - mu) / jnp.sqrt(var + eps) * g + b

def setup_inputs(seed: int = 0):
    key = jax.random.key(seed)
    ks = jax.random.split(key, 12)
    inp = {}
    inp['scalar_feats'] = jax.random.normal(ks[0], (N, D), dtype=jnp.float32)
    inp['edge_feats'] = jax.random.normal(ks[1], (E, DE), dtype=jnp.float32)
    inp['edge_index'] = jax.random.randint(ks[2], (2, E), 0, N, dtype=jnp.int32)
    inp['W1'] = jax.random.normal(ks[3], (D + DE, D), dtype=jnp.float32) * 0.05
    inp['b1'] = jnp.zeros((D,), dtype=jnp.float32)
    inp['W2'] = jax.random.normal(ks[4], (D, D), dtype=jnp.float32) * 0.05
    inp['b2'] = jnp.zeros((D,), dtype=jnp.float32)
    inp['W3'] = jax.random.normal(ks[5], (D, D), dtype=jnp.float32) * 0.05
    inp['b3'] = jnp.zeros((D,), dtype=jnp.float32)
    inp['W4'] = jax.random.normal(ks[6], (D, D), dtype=jnp.float32) * 0.05
    inp['b4'] = jnp.zeros((D,), dtype=jnp.float32)
    inp['g1'] = jnp.ones((D,), dtype=jnp.float32)
    inp['be1'] = jnp.zeros((D,), dtype=jnp.float32)
    inp['g2'] = jnp.ones((D,), dtype=jnp.float32)
    inp['be2'] = jnp.zeros((D,), dtype=jnp.float32)
    return inp

def reference(scalar_feats, edge_feats, edge_index, W1, b1, W2, b2, W3, b3, W4, b4, g1, be1, g2, be2):
    src = edge_index[0]
    dst = edge_index[1]
    # message: MLP over [src_h, edge_attr]
    m_in = jnp.concatenate([scalar_feats[src], edge_feats], axis=1)
    m = _silu(m_in @ W1 + b1)
    m = _silu(m @ W2 + b2)
    # sum aggregation to destination nodes (fn.sum), then divide by numeric message_norm=10
    agg = jax.ops.segment_sum(m, dst, num_segments=N)
    agg = agg / 10.0
    # residual + layer norm, node update MLP, residual + layer norm
    h = _ln(scalar_feats + agg, g1, be1)
    r = _silu(h @ W3 + b3)
    r = _silu(r @ W4 + b4)
    out = _ln(h + r, g2, be2)
    return out

if __name__ == "__main__":
    import jax
    _d = setup_inputs()
    print(jax.jit(kernel)(*tuple(_d.values())))

</pallas_src>

<mosaic_0001>
#map = affine_map<(d0, d1) -> (0, 0)>
module attributes {stable_mosaic.version = 14 : i64} {
  func.func @_sc_gather_body(%arg0: i32, %arg1: i32, %arg2: memref<10000x128xf32, #tpu.memory_space<hbm>>, %arg3: memref<2500x128xi32, #tpu.memory_space<hbm>>, %arg4: memref<160000x128xf32, #tpu.memory_space<hbm>>, %arg5: memref<3x128xi32, #tpu.memory_space<vmem>>, %arg6: memref<384x128xf32, #tpu.memory_space<vmem>>, %arg7: memref<!tpu.dma_semaphore, #tpu.memory_space<semaphore_mem>>) attributes {dimension_semantics = [#tpu.dimension_semantics<core_parallel>, #tpu.dimension_semantics<subcore_parallel>], iteration_bounds = array<i64: 2, 16>, scalar_prefetch = 0 : i64, scratch_operands = 3 : i64, tpu.core_type = #tpu.core_type<sc_vector_subcore>, window_params = [{transform_indices = #map}, {transform_indices = #map}, {transform_indices = #map}]} {
    %mul3A = arith.constant 2 : i32
    %mul3A_0 = arith.muli %arg1, %mul3A : i32
    %add3A = arith.addi %mul3A_0, %arg0 : i32
    %scan3A = arith.constant 0 : i32
    %scan3A_1 = arith.constant 0 : i32
    %scan3A_2 = arith.constant 13 : i32
    %scan3A_3 = arith.addi %scan3A_1, %scan3A_2 : i32
    %scan3A_4 = arith.constant 1 : i32
    scf.for %scan3A_8 = %scan3A_1 to %scan3A_3 step %scan3A_4  : i32 {
      %mul3A_9 = arith.constant 39 : i32
      %mul3A_10 = arith.muli %add3A, %mul3A_9 : i32
      %add3A_11 = arith.constant 0 : i32
      %add3A_12 = arith.addi %add3A_11, %mul3A_10 : i32
      %mul3A_13 = arith.constant 3 : i32
      %mul3A_14 = arith.muli %scan3A_8, %mul3A_13 : i32
      %add3A_15 = arith.addi %add3A_12, %mul3A_14 : i32
      "tpu.region"() ({
        %run_scoped3A = tpu.sem_alloc : memref<!tpu.dma_semaphore, #tpu.memory_space<semaphore_mem>>
        %dma_start3A_77 = arith.constant 0 : i32
        %dma_start3A_78 = arith.constant 0 : i32
        %dma_start3A_79 = tpu.memref_slice %arg5[%dma_start3A_77, %dma_start3A_78] : memref<3x128xi32, #tpu.memory_space<vmem>> -> memref<3x128xi32, #tpu.memory_space<vmem>>
        %dma_start3A_80 = arith.constant 0 : i32
        %dma_start3A_81 = tpu.memref_slice %arg3[%add3A_15, %dma_start3A_80] : memref<2500x128xi32, #tpu.memory_space<hbm>> -> memref<3x128xi32, #tpu.memory_space<hbm>>
        %dma_start3A_82 = arith.constant 0 : i32
        %dma_start3A_83 = arith.constant 0 : i32
        %dma_start3A_84 = tpu.memref_slice %arg5[%dma_start3A_82, %dma_start3A_83] : memref<3x128xi32, #tpu.memory_space<vmem>> -> memref<3x128xi32, #tpu.memory_space<vmem>>
        %dma_start3A_85 = arith.constant 0 : i32
        %dma_start3A_86 = tpu.memref_slice %arg3[%add3A_15, %dma_start3A_85] : memref<2500x128xi32, #tpu.memory_space<hbm>> -> memref<3x128xi32, #tpu.memory_space<hbm>>
        tpu.enqueue_dma source(%dma_start3A_86 : memref<3x128xi32, #tpu.memory_space<hbm>>) target(%dma_start3A_84 : memref<3x128xi32, #tpu.memory_space<vmem>>) target_semaphore(%run_scoped3A : memref<!tpu.dma_semaphore, #tpu.memory_space<semaphore_mem>>)
        %dma_wait3A_87 = arith.constant 0 : i32
        %dma_wait3A_88 = arith.constant 0 : i32
        %dma_wait3A_89 = tpu.memref_slice %arg5[%dma_wait3A_87, %dma_wait3A_88] : memref<3x128xi32, #tpu.memory_space<vmem>> -> memref<3x128xi32, #tpu.memory_space<vmem>>
        %dma_wait3A_90 = arith.constant 0 : i32
        %dma_wait3A_91 = tpu.memref_slice %arg3[%add3A_15, %dma_wait3A_90] : memref<2500x128xi32, #tpu.memory_space<hbm>> -> memref<3x128xi32, #tpu.memory_space<hbm>>
        %dma_wait3A_92 = arith.constant 0 : i32
        %dma_wait3A_93 = arith.constant 0 : i32
        %dma_wait3A_94 = tpu.memref_slice %arg5[%dma_wait3A_92, %dma_wait3A_93] : memref<3x128xi32, #tpu.memory_space<vmem>> -> memref<3x128xi32, #tpu.memory_space<vmem>>
        %dma_wait3A_95 = arith.constant 0 : i32
        %dma_wait3A_96 = tpu.memref_slice %arg3[%add3A_15, %dma_wait3A_95] : memref<2500x128xi32, #tpu.memory_space<hbm>> -> memref<3x128xi32, #tpu.memory_space<hbm>>
        tpu.wait_dma2 semaphore(%run_scoped3A : memref<!tpu.dma_semaphore, #tpu.memory_space<semaphore_mem>>) src(%dma_wait3A_96 : memref<3x128xi32, #tpu.memory_space<hbm>>) dst(%dma_wait3A_94 : memref<3x128xi32, #tpu.memory_space<vmem>>)
        tpu.yield
      }) : () -> ()
      %dma_start3A = arith.constant 0 : i32
      %dma_start3A_16 = arith.constant 0 : i32
      %dma_start3A_17 = arith.constant 0 : i32
      %dma_start3A_18 = tpu.memref_slice %arg6[%dma_start3A_16, %dma_start3A_17] : memref<384x128xf32, #tpu.memory_space<vmem>> -> memref<128x128xf32, #tpu.memory_space<vmem>>
      %dma_start3A_19 = arith.constant 0 : i32
      %dma_start3A_20 = tpu.memref_slice %arg5[%dma_start3A, %dma_start3A_19] : memref<3x128xi32, #tpu.memory_space<vmem>> -> memref<1x128xi32, #tpu.memory_space<vmem>>
      %dma_start3A_21 = tpu.memref_squeeze %dma_start3A_20 : memref<1x128xi32, #tpu.memory_space<vmem>> -> memref<128xi32, #tpu.memory_space<vmem>>
      %dma_start3A_22 = arith.constant 0 : i32
      %dma_start3A_23 = arith.constant 0 : i32
      %dma_start3A_24 = tpu.memref_slice %arg2[%dma_start3A_22, %dma_start3A_23] : memref<10000x128xf32, #tpu.memory_space<hbm>> -> memref<10000x128xf32, #tpu.memory_space<hbm>>
      tpu.enqueue_indirect_dma source(%dma_start3A_24 : memref<10000x128xf32, #tpu.memory_space<hbm>>) target(%dma_start3A_18 : memref<128x128xf32, #tpu.memory_space<vmem>>) offsets(%dma_start3A_21 : memref<128xi32, #tpu.memory_space<vmem>>) semaphore(%arg7 : memref<!tpu.dma_semaphore, #tpu.memory_space<semaphore_mem>>)
      %dma_start3A_25 = arith.constant 1 : i32
      %dma_start3A_26 = arith.constant 128 : i32
      %dma_start3A_27 = arith.constant 0 : i32
      %dma_start3A_28 = tpu.memref_slice %arg6[%dma_start3A_26, %dma_start3A_27] : memref<384x128xf32, #tpu.memory_space<vmem>> -> memref<128x128xf32, #tpu.memory_space<vmem>>
      %dma_start3A_29 = arith.constant 0 : i32
      %dma_start3A_30 = tpu.memref_slice %arg5[%dma_start3A_25, %dma_start3A_29] : memref<3x128xi32, #tpu.memory_space<vmem>> -> memref<1x128xi32, #tpu.memory_space<vmem>>
      %dma_start3A_31 = tpu.memref_squeeze %dma_start3A_30 : memref<1x128xi32, #tpu.memory_space<vmem>> -> memref<128xi32, #tpu.memory_space<vmem>>
      %dma_start3A_32 = arith.constant 0 : i32
      %dma_start3A_33 = arith.constant 0 : i32
      %dma_start3A_34 = tpu.memref_slice %arg2[%dma_start3A_32, %dma_start3A_33] : memref<10000x128xf32, #tpu.memory_space<hbm>> -> memref<10000x128xf32, #tpu.memory_space<hbm>>
      tpu.enqueue_indirect_dma source(%dma_start3A_34 : memref<10000x128xf32, #tpu.memory_space<hbm>>) target(%dma_start3A_28 : memref<128x128xf32, #tpu.memory_space<vmem>>) offsets(%dma_start3A_31 : memref<128xi32, #tpu.memory_space<vmem>>) semaphore(%arg7 : memref<!tpu.dma_semaphore, #tpu.memory_space<semaphore_mem>>)
      %dma_start3A_35 = arith.constant 2 : i32
      %dma_start3A_36 = arith.constant 256 : i32
      %dma_start3A_37 = arith.constant 0 : i32
      %dma_start3A_38 = tpu.memref_slice %arg6[%dma_start3A_36, %dma_start3A_37] : memref<384x128xf32, #tpu.memory_space<vmem>> -> memref<128x128xf32, #tpu.memory_space<vmem>>
      %dma_start3A_39 = arith.constant 0 : i32
      %dma_start3A_40 = tpu.memref_slice %arg5[%dma_start3A_35, %dma_start3A_39] : memref<3x128xi32, #tpu.memory_space<vmem>> -> memref<1x128xi32, #tpu.memory_space<vmem>>
      %dma_start3A_41 = tpu.memref_squeeze %dma_start3A_40 : memref<1x128xi32, #tpu.memory_space<vmem>> -> memref<128xi32, #tpu.memory_space<vmem>>
      %dma_start3A_42 = arith.constant 0 : i32
      %dma_start3A_43 = arith.constant 0 : i32
      %dma_start3A_44 = tpu.memref_slice %arg2[%dma_start3A_42, %dma_start3A_43] : memref<10000x128xf32, #tpu.memory_space<hbm>> -> memref<10000x128xf32, #tpu.memory_space<hbm>>
      tpu.enqueue_indirect_dma source(%dma_start3A_44 : memref<10000x128xf32, #tpu.memory_space<hbm>>) target(%dma_start3A_38 : memref<128x128xf32, #tpu.memory_space<vmem>>) offsets(%dma_start3A_41 : memref<128xi32, #tpu.memory_space<vmem>>) semaphore(%arg7 : memref<!tpu.dma_semaphore, #tpu.memory_space<semaphore_mem>>)
      %dma_wait3A = arith.constant 0 : i32
      %dma_wait3A_45 = arith.constant 0 : i32
      %dma_wait3A_46 = arith.constant 0 : i32
      %dma_wait3A_47 = tpu.memref_slice %arg6[%dma_wait3A_45, %dma_wait3A_46] : memref<384x128xf32, #tpu.memory_space<vmem>> -> memref<128x128xf32, #tpu.memory_space<vmem>>
      %dma_wait3A_48 = arith.constant 0 : i32
      %dma_wait3A_49 = tpu.memref_slice %arg5[%dma_wait3A, %dma_wait3A_48] : memref<3x128xi32, #tpu.memory_space<vmem>> -> memref<1x128xi32, #tpu.memory_space<vmem>>
      %dma_wait3A_50 = tpu.memref_squeeze %dma_wait3A_49 : memref<1x128xi32, #tpu.memory_space<vmem>> -> memref<128xi32, #tpu.memory_space<vmem>>
      %dma_wait3A_51 = arith.constant 0 : i32
      %dma_wait3A_52 = arith.constant 0 : i32
      %dma_wait3A_53 = tpu.memref_slice %arg2[%dma_wait3A_51, %dma_wait3A_52] : memref<10000x128xf32, #tpu.memory_space<hbm>> -> memref<10000x128xf32, #tpu.memory_space<hbm>>
      tpu.wait_indirect_dma semaphore(%arg7 : memref<!tpu.dma_semaphore, #tpu.memory_space<semaphore_mem>>) src(%dma_wait3A_53 : memref<10000x128xf32, #tpu.memory_space<hbm>>) dst(%dma_wait3A_47 : memref<128x128xf32, #tpu.memory_space<vmem>>)
      %dma_wait3A_54 = arith.constant 1 : i32
      %dma_wait3A_55 = arith.constant 128 : i32
      %dma_wait3A_56 = arith.constant 0 : i32
      %dma_wait3A_57 = tpu.memref_slice %arg6[%dma_wait3A_55, %dma_wait3A_56] : memref<384x128xf32, #tpu.memory_space<vmem>> -> memref<128x128xf32, #tpu.memory_space<vmem>>
      %dma_wait3A_58 = arith.constant 0 : i32
      %dma_wait3A_59 = tpu.memref_slice %arg5[%dma_wait3A_54, %dma_wait3A_58] : memref<3x128xi32, #tpu.memory_space<vmem>> -> memref<1x128xi32, #tpu.memory_space<vmem>>
      %dma_wait3A_60 = tpu.memref_squeeze %dma_wait3A_59 : memref<1x128xi32, #tpu.memory_space<vmem>> -> memref<128xi32, #tpu.memory_space<vmem>>
      %dma_wait3A_61 = arith.constant 0 : i32
      %dma_wait3A_62 = arith.constant 0 : i32
      %dma_wait3A_63 = tpu.memref_slice %arg2[%dma_wait3A_61, %dma_wait3A_62] : memref<10000x128xf32, #tpu.memory_space<hbm>> -> memref<10000x128xf32, #tpu.memory_space<hbm>>
      tpu.wait_indirect_dma semaphore(%arg7 : memref<!tpu.dma_semaphore, #tpu.memory_space<semaphore_mem>>) src(%dma_wait3A_63 : memref<10000x128xf32, #tpu.memory_space<hbm>>) dst(%dma_wait3A_57 : memref<128x128xf32, #tpu.memory_space<vmem>>)
      %dma_wait3A_64 = arith.constant 2 : i32
      %dma_wait3A_65 = arith.constant 256 : i32
      %dma_wait3A_66 = arith.constant 0 : i32
      %dma_wait3A_67 = tpu.memref_slice %arg6[%dma_wait3A_65, %dma_wait3A_66] : memref<384x128xf32, #tpu.memory_space<vmem>> -> memref<128x128xf32, #tpu.memory_space<vmem>>
      %dma_wait3A_68 = arith.constant 0 : i32
      %dma_wait3A_69 = tpu.memref_slice %arg5[%dma_wait3A_64, %dma_wait3A_68] : memref<3x128xi32, #tpu.memory_space<vmem>> -> memref<1x128xi32, #tpu.memory_space<vmem>>
      %dma_wait3A_70 = tpu.memref_squeeze %dma_wait3A_69 : memref<1x128xi32, #tpu.memory_space<vmem>> -> memref<128xi32, #tpu.memory_space<vmem>>
      %dma_wait3A_71 = arith.constant 0 : i32
      %dma_wait3A_72 = arith.constant 0 : i32
      %dma_wait3A_73 = tpu.memref_slice %arg2[%dma_wait3A_71, %dma_wait3A_72] : memref<10000x128xf32, #tpu.memory_space<hbm>> -> memref<10000x128xf32, #tpu.memory_space<hbm>>
      tpu.wait_indirect_dma semaphore(%arg7 : memref<!tpu.dma_semaphore, #tpu.memory_space<semaphore_mem>>) src(%dma_wait3A_73 : memref<10000x128xf32, #tpu.memory_space<hbm>>) dst(%dma_wait3A_67 : memref<128x128xf32, #tpu.memory_space<vmem>>)
      %sub3A = arith.constant 0 : i32
      %sub3A_74 = arith.subi %add3A_15, %sub3A : i32
      %mul3A_75 = arith.constant 128 : i32
      %mul3A_76 = arith.muli %sub3A_74, %mul3A_75 : i32
      "tpu.region"() ({
        %run_scoped3A = tpu.sem_alloc : memref<!tpu.dma_semaphore, #tpu.memory_space<semaphore_mem>>
        %dma_start3A_77 = arith.constant 0 : i32
        %dma_start3A_78 = arith.constant 0 : i32
        %dma_start3A_79 = tpu.memref_slice %arg6[%dma_start3A_77, %dma_start3A_78] : memref<384x128xf32, #tpu.memory_space<vmem>> -> memref<384x128xf32, #tpu.memory_space<vmem>>
        %dma_start3A_80 = arith.constant 0 : i32
        %dma_start3A_81 = tpu.memref_slice %arg4[%mul3A_76, %dma_start3A_80] : memref<160000x128xf32, #tpu.memory_space<hbm>> -> memref<384x128xf32, #tpu.memory_space<hbm>>
        %dma_start3A_82 = arith.constant 0 : i32
        %dma_start3A_83 = tpu.memref_slice %arg4[%mul3A_76, %dma_start3A_82] : memref<160000x128xf32, #tpu.memory_space<hbm>> -> memref<384x128xf32, #tpu.memory_space<hbm>>
        %dma_start3A_84 = arith.constant 0 : i32
        %dma_start3A_85 = arith.constant 0 : i32
        %dma_start3A_86 = tpu.memref_slice %arg6[%dma_start3A_84, %dma_start3A_85] : memref<384x128xf32, #tpu.memory_space<vmem>> -> memref<384x128xf32, #tpu.memory_space<vmem>>
        tpu.enqueue_dma source(%dma_start3A_86 : memref<384x128xf32, #tpu.memory_space<vmem>>) target(%dma_start3A_83 : memref<384x128xf32, #tpu.memory_space<hbm>>) target_semaphore(%run_scoped3A : memref<!tpu.dma_semaphore, #tpu.memory_space<semaphore_mem>>)
        %dma_wait3A_87 = arith.constant 0 : i32
        %dma_wait3A_88 = arith.constant 0 : i32
        %dma_wait3A_89 = tpu.memref_slice %arg6[%dma_wait3A_87, %dma_wait3A_88] : memref<384x128xf32, #tpu.memory_space<vmem>> -> memref<384x128xf32, #tpu.memory_space<vmem>>
        %dma_wait3A_90 = arith.constant 0 : i32
        %dma_wait3A_91 = tpu.memref_slice %arg4[%mul3A_76, %dma_wait3A_90] : memref<160000x128xf32, #tpu.memory_space<hbm>> -> memref<384x128xf32, #tpu.memory_space<hbm>>
        %dma_wait3A_92 = arith.constant 0 : i32
        %dma_wait3A_93 = tpu.memref_slice %arg4[%mul3A_76, %dma_wait3A_92] : memref<160000x128xf32, #tpu.memory_space<hbm>> -> memref<384x128xf32, #tpu.memory_space<hbm>>
        %dma_wait3A_94 = arith.constant 0 : i32
        %dma_wait3A_95 = arith.constant 0 : i32
        %dma_wait3A_96 = tpu.memref_slice %arg6[%dma_wait3A_94, %dma_wait3A_95] : memref<384x128xf32, #tpu.memory_space<vmem>> -> memref<384x128xf32, #tpu.memory_space<vmem>>
        tpu.wait_dma2 semaphore(%run_scoped3A : memref<!tpu.dma_semaphore, #tpu.memory_space<semaphore_mem>>) src(%dma_wait3A_96 : memref<384x128xf32, #tpu.memory_space<vmem>>) dst(%dma_wait3A_93 : memref<384x128xf32, #tpu.memory_space<hbm>>)
        tpu.yield
      }) : () -> ()
    }
    %scan3A_5 = arith.constant 13 : i32
    %lt3A = arith.constant 2 : i32
    %lt3A_6 = arith.cmpi slt, %add3A, %lt3A : i32
    %convert_element_type3A = arith.extui %lt3A_6 : i1 to i32
    %cond3A = arith.constant 0 : i32
    %cond3A_7 = arith.cmpi ne, %convert_element_type3A, %cond3A : i32
    scf.if %cond3A_7 {
      %add3A_8 = arith.constant 1248 : i32
      %add3A_9 = arith.addi %add3A_8, %add3A : i32
      "tpu.region"() ({
        %run_scoped3A = tpu.sem_alloc : memref<!tpu.dma_semaphore, #tpu.memory_space<semaphore_mem>>
        %dma_start3A_31 = arith.constant 0 : i32
        %dma_start3A_32 = arith.constant 0 : i32
        %dma_start3A_33 = tpu.memref_slice %arg5[%dma_start3A_31, %dma_start3A_32] : memref<3x128xi32, #tpu.memory_space<vmem>> -> memref<1x128xi32, #tpu.memory_space<vmem>>
        %dma_start3A_34 = arith.constant 0 : i32
        %dma_start3A_35 = tpu.memref_slice %arg3[%add3A_9, %dma_start3A_34] : memref<2500x128xi32, #tpu.memory_space<hbm>> -> memref<1x128xi32, #tpu.memory_space<hbm>>
        %dma_start3A_36 = arith.constant 0 : i32
        %dma_start3A_37 = arith.constant 0 : i32
        %dma_start3A_38 = tpu.memref_slice %arg5[%dma_start3A_36, %dma_start3A_37] : memref<3x128xi32, #tpu.memory_space<vmem>> -> memref<1x128xi32, #tpu.memory_space<vmem>>
        %dma_start3A_39 = arith.constant 0 : i32
        %dma_start3A_40 = tpu.memref_slice %arg3[%add3A_9, %dma_start3A_39] : memref<2500x128xi32, #tpu.memory_space<hbm>> -> memref<1x128xi32, #tpu.memory_space<hbm>>
        tpu.enqueue_dma source(%dma_start3A_40 : memref<1x128xi32, #tpu.memory_space<hbm>>) target(%dma_start3A_38 : memref<1x128xi32, #tpu.memory_space<vmem>>) target_semaphore(%run_scoped3A : memref<!tpu.dma_semaphore, #tpu.memory_space<semaphore_mem>>)
        %dma_wait3A_41 = arith.constant 0 : i32
        %dma_wait3A_42 = arith.constant 0 : i32
        %dma_wait3A_43 = tpu.memref_slice %arg5[%dma_wait3A_41, %dma_wait3A_42] : memref<3x128xi32, #tpu.memory_space<vmem>> -> memref<1x128xi32, #tpu.memory_space<vmem>>
        %dma_wait3A_44 = arith.constant 0 : i32
        %dma_wait3A_45 = tpu.memref_slice %arg3[%add3A_9, %dma_wait3A_44] : memref<2500x128xi32, #tpu.memory_space<hbm>> -> memref<1x128xi32, #tpu.memory_space<hbm>>
        %dma_wait3A_46 = arith.constant 0 : i32
        %dma_wait3A_47 = arith.constant 0 : i32
        %dma_wait3A_48 = tpu.memref_slice %arg5[%dma_wait3A_46, %dma_wait3A_47] : memref<3x128xi32, #tpu.memory_space<vmem>> -> memref<1x128xi32, #tpu.memory_space<vmem>>
        %dma_wait3A_49 = arith.constant 0 : i32
        %dma_wait3A_50 = tpu.memref_slice %arg3[%add3A_9, %dma_wait3A_49] : memref<2500x128xi32, #tpu.memory_space<hbm>> -> memref<1x128xi32, #tpu.memory_space<hbm>>
        tpu.wait_dma2 semaphore(%run_scoped3A : memref<!tpu.dma_semaphore, #tpu.memory_space<semaphore_mem>>) src(%dma_wait3A_50 : memref<1x128xi32, #tpu.memory_space<hbm>>) dst(%dma_wait3A_48 : memref<1x128xi32, #tpu.memory_space<vmem>>)
        tpu.yield
      }) : () -> ()
      %dma_start3A = arith.constant 0 : i32
      %dma_start3A_10 = arith.constant 0 : i32
      %dma_start3A_11 = arith.constant 0 : i32
      %dma_start3A_12 = tpu.memref_slice %arg6[%dma_start3A_10, %dma_start3A_11] : memref<384x128xf32, #tpu.memory_space<vmem>> -> memref<128x128xf32, #tpu.memory_space<vmem>>
      %dma_start3A_13 = arith.constant 0 : i32
      %dma_start3A_14 = tpu.memref_slice %arg5[%dma_start3A, %dma_start3A_13] : memref<3x128xi32, #tpu.memory_space<vmem>> -> memref<1x128xi32, #tpu.memory_space<vmem>>
      %dma_start3A_15 = tpu.memref_squeeze %dma_start3A_14 : memref<1x128xi32, #tpu.memory_space<vmem>> -> memref<128xi32, #tpu.memory_space<vmem>>
      %dma_start3A_16 = arith.constant 0 : i32
      %dma_start3A_17 = arith.constant 0 : i32
      %dma_start3A_18 = tpu.memref_slice %arg2[%dma_start3A_16, %dma_start3A_17] : memref<10000x128xf32, #tpu.memory_space<hbm>> -> memref<10000x128xf32, #tpu.memory_space<hbm>>
      tpu.enqueue_indirect_dma source(%dma_start3A_18 : memref<10000x128xf32, #tpu.memory_space<hbm>>) target(%dma_start3A_12 : memref<128x128xf32, #tpu.memory_space<vmem>>) offsets(%dma_start3A_15 : memref<128xi32, #tpu.memory_space<vmem>>) semaphore(%arg7 : memref<!tpu.dma_semaphore, #tpu.memory_space<semaphore_mem>>)
      %dma_wait3A = arith.constant 0 : i32
      %dma_wait3A_19 = arith.constant 0 : i32
      %dma_wait3A_20 = arith.constant 0 : i32
      %dma_wait3A_21 = tpu.memref_slice %arg6[%dma_wait3A_19, %dma_wait3A_20] : memref<384x128xf32, #tpu.memory_space<vmem>> -> memref<128x128xf32, #tpu.memory_space<vmem>>
      %dma_wait3A_22 = arith.constant 0 : i32
      %dma_wait3A_23 = tpu.memref_slice %arg5[%dma_wait3A, %dma_wait3A_22] : memref<3x128xi32, #tpu.memory_space<vmem>> -> memref<1x128xi32, #tpu.memory_space<vmem>>
      %dma_wait3A_24 = tpu.memref_squeeze %dma_wait3A_23 : memref<1x128xi32, #tpu.memory_space<vmem>> -> memref<128xi32, #tpu.memory_space<vmem>>
      %dma_wait3A_25 = arith.constant 0 : i32
      %dma_wait3A_26 = arith.constant 0 : i32
      %dma_wait3A_27 = tpu.memref_slice %arg2[%dma_wait3A_25, %dma_wait3A_26] : memref<10000x128xf32, #tpu.memory_space<hbm>> -> memref<10000x128xf32, #tpu.memory_space<hbm>>
      tpu.wait_indirect_dma semaphore(%arg7 : memref<!tpu.dma_semaphore, #tpu.memory_space<semaphore_mem>>) src(%dma_wait3A_27 : memref<10000x128xf32, #tpu.memory_space<hbm>>) dst(%dma_wait3A_21 : memref<128x128xf32, #tpu.memory_space<vmem>>)
      %sub3A = arith.constant 0 : i32
      %sub3A_28 = arith.subi %add3A_9, %sub3A : i32
      %mul3A_29 = arith.constant 128 : i32
      %mul3A_30 = arith.muli %sub3A_28, %mul3A_29 : i32
      "tpu.region"() ({
        %run_scoped3A = tpu.sem_alloc : memref<!tpu.dma_semaphore, #tpu.memory_space<semaphore_mem>>
        %dma_start3A_31 = arith.constant 0 : i32
        %dma_start3A_32 = arith.constant 0 : i32
        %dma_start3A_33 = tpu.memref_slice %arg6[%dma_start3A_31, %dma_start3A_32] : memref<384x128xf32, #tpu.memory_space<vmem>> -> memref<128x128xf32, #tpu.memory_space<vmem>>
        %dma_start3A_34 = arith.constant 0 : i32
        %dma_start3A_35 = tpu.memref_slice %arg4[%mul3A_30, %dma_start3A_34] : memref<160000x128xf32, #tpu.memory_space<hbm>> -> memref<128x128xf32, #tpu.memory_space<hbm>>
        %dma_start3A_36 = arith.constant 0 : i32
        %dma_start3A_37 = tpu.memref_slice %arg4[%mul3A_30, %dma_start3A_36] : memref<160000x128xf32, #tpu.memory_space<hbm>> -> memref<128x128xf32, #tpu.memory_space<hbm>>
        %dma_start3A_38 = arith.constant 0 : i32
        %dma_start3A_39 = arith.constant 0 : i32
        %dma_start3A_40 = tpu.memref_slice %arg6[%dma_start3A_38, %dma_start3A_39] : memref<384x128xf32, #tpu.memory_space<vmem>> -> memref<128x128xf32, #tpu.memory_space<vmem>>
        tpu.enqueue_dma source(%dma_start3A_40 : memref<128x128xf32, #tpu.memory_space<vmem>>) target(%dma_start3A_37 : memref<128x128xf32, #tpu.memory_space<hbm>>) target_semaphore(%run_scoped3A : memref<!tpu.dma_semaphore, #tpu.memory_space<semaphore_mem>>)
        %dma_wait3A_41 = arith.constant 0 : i32
        %dma_wait3A_42 = arith.constant 0 : i32
        %dma_wait3A_43 = tpu.memref_slice %arg6[%dma_wait3A_41, %dma_wait3A_42] : memref<384x128xf32, #tpu.memory_space<vmem>> -> memref<128x128xf32, #tpu.memory_space<vmem>>
        %dma_wait3A_44 = arith.constant 0 : i32
        %dma_wait3A_45 = tpu.memref_slice %arg4[%mul3A_30, %dma_wait3A_44] : memref<160000x128xf32, #tpu.memory_space<hbm>> -> memref<128x128xf32, #tpu.memory_space<hbm>>
        %dma_wait3A_46 = arith.constant 0 : i32
        %dma_wait3A_47 = tpu.memref_slice %arg4[%mul3A_30, %dma_wait3A_46] : memref<160000x128xf32, #tpu.memory_space<hbm>> -> memref<128x128xf32, #tpu.memory_space<hbm>>
        %dma_wait3A_48 = arith.constant 0 : i32
        %dma_wait3A_49 = arith.constant 0 : i32
        %dma_wait3A_50 = tpu.memref_slice %arg6[%dma_wait3A_48, %dma_wait3A_49] : memref<384x128xf32, #tpu.memory_space<vmem>> -> memref<128x128xf32, #tpu.memory_space<vmem>>
        tpu.wait_dma2 semaphore(%run_scoped3A : memref<!tpu.dma_semaphore, #tpu.memory_space<semaphore_mem>>) src(%dma_wait3A_50 : memref<128x128xf32, #tpu.memory_space<vmem>>) dst(%dma_wait3A_47 : memref<128x128xf32, #tpu.memory_space<hbm>>)
        tpu.yield
      }) : () -> ()
    } else {
    }
    return
  }
}

#map = affine_map<(d0, d1) -> (0, 0)>
#map1 = affine_map<(d0, d1) -> (0, 0, 0)>
module attributes {stable_mosaic.version = 14 : i64} {
  func.func @_sc_scatter_body(%arg0: i32, %arg1: i32, %arg2: memref<160000x128xf32, #tpu.memory_space<hbm>>, %arg3: memref<2500x128xi32, #tpu.memory_space<hbm>>, %arg4: memref<10000x128xf32, #tpu.memory_space<hbm>>, %arg5: memref<2x10000x128xf32, #tpu.memory_space<hbm>>, %arg6: memref<2x128xi32, #tpu.memory_space<vmem>>, %arg7: memref<128x128xf32, #tpu.memory_space<vmem>>, %arg8: memref<128x128xf32, #tpu.memory_space<vmem>>, %arg9: memref<10000x128xf32, #tpu.memory_space<vmem_shared>>, %arg10: memref<!tpu.dma_semaphore, #tpu.memory_space<semaphore_mem>>, %arg11: memref<!tpu.dma_semaphore, #tpu.memory_space<semaphore_mem>>) attributes {dimension_semantics = [#tpu.dimension_semantics<core_parallel>, #tpu.dimension_semantics<subcore_parallel>], iteration_bounds = array<i64: 2, 16>, scalar_prefetch = 0 : i64, scratch_operands = 6 : i64, tpu.core_type = #tpu.core_type<sc_vector_subcore>, window_params = [{transform_indices = #map}, {transform_indices = #map}, {transform_indices = #map}, {transform_indices = #map1}]} {
    %mul3A = arith.constant 2 : i32
    %mul3A_0 = arith.muli %arg1, %mul3A : i32
    %add3A = arith.addi %mul3A_0, %arg0 : i32
    %mul3A_1 = arith.constant 625 : i32
    %mul3A_2 = arith.muli %arg1, %mul3A_1 : i32
    %mul3A_3 = arith.constant 625 : i32
    %mul3A_4 = arith.muli %arg1, %mul3A_3 : i32
    "tpu.region"() ({
      %run_scoped3A_26 = tpu.sem_alloc : memref<!tpu.dma_semaphore, #tpu.memory_space<semaphore_mem>>
      %dma_start3A = arith.constant 0 : i32
      %dma_start3A_27 = tpu.memref_slice %arg9[%mul3A_4, %dma_start3A] : memref<10000x128xf32, #tpu.memory_space<vmem_shared>> -> memref<625x128xf32, #tpu.memory_space<vmem_shared>>
      %dma_start3A_28 = arith.constant 0 : i32
      %dma_start3A_29 = tpu.memref_slice %arg4[%mul3A_2, %dma_start3A_28] : memref<10000x128xf32, #tpu.memory_space<hbm>> -> memref<625x128xf32, #tpu.memory_space<hbm>>
      tpu.enqueue_dma source(%dma_start3A_29 : memref<625x128xf32, #tpu.memory_space<hbm>>) target(%dma_start3A_27 : memref<625x128xf32, #tpu.memory_space<vmem_shared>>) target_semaphore(%run_scoped3A_26 : memref<!tpu.dma_semaphore, #tpu.memory_space<semaphore_mem>>)
      %dma_wait3A = arith.constant 0 : i32
      %dma_wait3A_30 = tpu.memref_slice %arg9[%mul3A_4, %dma_wait3A] : memref<10000x128xf32, #tpu.memory_space<vmem_shared>> -> memref<625x128xf32, #tpu.memory_space<vmem_shared>>
      %dma_wait3A_31 = arith.constant 0 : i32
      %dma_wait3A_32 = tpu.memref_slice %arg4[%mul3A_2, %dma_wait3A_31] : memref<10000x128xf32, #tpu.memory_space<hbm>> -> memref<625x128xf32, #tpu.memory_space<hbm>>
      tpu.wait_dma2 semaphore(%run_scoped3A_26 : memref<!tpu.dma_semaphore, #tpu.memory_space<semaphore_mem>>) src(%dma_wait3A_32 : memref<625x128xf32, #tpu.memory_space<hbm>>) dst(%dma_wait3A_30 : memref<625x128xf32, #tpu.memory_space<vmem_shared>>)
      tpu.yield
    }) : () -> ()
    %barrier3A = arith.constant 0 : index
    tpu.barrier barrier_id(%barrier3A)
    %scan3A = arith.constant 0 : i32
    %scan3A_5 = arith.constant 0 : i32
    %scan3A_6 = arith.constant 19 : i32
    %scan3A_7 = arith.addi %scan3A_5, %scan3A_6 : i32
    %scan3A_8 = arith.constant 1 : i32
    scf.for %scan3A_26 = %scan3A_5 to %scan3A_7 step %scan3A_8  : i32 {
      %mul3A_27 = arith.constant 39 : i32
      %mul3A_28 = arith.muli %add3A, %mul3A_27 : i32
      %add3A_29 = arith.constant 1250 : i32
      %add3A_30 = arith.addi %add3A_29, %mul3A_28 : i32
      %mul3A_31 = arith.constant 2 : i32
      %mul3A_32 = arith.muli %scan3A_26, %mul3A_31 : i32
      %add3A_33 = arith.addi %add3A_30, %mul3A_32 : i32
      "tpu.region"() ({
        %run_scoped3A_86 = tpu.sem_alloc : memref<!tpu.dma_semaphore, #tpu.memory_space<semaphore_mem>>
        %dma_start3A_87 = arith.constant 0 : i32
        %dma_start3A_88 = tpu.memref_slice %arg3[%add3A_33, %dma_start3A_87] : memref<2500x128xi32, #tpu.memory_space<hbm>> -> memref<2x128xi32, #tpu.memory_space<hbm>>
        %dma_start3A_89 = arith.constant 0 : i32
        %dma_start3A_90 = tpu.memref_slice %arg3[%add3A_33, %dma_start3A_89] : memref<2500x128xi32, #tpu.memory_space<hbm>> -> memref<2x128xi32, #tpu.memory_space<hbm>>
        tpu.enqueue_dma source(%dma_start3A_90 : memref<2x128xi32, #tpu.memory_space<hbm>>) target(%arg6 : memref<2x128xi32, #tpu.memory_space<vmem>>) target_semaphore(%run_scoped3A_86 : memref<!tpu.dma_semaphore, #tpu.memory_space<semaphore_mem>>)
        %dma_wait3A_91 = arith.constant 0 : i32
        %dma_wait3A_92 = tpu.memref_slice %arg3[%add3A_33, %dma_wait3A_91] : memref<2500x128xi32, #tpu.memory_space<hbm>> -> memref<2x128xi32, #tpu.memory_space<hbm>>
        %dma_wait3A_93 = arith.constant 0 : i32
        %dma_wait3A_94 = tpu.memref_slice %arg3[%add3A_33, %dma_wait3A_93] : memref<2500x128xi32, #tpu.memory_space<hbm>> -> memref<2x128xi32, #tpu.memory_space<hbm>>
        tpu.wait_dma2 semaphore(%run_scoped3A_86 : memref<!tpu.dma_semaphore, #tpu.memory_space<semaphore_mem>>) src(%dma_wait3A_94 : memref<2x128xi32, #tpu.memory_space<hbm>>) dst(%arg6 : memref<2x128xi32, #tpu.memory_space<vmem>>)
        tpu.yield
      }) : () -> ()
      %sub3A_34 = arith.constant 1250 : i32
      %sub3A_35 = arith.subi %add3A_33, %sub3A_34 : i32
      %mul3A_36 = arith.constant 128 : i32
      %mul3A_37 = arith.muli %sub3A_35, %mul3A_36 : i32
      %dma_start3A = arith.constant 0 : i32
      %dma_start3A_38 = tpu.memref_slice %arg2[%mul3A_37, %dma_start3A] : memref<160000x128xf32, #tpu.memory_space<hbm>> -> memref<128x128xf32, #tpu.memory_space<hbm>>
      %dma_start3A_39 = arith.constant 0 : i32
      %dma_start3A_40 = tpu.memref_slice %arg2[%mul3A_37, %dma_start3A_39] : memref<160000x128xf32, #tpu.memory_space<hbm>> -> memref<128x128xf32, #tpu.memory_space<hbm>>
      tpu.enqueue_dma source(%dma_start3A_40 : memref<128x128xf32, #tpu.memory_space<hbm>>) target(%arg7 : memref<128x128xf32, #tpu.memory_space<vmem>>) target_semaphore(%arg10 : memref<!tpu.dma_semaphore, #tpu.memory_space<semaphore_mem>>)
      %sub3A_41 = arith.constant 1250 : i32
      %sub3A_42 = arith.subi %add3A_33, %sub3A_41 : i32
      %add3A_43 = arith.constant 1 : i32
      %add3A_44 = arith.addi %sub3A_42, %add3A_43 : i32
      %mul3A_45 = arith.constant 128 : i32
      %mul3A_46 = arith.muli %add3A_44, %mul3A_45 : i32
      %dma_start3A_47 = arith.constant 0 : i32
      %dma_start3A_48 = tpu.memref_slice %arg2[%mul3A_46, %dma_start3A_47] : memref<160000x128xf32, #tpu.memory_space<hbm>> -> memref<128x128xf32, #tpu.memory_space<hbm>>
      %dma_start3A_49 = arith.constant 0 : i32
      %dma_start3A_50 = tpu.memref_slice %arg2[%mul3A_46, %dma_start3A_49] : memref<160000x128xf32, #tpu.memory_space<hbm>> -> memref<128x128xf32, #tpu.memory_space<hbm>>
      tpu.enqueue_dma source(%dma_start3A_50 : memref<128x128xf32, #tpu.memory_space<hbm>>) target(%arg8 : memref<128x128xf32, #tpu.memory_space<vmem>>) target_semaphore(%arg10 : memref<!tpu.dma_semaphore, #tpu.memory_space<semaphore_mem>>)
      %dma_wait3A = arith.constant 0 : i32
      %dma_wait3A_51 = tpu.memref_slice %arg2[%mul3A_37, %dma_wait3A] : memref<160000x128xf32, #tpu.memory_space<hbm>> -> memref<128x128xf32, #tpu.memory_space<hbm>>
      %dma_wait3A_52 = arith.constant 0 : i32
      %dma_wait3A_53 = tpu.memref_slice %arg2[%mul3A_37, %dma_wait3A_52] : memref<160000x128xf32, #tpu.memory_space<hbm>> -> memref<128x128xf32, #tpu.memory_space<hbm>>
      tpu.wait_dma2 semaphore(%arg10 : memref<!tpu.dma_semaphore, #tpu.memory_space<semaphore_mem>>) src(%dma_wait3A_53 : memref<128x128xf32, #tpu.memory_space<hbm>>) dst(%arg7 : memref<128x128xf32, #tpu.memory_space<vmem>>)
      %dma_start3A_54 = arith.constant 0 : i32
      %dma_start3A_55 = arith.constant 0 : i32
      %dma_start3A_56 = tpu.memref_slice %arg6[%dma_start3A_54, %dma_start3A_55] : memref<2x128xi32, #tpu.memory_space<vmem>> -> memref<1x128xi32, #tpu.memory_space<vmem>>
      %dma_start3A_57 = tpu.memref_squeeze %dma_start3A_56 : memref<1x128xi32, #tpu.memory_space<vmem>> -> memref<128xi32, #tpu.memory_space<vmem>>
      %dma_start3A_58 = arith.constant 0 : i32
      %dma_start3A_59 = arith.constant 0 : i32
      %dma_start3A_60 = tpu.memref_slice %arg9[%dma_start3A_58, %dma_start3A_59] : memref<10000x128xf32, #tpu.memory_space<vmem_shared>> -> memref<10000x128xf32, #tpu.memory_space<vmem_shared>>
      tpu.enqueue_indirect_dma source(%arg7 : memref<128x128xf32, #tpu.memory_space<vmem>>) target(%dma_start3A_60 : memref<10000x128xf32, #tpu.memory_space<vmem_shared>>) offsets(%dma_start3A_57 : memref<128xi32, #tpu.memory_space<vmem>>) semaphore(%arg11 : memref<!tpu.dma_semaphore, #tpu.memory_space<semaphore_mem>>) {add = true}
      %dma_wait3A_61 = arith.constant 0 : i32
      %dma_wait3A_62 = tpu.memref_slice %arg2[%mul3A_46, %dma_wait3A_61] : memref<160000x128xf32, #tpu.memory_space<hbm>> -> memref<128x128xf32, #tpu.memory_space<hbm>>
      %dma_wait3A_63 = arith.constant 0 : i32
      %dma_wait3A_64 = tpu.memref_slice %arg2[%mul3A_46, %dma_wait3A_63] : memref<160000x128xf32, #tpu.memory_space<hbm>> -> memref<128x128xf32, #tpu.memory_space<hbm>>
      tpu.wait_dma2 semaphore(%arg10 : memref<!tpu.dma_semaphore, #tpu.memory_space<semaphore_mem>>) src(%dma_wait3A_64 : memref<128x128xf32, #tpu.memory_space<hbm>>) dst(%arg8 : memref<128x128xf32, #tpu.memory_space<vmem>>)
      %dma_start3A_65 = arith.constant 1 : i32
      %dma_start3A_66 = arith.constant 0 : i32
      %dma_start3A_67 = tpu.memref_slice %arg6[%dma_start3A_65, %dma_start3A_66] : memref<2x128xi32, #tpu.memory_space<vmem>> -> memref<1x128xi32, #tpu.memory_space<vmem>>
      %dma_start3A_68 = tpu.memref_squeeze %dma_start3A_67 : memref<1x128xi32, #tpu.memory_space<vmem>> -> memref<128xi32, #tpu.memory_space<vmem>>
      %dma_start3A_69 = arith.constant 0 : i32
      %dma_start3A_70 = arith.constant 0 : i32
      %dma_start3A_71 = tpu.memref_slice %arg9[%dma_start3A_69, %dma_start3A_70] : memref<10000x128xf32, #tpu.memory_space<vmem_shared>> -> memref<10000x128xf32, #tpu.memory_space<vmem_shared>>
      tpu.enqueue_indirect_dma source(%arg8 : memref<128x128xf32, #tpu.memory_space<vmem>>) target(%dma_start3A_71 : memref<10000x128xf32, #tpu.memory_space<vmem_shared>>) offsets(%dma_start3A_68 : memref<128xi32, #tpu.memory_space<vmem>>) semaphore(%arg11 : memref<!tpu.dma_semaphore, #tpu.memory_space<semaphore_mem>>) {add = true}
      %dma_wait3A_72 = arith.constant 0 : i32
      %dma_wait3A_73 = arith.constant 0 : i32
      %dma_wait3A_74 = tpu.memref_slice %arg6[%dma_wait3A_72, %dma_wait3A_73] : memref<2x128xi32, #tpu.memory_space<vmem>> -> memref<1x128xi32, #tpu.memory_space<vmem>>
      %dma_wait3A_75 = tpu.memref_squeeze %dma_wait3A_74 : memref<1x128xi32, #tpu.memory_space<vmem>> -> memref<128xi32, #tpu.memory_space<vmem>>
      %dma_wait3A_76 = arith.constant 0 : i32
      %dma_wait3A_77 = arith.constant 0 : i32
      %dma_wait3A_78 = tpu.memref_slice %arg9[%dma_wait3A_76, %dma_wait3A_77] : memref<10000x128xf32, #tpu.memory_space<vmem_shared>> -> memref<10000x128xf32, #tpu.memory_space<vmem_shared>>
      tpu.wait_indirect_dma semaphore(%arg11 : memref<!tpu.dma_semaphore, #tpu.memory_space<semaphore_mem>>) src(%arg7 : memref<128x128xf32, #tpu.memory_space<vmem>>) dst(%dma_wait3A_78 : memref<10000x128xf32, #tpu.memory_space<vmem_shared>>)
      %dma_wait3A_79 = arith.constant 1 : i32
      %dma_wait3A_80 = arith.constant 0 : i32
      %dma_wait3A_81 = tpu.memref_slice %arg6[%dma_wait3A_79, %dma_wait3A_80] : memref<2x128xi32, #tpu.memory_space<vmem>> -> memref<1x128xi32, #tpu.memory_space<vmem>>
      %dma_wait3A_82 = tpu.memref_squeeze %dma_wait3A_81 : memref<1x128xi32, #tpu.memory_space<vmem>> -> memref<128xi32, #tpu.memory_space<vmem>>
      %dma_wait3A_83 = arith.constant 0 : i32
      %dma_wait3A_84 = arith.constant 0 : i32
      %dma_wait3A_85 = tpu.memref_slice %arg9[%dma_wait3A_83, %dma_wait3A_84] : memref<10000x128xf32, #tpu.memory_space<vmem_shared>> -> memref<10000x128xf32, #tpu.memory_space<vmem_shared>>
      tpu.wait_indirect_dma semaphore(%arg11 : memref<!tpu.dma_semaphore, #tpu.memory_space<semaphore_mem>>) src(%arg8 : memref<128x128xf32, #tpu.memory_space<vmem>>) dst(%dma_wait3A_85 : memref<10000x128xf32, #tpu.memory_space<vmem_shared>>)
    }
    %scan3A_9 = arith.constant 19 : i32
    %mul3A_10 = arith.constant 39 : i32
    %mul3A_11 = arith.muli %add3A, %mul3A_10 : i32
    %add3A_12 = arith.constant 1250 : i32
    %add3A_13 = arith.addi %add3A_12, %mul3A_11 : i32
    %add3A_14 = arith.constant 38 : i32
    %add3A_15 = arith.addi %add3A_13, %add3A_14 : i32
    "tpu.region"() ({
      %run_scoped3A_26 = tpu.sem_alloc : memref<!tpu.dma_semaphore, #tpu.memory_space<semaphore_mem>>
      %dma_start3A = arith.constant 0 : i32
      %dma_start3A_27 = arith.constant 0 : i32
      %dma_start3A_28 = tpu.memref_slice %arg6[%dma_start3A, %dma_start3A_27] : memref<2x128xi32, #tpu.memory_space<vmem>> -> memref<1x128xi32, #tpu.memory_space<vmem>>
      %dma_start3A_29 = arith.constant 0 : i32
      %dma_start3A_30 = tpu.memref_slice %arg3[%add3A_15, %dma_start3A_29] : memref<2500x128xi32, #tpu.memory_space<hbm>> -> memref<1x128xi32, #tpu.memory_space<hbm>>
      %dma_start3A_31 = arith.constant 0 : i32
      %dma_start3A_32 = arith.constant 0 : i32
      %dma_start3A_33 = tpu.memref_slice %arg6[%dma_start3A_31, %dma_start3A_32] : memref<2x128xi32, #tpu.memory_space<vmem>> -> memref<1x128xi32, #tpu.memory_space<vmem>>
      %dma_start3A_34 = arith.constant 0 : i32
      %dma_start3A_35 = tpu.memref_slice %arg3[%add3A_15, %dma_start3A_34] : memref<2500x128xi32, #tpu.memory_space<hbm>> -> memref<1x128xi32, #tpu.memory_space<hbm>>
      tpu.enqueue_dma source(%dma_start3A_35 : memref<1x128xi32, #tpu.memory_space<hbm>>) target(%dma_start3A_33 : memref<1x128xi32, #tpu.memory_space<vmem>>) target_semaphore(%run_scoped3A_26 : memref<!tpu.dma_semaphore, #tpu.memory_space<semaphore_mem>>)
      %dma_wait3A = arith.constant 0 : i32
      %dma_wait3A_36 = arith.constant 0 : i32
      %dma_wait3A_37 = tpu.memref_slice %arg6[%dma_wait3A, %dma_wait3A_36] : memref<2x128xi32, #tpu.memory_space<vmem>> -> memref<1x128xi32, #tpu.memory_space<vmem>>
      %dma_wait3A_38 = arith.constant 0 : i32
      %dma_wait3A_39 = tpu.memref_slice %arg3[%add3A_15, %dma_wait3A_38] : memref<2500x128xi32, #tpu.memory_space<hbm>> -> memref<1x128xi32, #tpu.memory_space<hbm>>
      %dma_wait3A_40 = arith.constant 0 : i32
      %dma_wait3A_41 = arith.constant 0 : i32
      %dma_wait3A_42 = tpu.memref_slice %arg6[%dma_wait3A_40, %dma_wait3A_41] : memref<2x128xi32, #tpu.memory_space<vmem>> -> memref<1x128xi32, #tpu.memory_space<vmem>>
      %dma_wait3A_43 = arith.constant 0 : i32
      %dma_wait3A_44 = tpu.memref_slice %arg3[%add3A_15, %dma_wait3A_43] : memref<2500x128xi32, #tpu.memory_space<hbm>> -> memref<1x128xi32, #tpu.memory_space<hbm>>
      tpu.wait_dma2 semaphore(%run_scoped3A_26 : memref<!tpu.dma_semaphore, #tpu.memory_space<semaphore_mem>>) src(%dma_wait3A_44 : memref<1x128xi32, #tpu.memory_space<hbm>>) dst(%dma_wait3A_42 : memref<1x128xi32, #tpu.memory_space<vmem>>)
      tpu.yield
    }) : () -> ()
    %sub3A = arith.constant 1250 : i32
    %sub3A_16 = arith.subi %add3A_15, %sub3A : i32
    %mul3A_17 = arith.constant 128 : i32
    %mul3A_18 = arith.muli %sub3A_16, %mul3A_17 : i32
    "tpu.region"() ({
      %run_scoped3A_26 = tpu.sem_alloc : memref<!tpu.dma_semaphore, #tpu.memory_space<semaphore_mem>>
      %dma_start3A = arith.constant 0 : i32
      %dma_start3A_27 = tpu.memref_slice %arg2[%mul3A_18, %dma_start3A] : memref<160000x128xf32, #tpu.memory_space<hbm>> -> memref<128x128xf32, #tpu.memory_space<hbm>>
      %dma_start3A_28 = arith.constant 0 : i32
      %dma_start3A_29 = tpu.memref_slice %arg2[%mul3A_18, %dma_start3A_28] : memref<160000x128xf32, #tpu.memory_space<hbm>> -> memref<128x128xf32, #tpu.memory_space<hbm>>
      tpu.enqueue_dma source(%dma_start3A_29 : memref<128x128xf32, #tpu.memory_space<hbm>>) target(%arg7 : memref<128x128xf32, #tpu.memory_space<vmem>>) target_semaphore(%run_scoped3A_26 : memref<!tpu.dma_semaphore, #tpu.memory_space<semaphore_mem>>)
      %dma_wait3A = arith.constant 0 : i32
      %dma_wait3A_30 = tpu.memref_slice %arg2[%mul3A_18, %dma_wait3A] : memref<160000x128xf32, #tpu.memory_space<hbm>> -> memref<128x128xf32, #tpu.memory_space<hbm>>
      %dma_wait3A_31 = arith.constant 0 : i32
      %dma_wait3A_32 = tpu.memref_slice %arg2[%mul3A_18, %dma_wait3A_31] : memref<160000x128xf32, #tpu.memory_space<hbm>> -> memref<128x128xf32, #tpu.memory_space<hbm>>
      tpu.wait_dma2 semaphore(%run_scoped3A_26 : memref<!tpu.dma_semaphore, #tpu.memory_space<semaphore_mem>>) src(%dma_wait3A_32 : memref<128x128xf32, #tpu.memory_space<hbm>>) dst(%arg7 : memref<128x128xf32, #tpu.memory_space<vmem>>)
      tpu.yield
    }) : () -> ()
    %run_scoped3A = arith.constant 0 : i32
    "tpu.region"() ({
      %run_scoped3A_26 = tpu.sem_alloc : memref<!tpu.dma_semaphore, #tpu.memory_space<semaphore_mem>>
      %dma_start3A = arith.constant 0 : i32
      %dma_start3A_27 = tpu.memref_slice %arg6[%run_scoped3A, %dma_start3A] : memref<2x128xi32, #tpu.memory_space<vmem>> -> memref<1x128xi32, #tpu.memory_space<vmem>>
      %dma_start3A_28 = tpu.memref_squeeze %dma_start3A_27 : memref<1x128xi32, #tpu.memory_space<vmem>> -> memref<128xi32, #tpu.memory_space<vmem>>
      %dma_start3A_29 = arith.constant 0 : i32
      %dma_start3A_30 = arith.constant 0 : i32
      %dma_start3A_31 = tpu.memref_slice %arg9[%dma_start3A_29, %dma_start3A_30] : memref<10000x128xf32, #tpu.memory_space<vmem_shared>> -> memref<10000x128xf32, #tpu.memory_space<vmem_shared>>
      tpu.enqueue_indirect_dma source(%arg7 : memref<128x128xf32, #tpu.memory_space<vmem>>) target(%dma_start3A_31 : memref<10000x128xf32, #tpu.memory_space<vmem_shared>>) offsets(%dma_start3A_28 : memref<128xi32, #tpu.memory_space<vmem>>) semaphore(%run_scoped3A_26 : memref<!tpu.dma_semaphore, #tpu.memory_space<semaphore_mem>>) {add = true}
      %dma_wait3A = arith.constant 0 : i32
      %dma_wait3A_32 = tpu.memref_slice %arg6[%run_scoped3A, %dma_wait3A] : memref<2x128xi32, #tpu.memory_space<vmem>> -> memref<1x128xi32, #tpu.memory_space<vmem>>
      %dma_wait3A_33 = tpu.memref_squeeze %dma_wait3A_32 : memref<1x128xi32, #tpu.memory_space<vmem>> -> memref<128xi32, #tpu.memory_space<vmem>>
      %dma_wait3A_34 = arith.constant 0 : i32
      %dma_wait3A_35 = arith.constant 0 : i32
      %dma_wait3A_36 = tpu.memref_slice %arg9[%dma_wait3A_34, %dma_wait3A_35] : memref<10000x128xf32, #tpu.memory_space<vmem_shared>> -> memref<10000x128xf32, #tpu.memory_space<vmem_shared>>
      tpu.wait_indirect_dma semaphore(%run_scoped3A_26 : memref<!tpu.dma_semaphore, #tpu.memory_space<semaphore_mem>>) src(%arg7 : memref<128x128xf32, #tpu.memory_space<vmem>>) dst(%dma_wait3A_36 : memref<10000x128xf32, #tpu.memory_space<vmem_shared>>)
      tpu.yield
    }) : () -> ()
    %lt3A = arith.constant 2 : i32
    %lt3A_19 = arith.cmpi slt, %add3A, %lt3A : i32
    %convert_element_type3A = arith.extui %lt3A_19 : i1 to i32
    %cond3A = arith.constant 0 : i32
    %cond3A_20 = arith.cmpi ne, %convert_element_type3A, %cond3A : i32
    scf.if %cond3A_20 {
      %add3A_26 = arith.constant 2498 : i32
      %add3A_27 = arith.addi %add3A_26, %add3A : i32
      "tpu.region"() ({
        %run_scoped3A_33 = tpu.sem_alloc : memref<!tpu.dma_semaphore, #tpu.memory_space<semaphore_mem>>
        %dma_start3A = arith.constant 0 : i32
        %dma_start3A_34 = arith.constant 0 : i32
        %dma_start3A_35 = tpu.memref_slice %arg6[%dma_start3A, %dma_start3A_34] : memref<2x128xi32, #tpu.memory_space<vmem>> -> memref<1x128xi32, #tpu.memory_space<vmem>>
        %dma_start3A_36 = arith.constant 0 : i32
        %dma_start3A_37 = tpu.memref_slice %arg3[%add3A_27, %dma_start3A_36] : memref<2500x128xi32, #tpu.memory_space<hbm>> -> memref<1x128xi32, #tpu.memory_space<hbm>>
        %dma_start3A_38 = arith.constant 0 : i32
        %dma_start3A_39 = arith.constant 0 : i32
        %dma_start3A_40 = tpu.memref_slice %arg6[%dma_start3A_38, %dma_start3A_39] : memref<2x128xi32, #tpu.memory_space<vmem>> -> memref<1x128xi32, #tpu.memory_space<vmem>>
        %dma_start3A_41 = arith.constant 0 : i32
        %dma_start3A_42 = tpu.memref_slice %arg3[%add3A_27, %dma_start3A_41] : memref<2500x128xi32, #tpu.memory_space<hbm>> -> memref<1x128xi32, #tpu.memory_space<hbm>>
        tpu.enqueue_dma source(%dma_start3A_42 : memref<1x128xi32, #tpu.memory_space<hbm>>) target(%dma_start3A_40 : memref<1x128xi32, #tpu.memory_space<vmem>>) target_semaphore(%run_scoped3A_33 : memref<!tpu.dma_semaphore, #tpu.memory_space<semaphore_mem>>)
        %dma_wait3A = arith.constant 0 : i32
        %dma_wait3A_43 = arith.constant 0 : i32
        %dma_wait3A_44 = tpu.memref_slice %arg6[%dma_wait3A, %dma_wait3A_43] : memref<2x128xi32, #tpu.memory_space<vmem>> -> memref<1x128xi32, #tpu.memory_space<vmem>>
        %dma_wait3A_45 = arith.constant 0 : i32
        %dma_wait3A_46 = tpu.memref_slice %arg3[%add3A_27, %dma_wait3A_45] : memref<2500x128xi32, #tpu.memory_space<hbm>> -> memref<1x128xi32, #tpu.memory_space<hbm>>
        %dma_wait3A_47 = arith.constant 0 : i32
        %dma_wait3A_48 = arith.constant 0 : i32
        %dma_wait3A_49 = tpu.memref_slice %arg6[%dma_wait3A_47, %dma_wait3A_48] : memref<2x128xi32, #tpu.memory_space<vmem>> -> memref<1x128xi32, #tpu.memory_space<vmem>>
        %dma_wait3A_50 = arith.constant 0 : i32
        %dma_wait3A_51 = tpu.memref_slice %arg3[%add3A_27, %dma_wait3A_50] : memref<2500x128xi32, #tpu.memory_space<hbm>> -> memref<1x128xi32, #tpu.memory_space<hbm>>
        tpu.wait_dma2 semaphore(%run_scoped3A_33 : memref<!tpu.dma_semaphore, #tpu.memory_space<semaphore_mem>>) src(%dma_wait3A_51 : memref<1x128xi32, #tpu.memory_space<hbm>>) dst(%dma_wait3A_49 : memref<1x128xi32, #tpu.memory_space<vmem>>)
        tpu.yield
      }) : () -> ()
      %sub3A_28 = arith.constant 1250 : i32
      %sub3A_29 = arith.subi %add3A_27, %sub3A_28 : i32
      %mul3A_30 = arith.constant 128 : i32
      %mul3A_31 = arith.muli %sub3A_29, %mul3A_30 : i32
      "tpu.region"() ({
        %run_scoped3A_33 = tpu.sem_alloc : memref<!tpu.dma_semaphore, #tpu.memory_space<semaphore_mem>>
        %dma_start3A = arith.constant 0 : i32
        %dma_start3A_34 = tpu.memref_slice %arg2[%mul3A_31, %dma_start3A] : memref<160000x128xf32, #tpu.memory_space<hbm>> -> memref<128x128xf32, #tpu.memory_space<hbm>>
        %dma_start3A_35 = arith.constant 0 : i32
        %dma_start3A_36 = tpu.memref_slice %arg2[%mul3A_31, %dma_start3A_35] : memref<160000x128xf32, #tpu.memory_space<hbm>> -> memref<128x128xf32, #tpu.memory_space<hbm>>
        tpu.enqueue_dma source(%dma_start3A_36 : memref<128x128xf32, #tpu.memory_space<hbm>>) target(%arg7 : memref<128x128xf32, #tpu.memory_space<vmem>>) target_semaphore(%run_scoped3A_33 : memref<!tpu.dma_semaphore, #tpu.memory_space<semaphore_mem>>)
        %dma_wait3A = arith.constant 0 : i32
        %dma_wait3A_37 = tpu.memref_slice %arg2[%mul3A_31, %dma_wait3A] : memref<160000x128xf32, #tpu.memory_space<hbm>> -> memref<128x128xf32, #tpu.memory_space<hbm>>
        %dma_wait3A_38 = arith.constant 0 : i32
        %dma_wait3A_39 = tpu.memref_slice %arg2[%mul3A_31, %dma_wait3A_38] : memref<160000x128xf32, #tpu.memory_space<hbm>> -> memref<128x128xf32, #tpu.memory_space<hbm>>
        tpu.wait_dma2 semaphore(%run_scoped3A_33 : memref<!tpu.dma_semaphore, #tpu.memory_space<semaphore_mem>>) src(%dma_wait3A_39 : memref<128x128xf32, #tpu.memory_space<hbm>>) dst(%arg7 : memref<128x128xf32, #tpu.memory_space<vmem>>)
        tpu.yield
      }) : () -> ()
      %run_scoped3A_32 = arith.constant 0 : i32
      "tpu.region"() ({
        %run_scoped3A_33 = tpu.sem_alloc : memref<!tpu.dma_semaphore, #tpu.memory_space<semaphore_mem>>
        %dma_start3A = arith.constant 0 : i32
        %dma_start3A_34 = tpu.memref_slice %arg6[%run_scoped3A_32, %dma_start3A] : memref<2x128xi32, #tpu.memory_space<vmem>> -> memref<1x128xi32, #tpu.memory_space<vmem>>
        %dma_start3A_35 = tpu.memref_squeeze %dma_start3A_34 : memref<1x128xi32, #tpu.memory_space<vmem>> -> memref<128xi32, #tpu.memory_space<vmem>>
        %dma_start3A_36 = arith.constant 0 : i32
        %dma_start3A_37 = arith.constant 0 : i32
        %dma_start3A_38 = tpu.memref_slice %arg9[%dma_start3A_36, %dma_start3A_37] : memref<10000x128xf32, #tpu.memory_space<vmem_shared>> -> memref<10000x128xf32, #tpu.memory_space<vmem_shared>>
        tpu.enqueue_indirect_dma source(%arg7 : memref<128x128xf32, #tpu.memory_space<vmem>>) target(%dma_start3A_38 : memref<10000x128xf32, #tpu.memory_space<vmem_shared>>) offsets(%dma_start3A_35 : memref<128xi32, #tpu.memory_space<vmem>>) semaphore(%run_scoped3A_33 : memref<!tpu.dma_semaphore, #tpu.memory_space<semaphore_mem>>) {add = true}
        %dma_wait3A = arith.constant 0 : i32
        %dma_wait3A_39 = tpu.memref_slice %arg6[%run_scoped3A_32, %dma_wait3A] : memref<2x128xi32, #tpu.memory_space<vmem>> -> memref<1x128xi32, #tpu.memory_space<vmem>>
        %dma_wait3A_40 = tpu.memref_squeeze %dma_wait3A_39 : memref<1x128xi32, #tpu.memory_space<vmem>> -> memref<128xi32, #tpu.memory_space<vmem>>
        %dma_wait3A_41 = arith.constant 0 : i32
        %dma_wait3A_42 = arith.constant 0 : i32
        %dma_wait3A_43 = tpu.memref_slice %arg9[%dma_wait3A_41, %dma_wait3A_42] : memref<10000x128xf32, #tpu.memory_space<vmem_shared>> -> memref<10000x128xf32, #tpu.memory_space<vmem_shared>>
        tpu.wait_indirect_dma semaphore(%run_scoped3A_33 : memref<!tpu.dma_semaphore, #tpu.memory_space<semaphore_mem>>) src(%arg7 : memref<128x128xf32, #tpu.memory_space<vmem>>) dst(%dma_wait3A_43 : memref<10000x128xf32, #tpu.memory_space<vmem_shared>>)
        tpu.yield
      }) : () -> ()
    } else {
    }
    %barrier3A_21 = arith.constant 0 : index
    tpu.barrier barrier_id(%barrier3A_21)
    %mul3A_22 = arith.constant 625 : i32
    %mul3A_23 = arith.muli %arg1, %mul3A_22 : i32
    %mul3A_24 = arith.constant 625 : i32
    %mul3A_25 = arith.muli %arg1, %mul3A_24 : i32
    "tpu.region"() ({
      %run_scoped3A_26 = tpu.sem_alloc : memref<!tpu.dma_semaphore, #tpu.memory_space<semaphore_mem>>
      %dma_start3A = arith.constant 0 : i32
      %dma_start3A_27 = tpu.memref_slice %arg5[%arg0, %mul3A_25, %dma_start3A] : memref<2x10000x128xf32, #tpu.memory_space<hbm>> -> memref<1x625x128xf32, #tpu.memory_space<hbm>>
      %dma_start3A_28 = tpu.memref_squeeze %dma_start3A_27 : memref<1x625x128xf32, #tpu.memory_space<hbm>> -> memref<625x128xf32, #tpu.memory_space<hbm>>
      %dma_start3A_29 = arith.constant 0 : i32
      %dma_start3A_30 = tpu.memref_slice %arg9[%mul3A_23, %dma_start3A_29] : memref<10000x128xf32, #tpu.memory_space<vmem_shared>> -> memref<625x128xf32, #tpu.memory_space<vmem_shared>>
      tpu.enqueue_dma source(%dma_start3A_30 : memref<625x128xf32, #tpu.memory_space<vmem_shared>>) target(%dma_start3A_28 : memref<625x128xf32, #tpu.memory_space<hbm>>) target_semaphore(%run_scoped3A_26 : memref<!tpu.dma_semaphore, #tpu.memory_space<semaphore_mem>>)
      %dma_wait3A = arith.constant 0 : i32
      %dma_wait3A_31 = tpu.memref_slice %arg5[%arg0, %mul3A_25, %dma_wait3A] : memref<2x10000x128xf32, #tpu.memory_space<hbm>> -> memref<1x625x128xf32, #tpu.memory_space<hbm>>
      %dma_wait3A_32 = tpu.memref_squeeze %dma_wait3A_31 : memref<1x625x128xf32, #tpu.memory_space<hbm>> -> memref<625x128xf32, #tpu.memory_space<hbm>>
      %dma_wait3A_33 = arith.constant 0 : i32
      %dma_wait3A_34 = tpu.memref_slice %arg9[%mul3A_23, %dma_wait3A_33] : memref<10000x128xf32, #tpu.memory_space<vmem_shared>> -> memref<625x128xf32, #tpu.memory_space<vmem_shared>>
      tpu.wait_dma2 semaphore(%run_scoped3A_26 : memref<!tpu.dma_semaphore, #tpu.memory_space<semaphore_mem>>) src(%dma_wait3A_34 : memref<625x128xf32, #tpu.memory_space<vmem_shared>>) dst(%dma_wait3A_32 : memref<625x128xf32, #tpu.memory_space<hbm>>)
      tpu.yield
    }) : () -> ()
    return
  }
}

#map = affine_map<(d0, d1) -> (0, 0)>
module attributes {stable_mosaic.version = 14 : i64} {
  func.func @_sc_gather_body(%arg0: i32, %arg1: i32, %arg2: memref<10000x128xf32, #tpu.memory_space<hbm>>, %arg3: memref<2500x128xi32, #tpu.memory_space<hbm>>, %arg4: memref<160000x128xf32, #tpu.memory_space<hbm>>, %arg5: memref<3x128xi32, #tpu.memory_space<vmem>>, %arg6: memref<384x128xf32, #tpu.memory_space<vmem>>, %arg7: memref<!tpu.dma_semaphore, #tpu.memory_space<semaphore_mem>>) attributes {dimension_semantics = [#tpu.dimension_semantics<core_parallel>, #tpu.dimension_semantics<subcore_parallel>], iteration_bounds = array<i64: 2, 16>, scalar_prefetch = 0 : i64, scratch_operands = 3 : i64, tpu.core_type = #tpu.core_type<sc_vector_subcore>, window_params = [{transform_indices = #map}, {transform_indices = #map}, {transform_indices = #map}]} {
    %mul3A = arith.constant 2 : i32
    %mul3A_0 = arith.muli %arg1, %mul3A : i32
    %add3A = arith.addi %mul3A_0, %arg0 : i32
    %scan3A = arith.constant 0 : i32
    %scan3A_1 = arith.constant 0 : i32
    %scan3A_2 = arith.constant 13 : i32
    %scan3A_3 = arith.addi %scan3A_1, %scan3A_2 : i32
    %scan3A_4 = arith.constant 1 : i32
    scf.for %scan3A_8 = %scan3A_1 to %scan3A_3 step %scan3A_4  : i32 {
      %mul3A_9 = arith.constant 39 : i32
      %mul3A_10 = arith.muli %add3A, %mul3A_9 : i32
      %add3A_11 = arith.constant 1250 : i32
      %add3A_12 = arith.addi %add3A_11, %mul3A_10 : i32
      %mul3A_13 = arith.constant 3 : i32
      %mul3A_14 = arith.muli %scan3A_8, %mul3A_13 : i32
      %add3A_15 = arith.addi %add3A_12, %mul3A_14 : i32
      "tpu.region"() ({
        %run_scoped3A = tpu.sem_alloc : memref<!tpu.dma_semaphore, #tpu.memory_space<semaphore_mem>>
        %dma_start3A_77 = arith.constant 0 : i32
        %dma_start3A_78 = arith.constant 0 : i32
        %dma_start3A_79 = tpu.memref_slice %arg5[%dma_start3A_77, %dma_start3A_78] : memref<3x128xi32, #tpu.memory_space<vmem>> -> memref<3x128xi32, #tpu.memory_space<vmem>>
        %dma_start3A_80 = arith.constant 0 : i32
        %dma_start3A_81 = tpu.memref_slice %arg3[%add3A_15, %dma_start3A_80] : memref<2500x128xi32, #tpu.memory_space<hbm>> -> memref<3x128xi32, #tpu.memory_space<hbm>>
        %dma_start3A_82 = arith.constant 0 : i32
        %dma_start3A_83 = arith.constant 0 : i32
        %dma_start3A_84 = tpu.memref_slice %arg5[%dma_start3A_82, %dma_start3A_83] : memref<3x128xi32, #tpu.memory_space<vmem>> -> memref<3x128xi32, #tpu.memory_space<vmem>>
        %dma_start3A_85 = arith.constant 0 : i32
        %dma_start3A_86 = tpu.memref_slice %arg3[%add3A_15, %dma_start3A_85] : memref<2500x128xi32, #tpu.memory_space<hbm>> -> memref<3x128xi32, #tpu.memory_space<hbm>>
        tpu.enqueue_dma source(%dma_start3A_86 : memref<3x128xi32, #tpu.memory_space<hbm>>) target(%dma_start3A_84 : memref<3x128xi32, #tpu.memory_space<vmem>>) target_semaphore(%run_scoped3A : memref<!tpu.dma_semaphore, #tpu.memory_space<semaphore_mem>>)
        %dma_wait3A_87 = arith.constant 0 : i32
        %dma_wait3A_88 = arith.constant 0 : i32
        %dma_wait3A_89 = tpu.memref_slice %arg5[%dma_wait3A_87, %dma_wait3A_88] : memref<3x128xi32, #tpu.memory_space<vmem>> -> memref<3x128xi32, #tpu.memory_space<vmem>>
        %dma_wait3A_90 = arith.constant 0 : i32
        %dma_wait3A_91 = tpu.memref_slice %arg3[%add3A_15, %dma_wait3A_90] : memref<2500x128xi32, #tpu.memory_space<hbm>> -> memref<3x128xi32, #tpu.memory_space<hbm>>
        %dma_wait3A_92 = arith.constant 0 : i32
        %dma_wait3A_93 = arith.constant 0 : i32
        %dma_wait3A_94 = tpu.memref_slice %arg5[%dma_wait3A_92, %dma_wait3A_93] : memref<3x128xi32, #tpu.memory_space<vmem>> -> memref<3x128xi32, #tpu.memory_space<vmem>>
        %dma_wait3A_95 = arith.constant 0 : i32
        %dma_wait3A_96 = tpu.memref_slice %arg3[%add3A_15, %dma_wait3A_95] : memref<2500x128xi32, #tpu.memory_space<hbm>> -> memref<3x128xi32, #tpu.memory_space<hbm>>
        tpu.wait_dma2 semaphore(%run_scoped3A : memref<!tpu.dma_semaphore, #tpu.memory_space<semaphore_mem>>) src(%dma_wait3A_96 : memref<3x128xi32, #tpu.memory_space<hbm>>) dst(%dma_wait3A_94 : memref<3x128xi32, #tpu.memory_space<vmem>>)
        tpu.yield
      }) : () -> ()
      %dma_start3A = arith.constant 0 : i32
      %dma_start3A_16 = arith.constant 0 : i32
      %dma_start3A_17 = arith.constant 0 : i32
      %dma_start3A_18 = tpu.memref_slice %arg6[%dma_start3A_16, %dma_start3A_17] : memref<384x128xf32, #tpu.memory_space<vmem>> -> memref<128x128xf32, #tpu.memory_space<vmem>>
      %dma_start3A_19 = arith.constant 0 : i32
      %dma_start3A_20 = tpu.memref_slice %arg5[%dma_start3A, %dma_start3A_19] : memref<3x128xi32, #tpu.memory_space<vmem>> -> memref<1x128xi32, #tpu.memory_space<vmem>>
      %dma_start3A_21 = tpu.memref_squeeze %dma_start3A_20 : memref<1x128xi32, #tpu.memory_space<vmem>> -> memref<128xi32, #tpu.memory_space<vmem>>
      %dma_start3A_22 = arith.constant 0 : i32
      %dma_start3A_23 = arith.constant 0 : i32
      %dma_start3A_24 = tpu.memref_slice %arg2[%dma_start3A_22, %dma_start3A_23] : memref<10000x128xf32, #tpu.memory_space<hbm>> -> memref<10000x128xf32, #tpu.memory_space<hbm>>
      tpu.enqueue_indirect_dma source(%dma_start3A_24 : memref<10000x128xf32, #tpu.memory_space<hbm>>) target(%dma_start3A_18 : memref<128x128xf32, #tpu.memory_space<vmem>>) offsets(%dma_start3A_21 : memref<128xi32, #tpu.memory_space<vmem>>) semaphore(%arg7 : memref<!tpu.dma_semaphore, #tpu.memory_space<semaphore_mem>>)
      %dma_start3A_25 = arith.constant 1 : i32
      %dma_start3A_26 = arith.constant 128 : i32
      %dma_start3A_27 = arith.constant 0 : i32
      %dma_start3A_28 = tpu.memref_slice %arg6[%dma_start3A_26, %dma_start3A_27] : memref<384x128xf32, #tpu.memory_space<vmem>> -> memref<128x128xf32, #tpu.memory_space<vmem>>
      %dma_start3A_29 = arith.constant 0 : i32
      %dma_start3A_30 = tpu.memref_slice %arg5[%dma_start3A_25, %dma_start3A_29] : memref<3x128xi32, #tpu.memory_space<vmem>> -> memref<1x128xi32, #tpu.memory_space<vmem>>
      %dma_start3A_31 = tpu.memref_squeeze %dma_start3A_30 : memref<1x128xi32, #tpu.memory_space<vmem>> -> memref<128xi32, #tpu.memory_space<vmem>>
      %dma_start3A_32 = arith.constant 0 : i32
      %dma_start3A_33 = arith.constant 0 : i32
      %dma_start3A_34 = tpu.memref_slice %arg2[%dma_start3A_32, %dma_start3A_33] : memref<10000x128xf32, #tpu.memory_space<hbm>> -> memref<10000x128xf32, #tpu.memory_space<hbm>>
      tpu.enqueue_indirect_dma source(%dma_start3A_34 : memref<10000x128xf32, #tpu.memory_space<hbm>>) target(%dma_start3A_28 : memref<128x128xf32, #tpu.memory_space<vmem>>) offsets(%dma_start3A_31 : memref<128xi32, #tpu.memory_space<vmem>>) semaphore(%arg7 : memref<!tpu.dma_semaphore, #tpu.memory_space<semaphore_mem>>)
      %dma_start3A_35 = arith.constant 2 : i32
      %dma_start3A_36 = arith.constant 256 : i32
      %dma_start3A_37 = arith.constant 0 : i32
      %dma_start3A_38 = tpu.memref_slice %arg6[%dma_start3A_36, %dma_start3A_37] : memref<384x128xf32, #tpu.memory_space<vmem>> -> memref<128x128xf32, #tpu.memory_space<vmem>>
      %dma_start3A_39 = arith.constant 0 : i32
      %dma_start3A_40 = tpu.memref_slice %arg5[%dma_start3A_35, %dma_start3A_39] : memref<3x128xi32, #tpu.memory_space<vmem>> -> memref<1x128xi32, #tpu.memory_space<vmem>>
      %dma_start3A_41 = tpu.memref_squeeze %dma_start3A_40 : memref<1x128xi32, #tpu.memory_space<vmem>> -> memref<128xi32, #tpu.memory_space<vmem>>
      %dma_start3A_42 = arith.constant 0 : i32
      %dma_start3A_43 = arith.constant 0 : i32
      %dma_start3A_44 = tpu.memref_slice %arg2[%dma_start3A_42, %dma_start3A_43] : memref<10000x128xf32, #tpu.memory_space<hbm>> -> memref<10000x128xf32, #tpu.memory_space<hbm>>
      tpu.enqueue_indirect_dma source(%dma_start3A_44 : memref<10000x128xf32, #tpu.memory_space<hbm>>) target(%dma_start3A_38 : memref<128x128xf32, #tpu.memory_space<vmem>>) offsets(%dma_start3A_41 : memref<128xi32, #tpu.memory_space<vmem>>) semaphore(%arg7 : memref<!tpu.dma_semaphore, #tpu.memory_space<semaphore_mem>>)
      %dma_wait3A = arith.constant 0 : i32
      %dma_wait3A_45 = arith.constant 0 : i32
      %dma_wait3A_46 = arith.constant 0 : i32
      %dma_wait3A_47 = tpu.memref_slice %arg6[%dma_wait3A_45, %dma_wait3A_46] : memref<384x128xf32, #tpu.memory_space<vmem>> -> memref<128x128xf32, #tpu.memory_space<vmem>>
      %dma_wait3A_48 = arith.constant 0 : i32
      %dma_wait3A_49 = tpu.memref_slice %arg5[%dma_wait3A, %dma_wait3A_48] : memref<3x128xi32, #tpu.memory_space<vmem>> -> memref<1x128xi32, #tpu.memory_space<vmem>>
      %dma_wait3A_50 = tpu.memref_squeeze %dma_wait3A_49 : memref<1x128xi32, #tpu.memory_space<vmem>> -> memref<128xi32, #tpu.memory_space<vmem>>
      %dma_wait3A_51 = arith.constant 0 : i32
      %dma_wait3A_52 = arith.constant 0 : i32
      %dma_wait3A_53 = tpu.memref_slice %arg2[%dma_wait3A_51, %dma_wait3A_52] : memref<10000x128xf32, #tpu.memory_space<hbm>> -> memref<10000x128xf32, #tpu.memory_space<hbm>>
      tpu.wait_indirect_dma semaphore(%arg7 : memref<!tpu.dma_semaphore, #tpu.memory_space<semaphore_mem>>) src(%dma_wait3A_53 : memref<10000x128xf32, #tpu.memory_space<hbm>>) dst(%dma_wait3A_47 : memref<128x128xf32, #tpu.memory_space<vmem>>)
      %dma_wait3A_54 = arith.constant 1 : i32
      %dma_wait3A_55 = arith.constant 128 : i32
      %dma_wait3A_56 = arith.constant 0 : i32
      %dma_wait3A_57 = tpu.memref_slice %arg6[%dma_wait3A_55, %dma_wait3A_56] : memref<384x128xf32, #tpu.memory_space<vmem>> -> memref<128x128xf32, #tpu.memory_space<vmem>>
      %dma_wait3A_58 = arith.constant 0 : i32
      %dma_wait3A_59 = tpu.memref_slice %arg5[%dma_wait3A_54, %dma_wait3A_58] : memref<3x128xi32, #tpu.memory_space<vmem>> -> memref<1x128xi32, #tpu.memory_space<vmem>>
      %dma_wait3A_60 = tpu.memref_squeeze %dma_wait3A_59 : memref<1x128xi32, #tpu.memory_space<vmem>> -> memref<128xi32, #tpu.memory_space<vmem>>
      %dma_wait3A_61 = arith.constant 0 : i32
      %dma_wait3A_62 = arith.constant 0 : i32
      %dma_wait3A_63 = tpu.memref_slice %arg2[%dma_wait3A_61, %dma_wait3A_62] : memref<10000x128xf32, #tpu.memory_space<hbm>> -> memref<10000x128xf32, #tpu.memory_space<hbm>>
      tpu.wait_indirect_dma semaphore(%arg7 : memref<!tpu.dma_semaphore, #tpu.memory_space<semaphore_mem>>) src(%dma_wait3A_63 : memref<10000x128xf32, #tpu.memory_space<hbm>>) dst(%dma_wait3A_57 : memref<128x128xf32, #tpu.memory_space<vmem>>)
      %dma_wait3A_64 = arith.constant 2 : i32
      %dma_wait3A_65 = arith.constant 256 : i32
      %dma_wait3A_66 = arith.constant 0 : i32
      %dma_wait3A_67 = tpu.memref_slice %arg6[%dma_wait3A_65, %dma_wait3A_66] : memref<384x128xf32, #tpu.memory_space<vmem>> -> memref<128x128xf32, #tpu.memory_space<vmem>>
      %dma_wait3A_68 = arith.constant 0 : i32
      %dma_wait3A_69 = tpu.memref_slice %arg5[%dma_wait3A_64, %dma_wait3A_68] : memref<3x128xi32, #tpu.memory_space<vmem>> -> memref<1x128xi32, #tpu.memory_space<vmem>>
      %dma_wait3A_70 = tpu.memref_squeeze %dma_wait3A_69 : memref<1x128xi32, #tpu.memory_space<vmem>> -> memref<128xi32, #tpu.memory_space<vmem>>
      %dma_wait3A_71 = arith.constant 0 : i32
      %dma_wait3A_72 = arith.constant 0 : i32
      %dma_wait3A_73 = tpu.memref_slice %arg2[%dma_wait3A_71, %dma_wait3A_72] : memref<10000x128xf32, #tpu.memory_space<hbm>> -> memref<10000x128xf32, #tpu.memory_space<hbm>>
      tpu.wait_indirect_dma semaphore(%arg7 : memref<!tpu.dma_semaphore, #tpu.memory_space<semaphore_mem>>) src(%dma_wait3A_73 : memref<10000x128xf32, #tpu.memory_space<hbm>>) dst(%dma_wait3A_67 : memref<128x128xf32, #tpu.memory_space<vmem>>)
      %sub3A = arith.constant 1250 : i32
      %sub3A_74 = arith.subi %add3A_15, %sub3A : i32
      %mul3A_75 = arith.constant 128 : i32
      %mul3A_76 = arith.muli %sub3A_74, %mul3A_75 : i32
      "tpu.region"() ({
        %run_scoped3A = tpu.sem_alloc : memref<!tpu.dma_semaphore, #tpu.memory_space<semaphore_mem>>
        %dma_start3A_77 = arith.constant 0 : i32
        %dma_start3A_78 = arith.constant 0 : i32
        %dma_start3A_79 = tpu.memref_slice %arg6[%dma_start3A_77, %dma_start3A_78] : memref<384x128xf32, #tpu.memory_space<vmem>> -> memref<384x128xf32, #tpu.memory_space<vmem>>
        %dma_start3A_80 = arith.constant 0 : i32
        %dma_start3A_81 = tpu.memref_slice %arg4[%mul3A_76, %dma_start3A_80] : memref<160000x128xf32, #tpu.memory_space<hbm>> -> memref<384x128xf32, #tpu.memory_space<hbm>>
        %dma_start3A_82 = arith.constant 0 : i32
        %dma_start3A_83 = tpu.memref_slice %arg4[%mul3A_76, %dma_start3A_82] : memref<160000x128xf32, #tpu.memory_space<hbm>> -> memref<384x128xf32, #tpu.memory_space<hbm>>
        %dma_start3A_84 = arith.constant 0 : i32
        %dma_start3A_85 = arith.constant 0 : i32
        %dma_start3A_86 = tpu.memref_slice %arg6[%dma_start3A_84, %dma_start3A_85] : memref<384x128xf32, #tpu.memory_space<vmem>> -> memref<384x128xf32, #tpu.memory_space<vmem>>
        tpu.enqueue_dma source(%dma_start3A_86 : memref<384x128xf32, #tpu.memory_space<vmem>>) target(%dma_start3A_83 : memref<384x128xf32, #tpu.memory_space<hbm>>) target_semaphore(%run_scoped3A : memref<!tpu.dma_semaphore, #tpu.memory_space<semaphore_mem>>)
        %dma_wait3A_87 = arith.constant 0 : i32
        %dma_wait3A_88 = arith.constant 0 : i32
        %dma_wait3A_89 = tpu.memref_slice %arg6[%dma_wait3A_87, %dma_wait3A_88] : memref<384x128xf32, #tpu.memory_space<vmem>> -> memref<384x128xf32, #tpu.memory_space<vmem>>
        %dma_wait3A_90 = arith.constant 0 : i32
        %dma_wait3A_91 = tpu.memref_slice %arg4[%mul3A_76, %dma_wait3A_90] : memref<160000x128xf32, #tpu.memory_space<hbm>> -> memref<384x128xf32, #tpu.memory_space<hbm>>
        %dma_wait3A_92 = arith.constant 0 : i32
        %dma_wait3A_93 = tpu.memref_slice %arg4[%mul3A_76, %dma_wait3A_92] : memref<160000x128xf32, #tpu.memory_space<hbm>> -> memref<384x128xf32, #tpu.memory_space<hbm>>
        %dma_wait3A_94 = arith.constant 0 : i32
        %dma_wait3A_95 = arith.constant 0 : i32
        %dma_wait3A_96 = tpu.memref_slice %arg6[%dma_wait3A_94, %dma_wait3A_95] : memref<384x128xf32, #tpu.memory_space<vmem>> -> memref<384x128xf32, #tpu.memory_space<vmem>>
        tpu.wait_dma2 semaphore(%run_scoped3A : memref<!tpu.dma_semaphore, #tpu.memory_space<semaphore_mem>>) src(%dma_wait3A_96 : memref<384x128xf32, #tpu.memory_space<vmem>>) dst(%dma_wait3A_93 : memref<384x128xf32, #tpu.memory_space<hbm>>)
        tpu.yield
      }) : () -> ()
    }
    %scan3A_5 = arith.constant 13 : i32
    %lt3A = arith.constant 2 : i32
    %lt3A_6 = arith.cmpi slt, %add3A, %lt3A : i32
    %convert_element_type3A = arith.extui %lt3A_6 : i1 to i32
    %cond3A = arith.constant 0 : i32
    %cond3A_7 = arith.cmpi ne, %convert_element_type3A, %cond3A : i32
    scf.if %cond3A_7 {
      %add3A_8 = arith.constant 2498 : i32
      %add3A_9 = arith.addi %add3A_8, %add3A : i32
      "tpu.region"() ({
        %run_scoped3A = tpu.sem_alloc : memref<!tpu.dma_semaphore, #tpu.memory_space<semaphore_mem>>
        %dma_start3A_31 = arith.constant 0 : i32
        %dma_start3A_32 = arith.constant 0 : i32
        %dma_start3A_33 = tpu.memref_slice %arg5[%dma_start3A_31, %dma_start3A_32] : memref<3x128xi32, #tpu.memory_space<vmem>> -> memref<1x128xi32, #tpu.memory_space<vmem>>
        %dma_start3A_34 = arith.constant 0 : i32
        %dma_start3A_35 = tpu.memref_slice %arg3[%add3A_9, %dma_start3A_34] : memref<2500x128xi32, #tpu.memory_space<hbm>> -> memref<1x128xi32, #tpu.memory_space<hbm>>
        %dma_start3A_36 = arith.constant 0 : i32
        %dma_start3A_37 = arith.constant 0 : i32
        %dma_start3A_38 = tpu.memref_slice %arg5[%dma_start3A_36, %dma_start3A_37] : memref<3x128xi32, #tpu.memory_space<vmem>> -> memref<1x128xi32, #tpu.memory_space<vmem>>
        %dma_start3A_39 = arith.constant 0 : i32
        %dma_start3A_40 = tpu.memref_slice %arg3[%add3A_9, %dma_start3A_39] : memref<2500x128xi32, #tpu.memory_space<hbm>> -> memref<1x128xi32, #tpu.memory_space<hbm>>
        tpu.enqueue_dma source(%dma_start3A_40 : memref<1x128xi32, #tpu.memory_space<hbm>>) target(%dma_start3A_38 : memref<1x128xi32, #tpu.memory_space<vmem>>) target_semaphore(%run_scoped3A : memref<!tpu.dma_semaphore, #tpu.memory_space<semaphore_mem>>)
        %dma_wait3A_41 = arith.constant 0 : i32
        %dma_wait3A_42 = arith.constant 0 : i32
        %dma_wait3A_43 = tpu.memref_slice %arg5[%dma_wait3A_41, %dma_wait3A_42] : memref<3x128xi32, #tpu.memory_space<vmem>> -> memref<1x128xi32, #tpu.memory_space<vmem>>
        %dma_wait3A_44 = arith.constant 0 : i32
        %dma_wait3A_45 = tpu.memref_slice %arg3[%add3A_9, %dma_wait3A_44] : memref<2500x128xi32, #tpu.memory_space<hbm>> -> memref<1x128xi32, #tpu.memory_space<hbm>>
        %dma_wait3A_46 = arith.constant 0 : i32
        %dma_wait3A_47 = arith.constant 0 : i32
        %dma_wait3A_48 = tpu.memref_slice %arg5[%dma_wait3A_46, %dma_wait3A_47] : memref<3x128xi32, #tpu.memory_space<vmem>> -> memref<1x128xi32, #tpu.memory_space<vmem>>
        %dma_wait3A_49 = arith.constant 0 : i32
        %dma_wait3A_50 = tpu.memref_slice %arg3[%add3A_9, %dma_wait3A_49] : memref<2500x128xi32, #tpu.memory_space<hbm>> -> memref<1x128xi32, #tpu.memory_space<hbm>>
        tpu.wait_dma2 semaphore(%run_scoped3A : memref<!tpu.dma_semaphore, #tpu.memory_space<semaphore_mem>>) src(%dma_wait3A_50 : memref<1x128xi32, #tpu.memory_space<hbm>>) dst(%dma_wait3A_48 : memref<1x128xi32, #tpu.memory_space<vmem>>)
        tpu.yield
      }) : () -> ()
      %dma_start3A = arith.constant 0 : i32
      %dma_start3A_10 = arith.constant 0 : i32
      %dma_start3A_11 = arith.constant 0 : i32
      %dma_start3A_12 = tpu.memref_slice %arg6[%dma_start3A_10, %dma_start3A_11] : memref<384x128xf32, #tpu.memory_space<vmem>> -> memref<128x128xf32, #tpu.memory_space<vmem>>
      %dma_start3A_13 = arith.constant 0 : i32
      %dma_start3A_14 = tpu.memref_slice %arg5[%dma_start3A, %dma_start3A_13] : memref<3x128xi32, #tpu.memory_space<vmem>> -> memref<1x128xi32, #tpu.memory_space<vmem>>
      %dma_start3A_15 = tpu.memref_squeeze %dma_start3A_14 : memref<1x128xi32, #tpu.memory_space<vmem>> -> memref<128xi32, #tpu.memory_space<vmem>>
      %dma_start3A_16 = arith.constant 0 : i32
      %dma_start3A_17 = arith.constant 0 : i32
      %dma_start3A_18 = tpu.memref_slice %arg2[%dma_start3A_16, %dma_start3A_17] : memref<10000x128xf32, #tpu.memory_space<hbm>> -> memref<10000x128xf32, #tpu.memory_space<hbm>>
      tpu.enqueue_indirect_dma source(%dma_start3A_18 : memref<10000x128xf32, #tpu.memory_space<hbm>>) target(%dma_start3A_12 : memref<128x128xf32, #tpu.memory_space<vmem>>) offsets(%dma_start3A_15 : memref<128xi32, #tpu.memory_space<vmem>>) semaphore(%arg7 : memref<!tpu.dma_semaphore, #tpu.memory_space<semaphore_mem>>)
      %dma_wait3A = arith.constant 0 : i32
      %dma_wait3A_19 = arith.constant 0 : i32
      %dma_wait3A_20 = arith.constant 0 : i32
      %dma_wait3A_21 = tpu.memref_slice %arg6[%dma_wait3A_19, %dma_wait3A_20] : memref<384x128xf32, #tpu.memory_space<vmem>> -> memref<128x128xf32, #tpu.memory_space<vmem>>
      %dma_wait3A_22 = arith.constant 0 : i32
      %dma_wait3A_23 = tpu.memref_slice %arg5[%dma_wait3A, %dma_wait3A_22] : memref<3x128xi32, #tpu.memory_space<vmem>> -> memref<1x128xi32, #tpu.memory_space<vmem>>
      %dma_wait3A_24 = tpu.memref_squeeze %dma_wait3A_23 : memref<1x128xi32, #tpu.memory_space<vmem>> -> memref<128xi32, #tpu.memory_space<vmem>>
      %dma_wait3A_25 = arith.constant 0 : i32
      %dma_wait3A_26 = arith.constant 0 : i32
      %dma_wait3A_27 = tpu.memref_slice %arg2[%dma_wait3A_25, %dma_wait3A_26] : memref<10000x128xf32, #tpu.memory_space<hbm>> -> memref<10000x128xf32, #tpu.memory_space<hbm>>
      tpu.wait_indirect_dma semaphore(%arg7 : memref<!tpu.dma_semaphore, #tpu.memory_space<semaphore_mem>>) src(%dma_wait3A_27 : memref<10000x128xf32, #tpu.memory_space<hbm>>) dst(%dma_wait3A_21 : memref<128x128xf32, #tpu.memory_space<vmem>>)
      %sub3A = arith.constant 1250 : i32
      %sub3A_28 = arith.subi %add3A_9, %sub3A : i32
      %mul3A_29 = arith.constant 128 : i32
      %mul3A_30 = arith.muli %sub3A_28, %mul3A_29 : i32
      "tpu.region"() ({
        %run_scoped3A = tpu.sem_alloc : memref<!tpu.dma_semaphore, #tpu.memory_space<semaphore_mem>>
        %dma_start3A_31 = arith.constant 0 : i32
        %dma_start3A_32 = arith.constant 0 : i32
        %dma_start3A_33 = tpu.memref_slice %arg6[%dma_start3A_31, %dma_start3A_32] : memref<384x128xf32, #tpu.memory_space<vmem>> -> memref<128x128xf32, #tpu.memory_space<vmem>>
        %dma_start3A_34 = arith.constant 0 : i32
        %dma_start3A_35 = tpu.memref_slice %arg4[%mul3A_30, %dma_start3A_34] : memref<160000x128xf32, #tpu.memory_space<hbm>> -> memref<128x128xf32, #tpu.memory_space<hbm>>
        %dma_start3A_36 = arith.constant 0 : i32
        %dma_start3A_37 = tpu.memref_slice %arg4[%mul3A_30, %dma_start3A_36] : memref<160000x128xf32, #tpu.memory_space<hbm>> -> memref<128x128xf32, #tpu.memory_space<hbm>>
        %dma_start3A_38 = arith.constant 0 : i32
        %dma_start3A_39 = arith.constant 0 : i32
        %dma_start3A_40 = tpu.memref_slice %arg6[%dma_start3A_38, %dma_start3A_39] : memref<384x128xf32, #tpu.memory_space<vmem>> -> memref<128x128xf32, #tpu.memory_space<vmem>>
        tpu.enqueue_dma source(%dma_start3A_40 : memref<128x128xf32, #tpu.memory_space<vmem>>) target(%dma_start3A_37 : memref<128x128xf32, #tpu.memory_space<hbm>>) target_semaphore(%run_scoped3A : memref<!tpu.dma_semaphore, #tpu.memory_space<semaphore_mem>>)
        %dma_wait3A_41 = arith.constant 0 : i32
        %dma_wait3A_42 = arith.constant 0 : i32
        %dma_wait3A_43 = tpu.memref_slice %arg6[%dma_wait3A_41, %dma_wait3A_42] : memref<384x128xf32, #tpu.memory_space<vmem>> -> memref<128x128xf32, #tpu.memory_space<vmem>>
        %dma_wait3A_44 = arith.constant 0 : i32
        %dma_wait3A_45 = tpu.memref_slice %arg4[%mul3A_30, %dma_wait3A_44] : memref<160000x128xf32, #tpu.memory_space<hbm>> -> memref<128x128xf32, #tpu.memory_space<hbm>>
        %dma_wait3A_46 = arith.constant 0 : i32
        %dma_wait3A_47 = tpu.memref_slice %arg4[%mul3A_30, %dma_wait3A_46] : memref<160000x128xf32, #tpu.memory_space<hbm>> -> memref<128x128xf32, #tpu.memory_space<hbm>>
        %dma_wait3A_48 = arith.constant 0 : i32
        %dma_wait3A_49 = arith.constant 0 : i32
        %dma_wait3A_50 = tpu.memref_slice %arg6[%dma_wait3A_48, %dma_wait3A_49] : memref<384x128xf32, #tpu.memory_space<vmem>> -> memref<128x128xf32, #tpu.memory_space<vmem>>
        tpu.wait_dma2 semaphore(%run_scoped3A : memref<!tpu.dma_semaphore, #tpu.memory_space<semaphore_mem>>) src(%dma_wait3A_50 : memref<128x128xf32, #tpu.memory_space<vmem>>) dst(%dma_wait3A_47 : memref<128x128xf32, #tpu.memory_space<hbm>>)
        tpu.yield
      }) : () -> ()
    } else {
    }
    return
  }
}

#map = affine_map<(d0, d1) -> (0, 0)>
#map1 = affine_map<(d0, d1) -> (0, 0, 0)>
module attributes {stable_mosaic.version = 14 : i64} {
  func.func @_sc_scatter_body(%arg0: i32, %arg1: i32, %arg2: memref<160000x128xf32, #tpu.memory_space<hbm>>, %arg3: memref<2500x128xi32, #tpu.memory_space<hbm>>, %arg4: memref<10000x128xf32, #tpu.memory_space<hbm>>, %arg5: memref<2x10000x128xf32, #tpu.memory_space<hbm>>, %arg6: memref<2x128xi32, #tpu.memory_space<vmem>>, %arg7: memref<128x128xf32, #tpu.memory_space<vmem>>, %arg8: memref<128x128xf32, #tpu.memory_space<vmem>>, %arg9: memref<10000x128xf32, #tpu.memory_space<vmem_shared>>, %arg10: memref<!tpu.dma_semaphore, #tpu.memory_space<semaphore_mem>>, %arg11: memref<!tpu.dma_semaphore, #tpu.memory_space<semaphore_mem>>) attributes {dimension_semantics = [#tpu.dimension_semantics<core_parallel>, #tpu.dimension_semantics<subcore_parallel>], iteration_bounds = array<i64: 2, 16>, scalar_prefetch = 0 : i64, scratch_operands = 6 : i64, tpu.core_type = #tpu.core_type<sc_vector_subcore>, window_params = [{transform_indices = #map}, {transform_indices = #map}, {transform_indices = #map}, {transform_indices = #map1}]} {
    %mul3A = arith.constant 2 : i32
    %mul3A_0 = arith.muli %arg1, %mul3A : i32
    %add3A = arith.addi %mul3A_0, %arg0 : i32
    %mul3A_1 = arith.constant 625 : i32
    %mul3A_2 = arith.muli %arg1, %mul3A_1 : i32
    %mul3A_3 = arith.constant 625 : i32
    %mul3A_4 = arith.muli %arg1, %mul3A_3 : i32
    "tpu.region"() ({
      %run_scoped3A_26 = tpu.sem_alloc : memref<!tpu.dma_semaphore, #tpu.memory_space<semaphore_mem>>
      %dma_start3A = arith.constant 0 : i32
      %dma_start3A_27 = tpu.memref_slice %arg9[%mul3A_4, %dma_start3A] : memref<10000x128xf32, #tpu.memory_space<vmem_shared>> -> memref<625x128xf32, #tpu.memory_space<vmem_shared>>
      %dma_start3A_28 = arith.constant 0 : i32
      %dma_start3A_29 = tpu.memref_slice %arg4[%mul3A_2, %dma_start3A_28] : memref<10000x128xf32, #tpu.memory_space<hbm>> -> memref<625x128xf32, #tpu.memory_space<hbm>>
      tpu.enqueue_dma source(%dma_start3A_29 : memref<625x128xf32, #tpu.memory_space<hbm>>) target(%dma_start3A_27 : memref<625x128xf32, #tpu.memory_space<vmem_shared>>) target_semaphore(%run_scoped3A_26 : memref<!tpu.dma_semaphore, #tpu.memory_space<semaphore_mem>>)
      %dma_wait3A = arith.constant 0 : i32
      %dma_wait3A_30 = tpu.memref_slice %arg9[%mul3A_4, %dma_wait3A] : memref<10000x128xf32, #tpu.memory_space<vmem_shared>> -> memref<625x128xf32, #tpu.memory_space<vmem_shared>>
      %dma_wait3A_31 = arith.constant 0 : i32
      %dma_wait3A_32 = tpu.memref_slice %arg4[%mul3A_2, %dma_wait3A_31] : memref<10000x128xf32, #tpu.memory_space<hbm>> -> memref<625x128xf32, #tpu.memory_space<hbm>>
      tpu.wait_dma2 semaphore(%run_scoped3A_26 : memref<!tpu.dma_semaphore, #tpu.memory_space<semaphore_mem>>) src(%dma_wait3A_32 : memref<625x128xf32, #tpu.memory_space<hbm>>) dst(%dma_wait3A_30 : memref<625x128xf32, #tpu.memory_space<vmem_shared>>)
      tpu.yield
    }) : () -> ()
    %barrier3A = arith.constant 0 : index
    tpu.barrier barrier_id(%barrier3A)
    %scan3A = arith.constant 0 : i32
    %scan3A_5 = arith.constant 0 : i32
    %scan3A_6 = arith.constant 19 : i32
    %scan3A_7 = arith.addi %scan3A_5, %scan3A_6 : i32
    %scan3A_8 = arith.constant 1 : i32
    scf.for %scan3A_26 = %scan3A_5 to %scan3A_7 step %scan3A_8  : i32 {
      %mul3A_27 = arith.constant 39 : i32
      %mul3A_28 = arith.muli %add3A, %mul3A_27 : i32
      %add3A_29 = arith.constant 0 : i32
      %add3A_30 = arith.addi %add3A_29, %mul3A_28 : i32
      %mul3A_31 = arith.constant 2 : i32
      %mul3A_32 = arith.muli %scan3A_26, %mul3A_31 : i32
      %add3A_33 = arith.addi %add3A_30, %mul3A_32 : i32
      "tpu.region"() ({
        %run_scoped3A_86 = tpu.sem_alloc : memref<!tpu.dma_semaphore, #tpu.memory_space<semaphore_mem>>
        %dma_start3A_87 = arith.constant 0 : i32
        %dma_start3A_88 = tpu.memref_slice %arg3[%add3A_33, %dma_start3A_87] : memref<2500x128xi32, #tpu.memory_space<hbm>> -> memref<2x128xi32, #tpu.memory_space<hbm>>
        %dma_start3A_89 = arith.constant 0 : i32
        %dma_start3A_90 = tpu.memref_slice %arg3[%add3A_33, %dma_start3A_89] : memref<2500x128xi32, #tpu.memory_space<hbm>> -> memref<2x128xi32, #tpu.memory_space<hbm>>
        tpu.enqueue_dma source(%dma_start3A_90 : memref<2x128xi32, #tpu.memory_space<hbm>>) target(%arg6 : memref<2x128xi32, #tpu.memory_space<vmem>>) target_semaphore(%run_scoped3A_86 : memref<!tpu.dma_semaphore, #tpu.memory_space<semaphore_mem>>)
        %dma_wait3A_91 = arith.constant 0 : i32
        %dma_wait3A_92 = tpu.memref_slice %arg3[%add3A_33, %dma_wait3A_91] : memref<2500x128xi32, #tpu.memory_space<hbm>> -> memref<2x128xi32, #tpu.memory_space<hbm>>
        %dma_wait3A_93 = arith.constant 0 : i32
        %dma_wait3A_94 = tpu.memref_slice %arg3[%add3A_33, %dma_wait3A_93] : memref<2500x128xi32, #tpu.memory_space<hbm>> -> memref<2x128xi32, #tpu.memory_space<hbm>>
        tpu.wait_dma2 semaphore(%run_scoped3A_86 : memref<!tpu.dma_semaphore, #tpu.memory_space<semaphore_mem>>) src(%dma_wait3A_94 : memref<2x128xi32, #tpu.memory_space<hbm>>) dst(%arg6 : memref<2x128xi32, #tpu.memory_space<vmem>>)
        tpu.yield
      }) : () -> ()
      %sub3A_34 = arith.constant 0 : i32
      %sub3A_35 = arith.subi %add3A_33, %sub3A_34 : i32
      %mul3A_36 = arith.constant 128 : i32
      %mul3A_37 = arith.muli %sub3A_35, %mul3A_36 : i32
      %dma_start3A = arith.constant 0 : i32
      %dma_start3A_38 = tpu.memref_slice %arg2[%mul3A_37, %dma_start3A] : memref<160000x128xf32, #tpu.memory_space<hbm>> -> memref<128x128xf32, #tpu.memory_space<hbm>>
      %dma_start3A_39 = arith.constant 0 : i32
      %dma_start3A_40 = tpu.memref_slice %arg2[%mul3A_37, %dma_start3A_39] : memref<160000x128xf32, #tpu.memory_space<hbm>> -> memref<128x128xf32, #tpu.memory_space<hbm>>
      tpu.enqueue_dma source(%dma_start3A_40 : memref<128x128xf32, #tpu.memory_space<hbm>>) target(%arg7 : memref<128x128xf32, #tpu.memory_space<vmem>>) target_semaphore(%arg10 : memref<!tpu.dma_semaphore, #tpu.memory_space<semaphore_mem>>)
      %sub3A_41 = arith.constant 0 : i32
      %sub3A_42 = arith.subi %add3A_33, %sub3A_41 : i32
      %add3A_43 = arith.constant 1 : i32
      %add3A_44 = arith.addi %sub3A_42, %add3A_43 : i32
      %mul3A_45 = arith.constant 128 : i32
      %mul3A_46 = arith.muli %add3A_44, %mul3A_45 : i32
      %dma_start3A_47 = arith.constant 0 : i32
      %dma_start3A_48 = tpu.memref_slice %arg2[%mul3A_46, %dma_start3A_47] : memref<160000x128xf32, #tpu.memory_space<hbm>> -> memref<128x128xf32, #tpu.memory_space<hbm>>
      %dma_start3A_49 = arith.constant 0 : i32
      %dma_start3A_50 = tpu.memref_slice %arg2[%mul3A_46, %dma_start3A_49] : memref<160000x128xf32, #tpu.memory_space<hbm>> -> memref<128x128xf32, #tpu.memory_space<hbm>>
      tpu.enqueue_dma source(%dma_start3A_50 : memref<128x128xf32, #tpu.memory_space<hbm>>) target(%arg8 : memref<128x128xf32, #tpu.memory_space<vmem>>) target_semaphore(%arg10 : memref<!tpu.dma_semaphore, #tpu.memory_space<semaphore_mem>>)
      %dma_wait3A = arith.constant 0 : i32
      %dma_wait3A_51 = tpu.memref_slice %arg2[%mul3A_37, %dma_wait3A] : memref<160000x128xf32, #tpu.memory_space<hbm>> -> memref<128x128xf32, #tpu.memory_space<hbm>>
      %dma_wait3A_52 = arith.constant 0 : i32
      %dma_wait3A_53 = tpu.memref_slice %arg2[%mul3A_37, %dma_wait3A_52] : memref<160000x128xf32, #tpu.memory_space<hbm>> -> memref<128x128xf32, #tpu.memory_space<hbm>>
      tpu.wait_dma2 semaphore(%arg10 : memref<!tpu.dma_semaphore, #tpu.memory_space<semaphore_mem>>) src(%dma_wait3A_53 : memref<128x128xf32, #tpu.memory_space<hbm>>) dst(%arg7 : memref<128x128xf32, #tpu.memory_space<vmem>>)
      %dma_start3A_54 = arith.constant 0 : i32
      %dma_start3A_55 = arith.constant 0 : i32
      %dma_start3A_56 = tpu.memref_slice %arg6[%dma_start3A_54, %dma_start3A_55] : memref<2x128xi32, #tpu.memory_space<vmem>> -> memref<1x128xi32, #tpu.memory_space<vmem>>
      %dma_start3A_57 = tpu.memref_squeeze %dma_start3A_56 : memref<1x128xi32, #tpu.memory_space<vmem>> -> memref<128xi32, #tpu.memory_space<vmem>>
      %dma_start3A_58 = arith.constant 0 : i32
      %dma_start3A_59 = arith.constant 0 : i32
      %dma_start3A_60 = tpu.memref_slice %arg9[%dma_start3A_58, %dma_start3A_59] : memref<10000x128xf32, #tpu.memory_space<vmem_shared>> -> memref<10000x128xf32, #tpu.memory_space<vmem_shared>>
      tpu.enqueue_indirect_dma source(%arg7 : memref<128x128xf32, #tpu.memory_space<vmem>>) target(%dma_start3A_60 : memref<10000x128xf32, #tpu.memory_space<vmem_shared>>) offsets(%dma_start3A_57 : memref<128xi32, #tpu.memory_space<vmem>>) semaphore(%arg11 : memref<!tpu.dma_semaphore, #tpu.memory_space<semaphore_mem>>) {add = true}
      %dma_wait3A_61 = arith.constant 0 : i32
      %dma_wait3A_62 = tpu.memref_slice %arg2[%mul3A_46, %dma_wait3A_61] : memref<160000x128xf32, #tpu.memory_space<hbm>> -> memref<128x128xf32, #tpu.memory_space<hbm>>
      %dma_wait3A_63 = arith.constant 0 : i32
      %dma_wait3A_64 = tpu.memref_slice %arg2[%mul3A_46, %dma_wait3A_63] : memref<160000x128xf32, #tpu.memory_space<hbm>> -> memref<128x128xf32, #tpu.memory_space<hbm>>
      tpu.wait_dma2 semaphore(%arg10 : memref<!tpu.dma_semaphore, #tpu.memory_space<semaphore_mem>>) src(%dma_wait3A_64 : memref<128x128xf32, #tpu.memory_space<hbm>>) dst(%arg8 : memref<128x128xf32, #tpu.memory_space<vmem>>)
      %dma_start3A_65 = arith.constant 1 : i32
      %dma_start3A_66 = arith.constant 0 : i32
      %dma_start3A_67 = tpu.memref_slice %arg6[%dma_start3A_65, %dma_start3A_66] : memref<2x128xi32, #tpu.memory_space<vmem>> -> memref<1x128xi32, #tpu.memory_space<vmem>>
      %dma_start3A_68 = tpu.memref_squeeze %dma_start3A_67 : memref<1x128xi32, #tpu.memory_space<vmem>> -> memref<128xi32, #tpu.memory_space<vmem>>
      %dma_start3A_69 = arith.constant 0 : i32
      %dma_start3A_70 = arith.constant 0 : i32
      %dma_start3A_71 = tpu.memref_slice %arg9[%dma_start3A_69, %dma_start3A_70] : memref<10000x128xf32, #tpu.memory_space<vmem_shared>> -> memref<10000x128xf32, #tpu.memory_space<vmem_shared>>
      tpu.enqueue_indirect_dma source(%arg8 : memref<128x128xf32, #tpu.memory_space<vmem>>) target(%dma_start3A_71 : memref<10000x128xf32, #tpu.memory_space<vmem_shared>>) offsets(%dma_start3A_68 : memref<128xi32, #tpu.memory_space<vmem>>) semaphore(%arg11 : memref<!tpu.dma_semaphore, #tpu.memory_space<semaphore_mem>>) {add = true}
      %dma_wait3A_72 = arith.constant 0 : i32
      %dma_wait3A_73 = arith.constant 0 : i32
      %dma_wait3A_74 = tpu.memref_slice %arg6[%dma_wait3A_72, %dma_wait3A_73] : memref<2x128xi32, #tpu.memory_space<vmem>> -> memref<1x128xi32, #tpu.memory_space<vmem>>
      %dma_wait3A_75 = tpu.memref_squeeze %dma_wait3A_74 : memref<1x128xi32, #tpu.memory_space<vmem>> -> memref<128xi32, #tpu.memory_space<vmem>>
      %dma_wait3A_76 = arith.constant 0 : i32
      %dma_wait3A_77 = arith.constant 0 : i32
      %dma_wait3A_78 = tpu.memref_slice %arg9[%dma_wait3A_76, %dma_wait3A_77] : memref<10000x128xf32, #tpu.memory_space<vmem_shared>> -> memref<10000x128xf32, #tpu.memory_space<vmem_shared>>
      tpu.wait_indirect_dma semaphore(%arg11 : memref<!tpu.dma_semaphore, #tpu.memory_space<semaphore_mem>>) src(%arg7 : memref<128x128xf32, #tpu.memory_space<vmem>>) dst(%dma_wait3A_78 : memref<10000x128xf32, #tpu.memory_space<vmem_shared>>)
      %dma_wait3A_79 = arith.constant 1 : i32
      %dma_wait3A_80 = arith.constant 0 : i32
      %dma_wait3A_81 = tpu.memref_slice %arg6[%dma_wait3A_79, %dma_wait3A_80] : memref<2x128xi32, #tpu.memory_space<vmem>> -> memref<1x128xi32, #tpu.memory_space<vmem>>
      %dma_wait3A_82 = tpu.memref_squeeze %dma_wait3A_81 : memref<1x128xi32, #tpu.memory_space<vmem>> -> memref<128xi32, #tpu.memory_space<vmem>>
      %dma_wait3A_83 = arith.constant 0 : i32
      %dma_wait3A_84 = arith.constant 0 : i32
      %dma_wait3A_85 = tpu.memref_slice %arg9[%dma_wait3A_83, %dma_wait3A_84] : memref<10000x128xf32, #tpu.memory_space<vmem_shared>> -> memref<10000x128xf32, #tpu.memory_space<vmem_shared>>
      tpu.wait_indirect_dma semaphore(%arg11 : memref<!tpu.dma_semaphore, #tpu.memory_space<semaphore_mem>>) src(%arg8 : memref<128x128xf32, #tpu.memory_space<vmem>>) dst(%dma_wait3A_85 : memref<10000x128xf32, #tpu.memory_space<vmem_shared>>)
    }
    %scan3A_9 = arith.constant 19 : i32
    %mul3A_10 = arith.constant 39 : i32
    %mul3A_11 = arith.muli %add3A, %mul3A_10 : i32
    %add3A_12 = arith.constant 0 : i32
    %add3A_13 = arith.addi %add3A_12, %mul3A_11 : i32
    %add3A_14 = arith.constant 38 : i32
    %add3A_15 = arith.addi %add3A_13, %add3A_14 : i32
    "tpu.region"() ({
      %run_scoped3A_26 = tpu.sem_alloc : memref<!tpu.dma_semaphore, #tpu.memory_space<semaphore_mem>>
      %dma_start3A = arith.constant 0 : i32
      %dma_start3A_27 = arith.constant 0 : i32
      %dma_start3A_28 = tpu.memref_slice %arg6[%dma_start3A, %dma_start3A_27] : memref<2x128xi32, #tpu.memory_space<vmem>> -> memref<1x128xi32, #tpu.memory_space<vmem>>
      %dma_start3A_29 = arith.constant 0 : i32
      %dma_start3A_30 = tpu.memref_slice %arg3[%add3A_15, %dma_start3A_29] : memref<2500x128xi32, #tpu.memory_space<hbm>> -> memref<1x128xi32, #tpu.memory_space<hbm>>
      %dma_start3A_31 = arith.constant 0 : i32
      %dma_start3A_32 = arith.constant 0 : i32
      %dma_start3A_33 = tpu.memref_slice %arg6[%dma_start3A_31, %dma_start3A_32] : memref<2x128xi32, #tpu.memory_space<vmem>> -> memref<1x128xi32, #tpu.memory_space<vmem>>
      %dma_start3A_34 = arith.constant 0 : i32
      %dma_start3A_35 = tpu.memref_slice %arg3[%add3A_15, %dma_start3A_34] : memref<2500x128xi32, #tpu.memory_space<hbm>> -> memref<1x128xi32, #tpu.memory_space<hbm>>
      tpu.enqueue_dma source(%dma_start3A_35 : memref<1x128xi32, #tpu.memory_space<hbm>>) target(%dma_start3A_33 : memref<1x128xi32, #tpu.memory_space<vmem>>) target_semaphore(%run_scoped3A_26 : memref<!tpu.dma_semaphore, #tpu.memory_space<semaphore_mem>>)
      %dma_wait3A = arith.constant 0 : i32
      %dma_wait3A_36 = arith.constant 0 : i32
      %dma_wait3A_37 = tpu.memref_slice %arg6[%dma_wait3A, %dma_wait3A_36] : memref<2x128xi32, #tpu.memory_space<vmem>> -> memref<1x128xi32, #tpu.memory_space<vmem>>
      %dma_wait3A_38 = arith.constant 0 : i32
      %dma_wait3A_39 = tpu.memref_slice %arg3[%add3A_15, %dma_wait3A_38] : memref<2500x128xi32, #tpu.memory_space<hbm>> -> memref<1x128xi32, #tpu.memory_space<hbm>>
      %dma_wait3A_40 = arith.constant 0 : i32
      %dma_wait3A_41 = arith.constant 0 : i32
      %dma_wait3A_42 = tpu.memref_slice %arg6[%dma_wait3A_40, %dma_wait3A_41] : memref<2x128xi32, #tpu.memory_space<vmem>> -> memref<1x128xi32, #tpu.memory_space<vmem>>
      %dma_wait3A_43 = arith.constant 0 : i32
      %dma_wait3A_44 = tpu.memref_slice %arg3[%add3A_15, %dma_wait3A_43] : memref<2500x128xi32, #tpu.memory_space<hbm>> -> memref<1x128xi32, #tpu.memory_space<hbm>>
      tpu.wait_dma2 semaphore(%run_scoped3A_26 : memref<!tpu.dma_semaphore, #tpu.memory_space<semaphore_mem>>) src(%dma_wait3A_44 : memref<1x128xi32, #tpu.memory_space<hbm>>) dst(%dma_wait3A_42 : memref<1x128xi32, #tpu.memory_space<vmem>>)
      tpu.yield
    }) : () -> ()
    %sub3A = arith.constant 0 : i32
    %sub3A_16 = arith.subi %add3A_15, %sub3A : i32
    %mul3A_17 = arith.constant 128 : i32
    %mul3A_18 = arith.muli %sub3A_16, %mul3A_17 : i32
    "tpu.region"() ({
      %run_scoped3A_26 = tpu.sem_alloc : memref<!tpu.dma_semaphore, #tpu.memory_space<semaphore_mem>>
      %dma_start3A = arith.constant 0 : i32
      %dma_start3A_27 = tpu.memref_slice %arg2[%mul3A_18, %dma_start3A] : memref<160000x128xf32, #tpu.memory_space<hbm>> -> memref<128x128xf32, #tpu.memory_space<hbm>>
      %dma_start3A_28 = arith.constant 0 : i32
      %dma_start3A_29 = tpu.memref_slice %arg2[%mul3A_18, %dma_start3A_28] : memref<160000x128xf32, #tpu.memory_space<hbm>> -> memref<128x128xf32, #tpu.memory_space<hbm>>
      tpu.enqueue_dma source(%dma_start3A_29 : memref<128x128xf32, #tpu.memory_space<hbm>>) target(%arg7 : memref<128x128xf32, #tpu.memory_space<vmem>>) target_semaphore(%run_scoped3A_26 : memref<!tpu.dma_semaphore, #tpu.memory_space<semaphore_mem>>)
      %dma_wait3A = arith.constant 0 : i32
      %dma_wait3A_30 = tpu.memref_slice %arg2[%mul3A_18, %dma_wait3A] : memref<160000x128xf32, #tpu.memory_space<hbm>> -> memref<128x128xf32, #tpu.memory_space<hbm>>
      %dma_wait3A_31 = arith.constant 0 : i32
      %dma_wait3A_32 = tpu.memref_slice %arg2[%mul3A_18, %dma_wait3A_31] : memref<160000x128xf32, #tpu.memory_space<hbm>> -> memref<128x128xf32, #tpu.memory_space<hbm>>
      tpu.wait_dma2 semaphore(%run_scoped3A_26 : memref<!tpu.dma_semaphore, #tpu.memory_space<semaphore_mem>>) src(%dma_wait3A_32 : memref<128x128xf32, #tpu.memory_space<hbm>>) dst(%arg7 : memref<128x128xf32, #tpu.memory_space<vmem>>)
      tpu.yield
    }) : () -> ()
    %run_scoped3A = arith.constant 0 : i32
    "tpu.region"() ({
      %run_scoped3A_26 = tpu.sem_alloc : memref<!tpu.dma_semaphore, #tpu.memory_space<semaphore_mem>>
      %dma_start3A = arith.constant 0 : i32
      %dma_start3A_27 = tpu.memref_slice %arg6[%run_scoped3A, %dma_start3A] : memref<2x128xi32, #tpu.memory_space<vmem>> -> memref<1x128xi32, #tpu.memory_space<vmem>>
      %dma_start3A_28 = tpu.memref_squeeze %dma_start3A_27 : memref<1x128xi32, #tpu.memory_space<vmem>> -> memref<128xi32, #tpu.memory_space<vmem>>
      %dma_start3A_29 = arith.constant 0 : i32
      %dma_start3A_30 = arith.constant 0 : i32
      %dma_start3A_31 = tpu.memref_slice %arg9[%dma_start3A_29, %dma_start3A_30] : memref<10000x128xf32, #tpu.memory_space<vmem_shared>> -> memref<10000x128xf32, #tpu.memory_space<vmem_shared>>
      tpu.enqueue_indirect_dma source(%arg7 : memref<128x128xf32, #tpu.memory_space<vmem>>) target(%dma_start3A_31 : memref<10000x128xf32, #tpu.memory_space<vmem_shared>>) offsets(%dma_start3A_28 : memref<128xi32, #tpu.memory_space<vmem>>) semaphore(%run_scoped3A_26 : memref<!tpu.dma_semaphore, #tpu.memory_space<semaphore_mem>>) {add = true}
      %dma_wait3A = arith.constant 0 : i32
      %dma_wait3A_32 = tpu.memref_slice %arg6[%run_scoped3A, %dma_wait3A] : memref<2x128xi32, #tpu.memory_space<vmem>> -> memref<1x128xi32, #tpu.memory_space<vmem>>
      %dma_wait3A_33 = tpu.memref_squeeze %dma_wait3A_32 : memref<1x128xi32, #tpu.memory_space<vmem>> -> memref<128xi32, #tpu.memory_space<vmem>>
      %dma_wait3A_34 = arith.constant 0 : i32
      %dma_wait3A_35 = arith.constant 0 : i32
      %dma_wait3A_36 = tpu.memref_slice %arg9[%dma_wait3A_34, %dma_wait3A_35] : memref<10000x128xf32, #tpu.memory_space<vmem_shared>> -> memref<10000x128xf32, #tpu.memory_space<vmem_shared>>
      tpu.wait_indirect_dma semaphore(%run_scoped3A_26 : memref<!tpu.dma_semaphore, #tpu.memory_space<semaphore_mem>>) src(%arg7 : memref<128x128xf32, #tpu.memory_space<vmem>>) dst(%dma_wait3A_36 : memref<10000x128xf32, #tpu.memory_space<vmem_shared>>)
      tpu.yield
    }) : () -> ()
    %lt3A = arith.constant 2 : i32
    %lt3A_19 = arith.cmpi slt, %add3A, %lt3A : i32
    %convert_element_type3A = arith.extui %lt3A_19 : i1 to i32
    %cond3A = arith.constant 0 : i32
    %cond3A_20 = arith.cmpi ne, %convert_element_type3A, %cond3A : i32
    scf.if %cond3A_20 {
      %add3A_26 = arith.constant 1248 : i32
      %add3A_27 = arith.addi %add3A_26, %add3A : i32
      "tpu.region"() ({
        %run_scoped3A_33 = tpu.sem_alloc : memref<!tpu.dma_semaphore, #tpu.memory_space<semaphore_mem>>
        %dma_start3A = arith.constant 0 : i32
        %dma_start3A_34 = arith.constant 0 : i32
        %dma_start3A_35 = tpu.memref_slice %arg6[%dma_start3A, %dma_start3A_34] : memref<2x128xi32, #tpu.memory_space<vmem>> -> memref<1x128xi32, #tpu.memory_space<vmem>>
        %dma_start3A_36 = arith.constant 0 : i32
        %dma_start3A_37 = tpu.memref_slice %arg3[%add3A_27, %dma_start3A_36] : memref<2500x128xi32, #tpu.memory_space<hbm>> -> memref<1x128xi32, #tpu.memory_space<hbm>>
        %dma_start3A_38 = arith.constant 0 : i32
        %dma_start3A_39 = arith.constant 0 : i32
        %dma_start3A_40 = tpu.memref_slice %arg6[%dma_start3A_38, %dma_start3A_39] : memref<2x128xi32, #tpu.memory_space<vmem>> -> memref<1x128xi32, #tpu.memory_space<vmem>>
        %dma_start3A_41 = arith.constant 0 : i32
        %dma_start3A_42 = tpu.memref_slice %arg3[%add3A_27, %dma_start3A_41] : memref<2500x128xi32, #tpu.memory_space<hbm>> -> memref<1x128xi32, #tpu.memory_space<hbm>>
        tpu.enqueue_dma source(%dma_start3A_42 : memref<1x128xi32, #tpu.memory_space<hbm>>) target(%dma_start3A_40 : memref<1x128xi32, #tpu.memory_space<vmem>>) target_semaphore(%run_scoped3A_33 : memref<!tpu.dma_semaphore, #tpu.memory_space<semaphore_mem>>)
        %dma_wait3A = arith.constant 0 : i32
        %dma_wait3A_43 = arith.constant 0 : i32
        %dma_wait3A_44 = tpu.memref_slice %arg6[%dma_wait3A, %dma_wait3A_43] : memref<2x128xi32, #tpu.memory_space<vmem>> -> memref<1x128xi32, #tpu.memory_space<vmem>>
        %dma_wait3A_45 = arith.constant 0 : i32
        %dma_wait3A_46 = tpu.memref_slice %arg3[%add3A_27, %dma_wait3A_45] : memref<2500x128xi32, #tpu.memory_space<hbm>> -> memref<1x128xi32, #tpu.memory_space<hbm>>
        %dma_wait3A_47 = arith.constant 0 : i32
        %dma_wait3A_48 = arith.constant 0 : i32
        %dma_wait3A_49 = tpu.memref_slice %arg6[%dma_wait3A_47, %dma_wait3A_48] : memref<2x128xi32, #tpu.memory_space<vmem>> -> memref<1x128xi32, #tpu.memory_space<vmem>>
        %dma_wait3A_50 = arith.constant 0 : i32
        %dma_wait3A_51 = tpu.memref_slice %arg3[%add3A_27, %dma_wait3A_50] : memref<2500x128xi32, #tpu.memory_space<hbm>> -> memref<1x128xi32, #tpu.memory_space<hbm>>
        tpu.wait_dma2 semaphore(%run_scoped3A_33 : memref<!tpu.dma_semaphore, #tpu.memory_space<semaphore_mem>>) src(%dma_wait3A_51 : memref<1x128xi32, #tpu.memory_space<hbm>>) dst(%dma_wait3A_49 : memref<1x128xi32, #tpu.memory_space<vmem>>)
        tpu.yield
      }) : () -> ()
      %sub3A_28 = arith.constant 0 : i32
      %sub3A_29 = arith.subi %add3A_27, %sub3A_28 : i32
      %mul3A_30 = arith.constant 128 : i32
      %mul3A_31 = arith.muli %sub3A_29, %mul3A_30 : i32
      "tpu.region"() ({
        %run_scoped3A_33 = tpu.sem_alloc : memref<!tpu.dma_semaphore, #tpu.memory_space<semaphore_mem>>
        %dma_start3A = arith.constant 0 : i32
        %dma_start3A_34 = tpu.memref_slice %arg2[%mul3A_31, %dma_start3A] : memref<160000x128xf32, #tpu.memory_space<hbm>> -> memref<128x128xf32, #tpu.memory_space<hbm>>
        %dma_start3A_35 = arith.constant 0 : i32
        %dma_start3A_36 = tpu.memref_slice %arg2[%mul3A_31, %dma_start3A_35] : memref<160000x128xf32, #tpu.memory_space<hbm>> -> memref<128x128xf32, #tpu.memory_space<hbm>>
        tpu.enqueue_dma source(%dma_start3A_36 : memref<128x128xf32, #tpu.memory_space<hbm>>) target(%arg7 : memref<128x128xf32, #tpu.memory_space<vmem>>) target_semaphore(%run_scoped3A_33 : memref<!tpu.dma_semaphore, #tpu.memory_space<semaphore_mem>>)
        %dma_wait3A = arith.constant 0 : i32
        %dma_wait3A_37 = tpu.memref_slice %arg2[%mul3A_31, %dma_wait3A] : memref<160000x128xf32, #tpu.memory_space<hbm>> -> memref<128x128xf32, #tpu.memory_space<hbm>>
        %dma_wait3A_38 = arith.constant 0 : i32
        %dma_wait3A_39 = tpu.memref_slice %arg2[%mul3A_31, %dma_wait3A_38] : memref<160000x128xf32, #tpu.memory_space<hbm>> -> memref<128x128xf32, #tpu.memory_space<hbm>>
        tpu.wait_dma2 semaphore(%run_scoped3A_33 : memref<!tpu.dma_semaphore, #tpu.memory_space<semaphore_mem>>) src(%dma_wait3A_39 : memref<128x128xf32, #tpu.memory_space<hbm>>) dst(%arg7 : memref<128x128xf32, #tpu.memory_space<vmem>>)
        tpu.yield
      }) : () -> ()
      %run_scoped3A_32 = arith.constant 0 : i32
      "tpu.region"() ({
        %run_scoped3A_33 = tpu.sem_alloc : memref<!tpu.dma_semaphore, #tpu.memory_space<semaphore_mem>>
        %dma_start3A = arith.constant 0 : i32
        %dma_start3A_34 = tpu.memref_slice %arg6[%run_scoped3A_32, %dma_start3A] : memref<2x128xi32, #tpu.memory_space<vmem>> -> memref<1x128xi32, #tpu.memory_space<vmem>>
        %dma_start3A_35 = tpu.memref_squeeze %dma_start3A_34 : memref<1x128xi32, #tpu.memory_space<vmem>> -> memref<128xi32, #tpu.memory_space<vmem>>
        %dma_start3A_36 = arith.constant 0 : i32
        %dma_start3A_37 = arith.constant 0 : i32
        %dma_start3A_38 = tpu.memref_slice %arg9[%dma_start3A_36, %dma_start3A_37] : memref<10000x128xf32, #tpu.memory_space<vmem_shared>> -> memref<10000x128xf32, #tpu.memory_space<vmem_shared>>
        tpu.enqueue_indirect_dma source(%arg7 : memref<128x128xf32, #tpu.memory_space<vmem>>) target(%dma_start3A_38 : memref<10000x128xf32, #tpu.memory_space<vmem_shared>>) offsets(%dma_start3A_35 : memref<128xi32, #tpu.memory_space<vmem>>) semaphore(%run_scoped3A_33 : memref<!tpu.dma_semaphore, #tpu.memory_space<semaphore_mem>>) {add = true}
        %dma_wait3A = arith.constant 0 : i32
        %dma_wait3A_39 = tpu.memref_slice %arg6[%run_scoped3A_32, %dma_wait3A] : memref<2x128xi32, #tpu.memory_space<vmem>> -> memref<1x128xi32, #tpu.memory_space<vmem>>
        %dma_wait3A_40 = tpu.memref_squeeze %dma_wait3A_39 : memref<1x128xi32, #tpu.memory_space<vmem>> -> memref<128xi32, #tpu.memory_space<vmem>>
        %dma_wait3A_41 = arith.constant 0 : i32
        %dma_wait3A_42 = arith.constant 0 : i32
        %dma_wait3A_43 = tpu.memref_slice %arg9[%dma_wait3A_41, %dma_wait3A_42] : memref<10000x128xf32, #tpu.memory_space<vmem_shared>> -> memref<10000x128xf32, #tpu.memory_space<vmem_shared>>
        tpu.wait_indirect_dma semaphore(%run_scoped3A_33 : memref<!tpu.dma_semaphore, #tpu.memory_space<semaphore_mem>>) src(%arg7 : memref<128x128xf32, #tpu.memory_space<vmem>>) dst(%dma_wait3A_43 : memref<10000x128xf32, #tpu.memory_space<vmem_shared>>)
        tpu.yield
      }) : () -> ()
    } else {
    }
    %barrier3A_21 = arith.constant 0 : index
    tpu.barrier barrier_id(%barrier3A_21)
    %mul3A_22 = arith.constant 625 : i32
    %mul3A_23 = arith.muli %arg1, %mul3A_22 : i32
    %mul3A_24 = arith.constant 625 : i32
    %mul3A_25 = arith.muli %arg1, %mul3A_24 : i32
    "tpu.region"() ({
      %run_scoped3A_26 = tpu.sem_alloc : memref<!tpu.dma_semaphore, #tpu.memory_space<semaphore_mem>>
      %dma_start3A = arith.constant 0 : i32
      %dma_start3A_27 = tpu.memref_slice %arg5[%arg0, %mul3A_25, %dma_start3A] : memref<2x10000x128xf32, #tpu.memory_space<hbm>> -> memref<1x625x128xf32, #tpu.memory_space<hbm>>
      %dma_start3A_28 = tpu.memref_squeeze %dma_start3A_27 : memref<1x625x128xf32, #tpu.memory_space<hbm>> -> memref<625x128xf32, #tpu.memory_space<hbm>>
      %dma_start3A_29 = arith.constant 0 : i32
      %dma_start3A_30 = tpu.memref_slice %arg9[%mul3A_23, %dma_start3A_29] : memref<10000x128xf32, #tpu.memory_space<vmem_shared>> -> memref<625x128xf32, #tpu.memory_space<vmem_shared>>
      tpu.enqueue_dma source(%dma_start3A_30 : memref<625x128xf32, #tpu.memory_space<vmem_shared>>) target(%dma_start3A_28 : memref<625x128xf32, #tpu.memory_space<hbm>>) target_semaphore(%run_scoped3A_26 : memref<!tpu.dma_semaphore, #tpu.memory_space<semaphore_mem>>)
      %dma_wait3A = arith.constant 0 : i32
      %dma_wait3A_31 = tpu.memref_slice %arg5[%arg0, %mul3A_25, %dma_wait3A] : memref<2x10000x128xf32, #tpu.memory_space<hbm>> -> memref<1x625x128xf32, #tpu.memory_space<hbm>>
      %dma_wait3A_32 = tpu.memref_squeeze %dma_wait3A_31 : memref<1x625x128xf32, #tpu.memory_space<hbm>> -> memref<625x128xf32, #tpu.memory_space<hbm>>
      %dma_wait3A_33 = arith.constant 0 : i32
      %dma_wait3A_34 = tpu.memref_slice %arg9[%mul3A_23, %dma_wait3A_33] : memref<10000x128xf32, #tpu.memory_space<vmem_shared>> -> memref<625x128xf32, #tpu.memory_space<vmem_shared>>
      tpu.wait_dma2 semaphore(%run_scoped3A_26 : memref<!tpu.dma_semaphore, #tpu.memory_space<semaphore_mem>>) src(%dma_wait3A_34 : memref<625x128xf32, #tpu.memory_space<vmem_shared>>) dst(%dma_wait3A_32 : memref<625x128xf32, #tpu.memory_space<hbm>>)
      tpu.yield
    }) : () -> ()
    return
  }
}

module attributes {stable_mosaic.version = 14 : i64} {
  func.func @_mlp_body(%arg0: i32, %arg1: memref<3200x128xf32, #tpu.memory_space<vmem>>, %arg2: memref<400x128xf32, #tpu.memory_space<vmem>>, %arg3: memref<128x128xbf16, #tpu.memory_space<vmem>>, %arg4: memref<128x1024xbf16, #tpu.memory_space<vmem>>, %arg5: memref<1x128xf32, #tpu.memory_space<vmem>>, %arg6: memref<128x128xbf16, #tpu.memory_space<vmem>>, %arg7: memref<1x128xf32, #tpu.memory_space<vmem>>, %arg8: memref<3200x128xf32, #tpu.memory_space<vmem>>) attributes {dimension_semantics = [#tpu.dimension_semantics<arbitrary>], iteration_bounds = array<i64: 50>, scalar_prefetch = 0 : i64, scratch_operands = 0 : i64, tpu.core_type = #tpu.core_type<tc>, window_params = [{transform_indices = @transform_0, window_bounds = array<i64: 3200, 128>}, {transform_indices = @transform_1, window_bounds = array<i64: 400, 128>}, {pipeline_mode = #tpu.pipeline_mode<synchronous>, transform_indices = @transform_2, window_bounds = array<i64: 128, 128>}, {pipeline_mode = #tpu.pipeline_mode<synchronous>, transform_indices = @transform_3, window_bounds = array<i64: 128, 1024>}, {pipeline_mode = #tpu.pipeline_mode<synchronous>, transform_indices = @transform_4, window_bounds = array<i64: 1, 128>}, {pipeline_mode = #tpu.pipeline_mode<synchronous>, transform_indices = @transform_5, window_bounds = array<i64: 128, 128>}, {pipeline_mode = #tpu.pipeline_mode<synchronous>, transform_indices = @transform_6, window_bounds = array<i64: 1, 128>}, {transform_indices = @transform_7, window_bounds = array<i64: 3200, 128>}]} {
    %get3A = arith.constant 0 : index
    %get3A_0 = arith.constant 0 : index
    %get3A_1 = vector.load %arg1[%get3A, %get3A_0] : memref<3200x128xf32, #tpu.memory_space<vmem>>, vector<3200x128xf32>
    %convert_element_type3A = arith.truncf %get3A_1 : vector<3200x128xf32> to vector<3200x128xbf16>
    %get3A_2 = arith.constant 0 : index
    %get3A_3 = arith.constant 0 : index
    %get3A_4 = vector.load %arg3[%get3A_2, %get3A_3] : memref<128x128xbf16, #tpu.memory_space<vmem>>, vector<128x128xbf16>
    %dot_general3A = arith.constant dense<0.000000e+00> : vector<3200x128xf32>
    %dot_general3A_5 = tpu.matmul %convert_element_type3A, %get3A_4, %dot_general3A {dimension_numbers = #tpu.dot_dimension_numbers<[1], [0], [0], [1], [0, 0, 1, 1], [], []>, transpose_lhs_hint = false} : vector<3200x128xbf16>, vector<128x128xbf16>, vector<3200x128xf32> -> vector<3200x128xf32>
    %get3A_6 = arith.constant 0 : index
    %get3A_7 = arith.constant 0 : index
    %get3A_8 = vector.load %arg2[%get3A_6, %get3A_7] : memref<400x128xf32, #tpu.memory_space<vmem>>, vector<400x128xf32>
    %convert_element_type3A_9 = arith.truncf %get3A_8 : vector<400x128xf32> to vector<400x128xbf16>
    %get3A_10 = arith.constant 0 : index
    %get3A_11 = arith.constant 0 : index
    %get3A_12 = vector.load %arg4[%get3A_10, %get3A_11] : memref<128x1024xbf16, #tpu.memory_space<vmem>>, vector<128x1024xbf16>
    %dot_general3A_13 = arith.constant dense<0.000000e+00> : vector<400x1024xf32>
    %dot_general3A_14 = tpu.matmul %convert_element_type3A_9, %get3A_12, %dot_general3A_13 {dimension_numbers = #tpu.dot_dimension_numbers<[1], [0], [0], [1], [0, 0, 1, 1], [], []>, transpose_lhs_hint = false} : vector<400x128xbf16>, vector<128x1024xbf16>, vector<400x1024xf32> -> vector<400x1024xf32>
    %reshape3A = vector.shape_cast %dot_general3A_14 : vector<400x1024xf32> to vector<3200x128xf32>
    %get3A_15 = arith.constant 0 : index
    %get3A_16 = arith.constant 0 : index
    %get3A_17 = vector.load %arg5[%get3A_15, %get3A_16] : memref<1x128xf32, #tpu.memory_space<vmem>>, vector<1x128xf32>
    %add3A = vector.broadcast %get3A_17 : vector<1x128xf32> to vector<3200x128xf32>
    %add3A_18 = arith.addf %reshape3A, %add3A : vector<3200x128xf32>
    %add3A_19 = arith.addf %dot_general3A_5, %add3A_18 : vector<3200x128xf32>
    %logistic3A = arith.negf %add3A_19 : vector<3200x128xf32>
    %logistic3A_20 = math.exp %logistic3A : vector<3200x128xf32>
    %logistic3A_21 = arith.constant 1.000000e+00 : f32
    %logistic3A_22 = vector.broadcast %logistic3A_21 : f32 to vector<3200x128xf32>
    %logistic3A_23 = arith.addf %logistic3A_22, %logistic3A_20 : vector<3200x128xf32>
    %logistic3A_24 = arith.divf %logistic3A_22, %logistic3A_23 : vector<3200x128xf32>
    %mul3A = arith.mulf %add3A_19, %logistic3A_24 : vector<3200x128xf32>
    %convert_element_type3A_25 = arith.truncf %mul3A : vector<3200x128xf32> to vector<3200x128xbf16>
    %get3A_26 = arith.constant 0 : index
    %get3A_27 = arith.constant 0 : index
    %get3A_28 = vector.load %arg6[%get3A_26, %get3A_27] : memref<128x128xbf16, #tpu.memory_space<vmem>>, vector<128x128xbf16>
    %dot_general3A_29 = arith.constant dense<0.000000e+00> : vector<3200x128xf32>
    %dot_general3A_30 = tpu.matmul %convert_element_type3A_25, %get3A_28, %dot_general3A_29 {dimension_numbers = #tpu.dot_dimension_numbers<[1], [0], [0], [1], [0, 0, 1, 1], [], []>, transpose_lhs_hint = false} : vector<3200x128xbf16>, vector<128x128xbf16>, vector<3200x128xf32> -> vector<3200x128xf32>
    %get3A_31 = arith.constant 0 : index
    %get3A_32 = arith.constant 0 : index
    %get3A_33 = vector.load %arg7[%get3A_31, %get3A_32] : memref<1x128xf32, #tpu.memory_space<vmem>>, vector<1x128xf32>
    %add3A_34 = vector.broadcast %get3A_33 : vector<1x128xf32> to vector<3200x128xf32>
    %add3A_35 = arith.addf %dot_general3A_30, %add3A_34 : vector<3200x128xf32>
    %logistic3A_36 = arith.negf %add3A_35 : vector<3200x128xf32>
    %logistic3A_37 = math.exp %logistic3A_36 : vector<3200x128xf32>
    %logistic3A_38 = arith.constant 1.000000e+00 : f32
    %logistic3A_39 = vector.broadcast %logistic3A_38 : f32 to vector<3200x128xf32>
    %logistic3A_40 = arith.addf %logistic3A_39, %logistic3A_37 : vector<3200x128xf32>
    %logistic3A_41 = arith.divf %logistic3A_39, %logistic3A_40 : vector<3200x128xf32>
    %mul3A_42 = arith.mulf %add3A_35, %logistic3A_41 : vector<3200x128xf32>
    %swap3A = arith.constant 0 : index
    %swap3A_43 = arith.constant 0 : index
    %swap3A_44 = vector.load %arg8[%swap3A, %swap3A_43] : memref<3200x128xf32, #tpu.memory_space<vmem>>, vector<3200x128xf32>
    tpu.vector_store %arg8[%swap3A, %swap3A_43], %mul3A_42 {strides = array<i32>} : memref<3200x128xf32, #tpu.memory_space<vmem>>, vector<3200x128xf32>,
    return
  }
  func.func @transform_0(%arg0: i32) -> (i32, i32) {
    %c0_i32 = arith.constant 0 : i32
    %c0_i32_0 = arith.constant 0 : i32
    return %arg0, %c0_i32 : i32, i32
  }
  func.func @transform_1(%arg0: i32) -> (i32, i32) {
    %add3A = arith.constant 50 : i32
    %add3A_0 = arith.addi %arg0, %add3A : i32
    %c0_i32 = arith.constant 0 : i32
    %c0_i32_1 = arith.constant 0 : i32
    return %add3A_0, %c0_i32 : i32, i32
  }
  func.func @transform_2(%arg0: i32) -> (i32, i32) {
    %c0_i32 = arith.constant 0 : i32
    %c0_i32_0 = arith.constant 0 : i32
    %c0_i32_1 = arith.constant 0 : i32
    return %c0_i32, %c0_i32_0 : i32, i32
  }
  func.func @transform_3(%arg0: i32) -> (i32, i32) {
    %c0_i32 = arith.constant 0 : i32
    %c0_i32_0 = arith.constant 0 : i32
    %c0_i32_1 = arith.constant 0 : i32
    return %c0_i32, %c0_i32_0 : i32, i32
  }
  func.func @transform_4(%arg0: i32) -> (i32, i32) {
    %c0_i32 = arith.constant 0 : i32
    %c0_i32_0 = arith.constant 0 : i32
    %c0_i32_1 = arith.constant 0 : i32
    return %c0_i32, %c0_i32_0 : i32, i32
  }
  func.func @transform_5(%arg0: i32) -> (i32, i32) {
    %c0_i32 = arith.constant 0 : i32
    %c0_i32_0 = arith.constant 0 : i32
    %c0_i32_1 = arith.constant 0 : i32
    return %c0_i32, %c0_i32_0 : i32, i32
  }
  func.func @transform_6(%arg0: i32) -> (i32, i32) {
    %c0_i32 = arith.constant 0 : i32
    %c0_i32_0 = arith.constant 0 : i32
    %c0_i32_1 = arith.constant 0 : i32
    return %c0_i32, %c0_i32_0 : i32, i32
  }
  func.func @transform_7(%arg0: i32) -> (i32, i32) {
    %c0_i32 = arith.constant 0 : i32
    %c0_i32_0 = arith.constant 0 : i32
    return %arg0, %c0_i32 : i32, i32
  }
}

module attributes {stable_mosaic.version = 14 : i64} {
  func.func @_mlp_body(%arg0: i32, %arg1: memref<3200x128xf32, #tpu.memory_space<vmem>>, %arg2: memref<400x128xf32, #tpu.memory_space<vmem>>, %arg3: memref<128x128xbf16, #tpu.memory_space<vmem>>, %arg4: memref<128x1024xbf16, #tpu.memory_space<vmem>>, %arg5: memref<1x128xf32, #tpu.memory_space<vmem>>, %arg6: memref<128x128xbf16, #tpu.memory_space<vmem>>, %arg7: memref<1x128xf32, #tpu.memory_space<vmem>>, %arg8: memref<3200x128xf32, #tpu.memory_space<vmem>>) attributes {dimension_semantics = [#tpu.dimension_semantics<arbitrary>], iteration_bounds = array<i64: 50>, scalar_prefetch = 0 : i64, scratch_operands = 0 : i64, tpu.core_type = #tpu.core_type<tc>, window_params = [{transform_indices = @transform_0, window_bounds = array<i64: 3200, 128>}, {transform_indices = @transform_1, window_bounds = array<i64: 400, 128>}, {pipeline_mode = #tpu.pipeline_mode<synchronous>, transform_indices = @transform_2, window_bounds = array<i64: 128, 128>}, {pipeline_mode = #tpu.pipeline_mode<synchronous>, transform_indices = @transform_3, window_bounds = array<i64: 128, 1024>}, {pipeline_mode = #tpu.pipeline_mode<synchronous>, transform_indices = @transform_4, window_bounds = array<i64: 1, 128>}, {pipeline_mode = #tpu.pipeline_mode<synchronous>, transform_indices = @transform_5, window_bounds = array<i64: 128, 128>}, {pipeline_mode = #tpu.pipeline_mode<synchronous>, transform_indices = @transform_6, window_bounds = array<i64: 1, 128>}, {transform_indices = @transform_7, window_bounds = array<i64: 3200, 128>}]} {
    %get3A = arith.constant 0 : index
    %get3A_0 = arith.constant 0 : index
    %get3A_1 = vector.load %arg1[%get3A, %get3A_0] : memref<3200x128xf32, #tpu.memory_space<vmem>>, vector<3200x128xf32>
    %convert_element_type3A = arith.truncf %get3A_1 : vector<3200x128xf32> to vector<3200x128xbf16>
    %get3A_2 = arith.constant 0 : index
    %get3A_3 = arith.constant 0 : index
    %get3A_4 = vector.load %arg3[%get3A_2, %get3A_3] : memref<128x128xbf16, #tpu.memory_space<vmem>>, vector<128x128xbf16>
    %dot_general3A = arith.constant dense<0.000000e+00> : vector<3200x128xf32>
    %dot_general3A_5 = tpu.matmul %convert_element_type3A, %get3A_4, %dot_general3A {dimension_numbers = #tpu.dot_dimension_numbers<[1], [0], [0], [1], [0, 0, 1, 1], [], []>, transpose_lhs_hint = false} : vector<3200x128xbf16>, vector<128x128xbf16>, vector<3200x128xf32> -> vector<3200x128xf32>
    %get3A_6 = arith.constant 0 : index
    %get3A_7 = arith.constant 0 : index
    %get3A_8 = vector.load %arg2[%get3A_6, %get3A_7] : memref<400x128xf32, #tpu.memory_space<vmem>>, vector<400x128xf32>
    %convert_element_type3A_9 = arith.truncf %get3A_8 : vector<400x128xf32> to vector<400x128xbf16>
    %get3A_10 = arith.constant 0 : index
    %get3A_11 = arith.constant 0 : index
    %get3A_12 = vector.load %arg4[%get3A_10, %get3A_11] : memref<128x1024xbf16, #tpu.memory_space<vmem>>, vector<128x1024xbf16>
    %dot_general3A_13 = arith.constant dense<0.000000e+00> : vector<400x1024xf32>
    %dot_general3A_14 = tpu.matmul %convert_element_type3A_9, %get3A_12, %dot_general3A_13 {dimension_numbers = #tpu.dot_dimension_numbers<[1], [0], [0], [1], [0, 0, 1, 1], [], []>, transpose_lhs_hint = false} : vector<400x128xbf16>, vector<128x1024xbf16>, vector<400x1024xf32> -> vector<400x1024xf32>
    %reshape3A = vector.shape_cast %dot_general3A_14 : vector<400x1024xf32> to vector<3200x128xf32>
    %get3A_15 = arith.constant 0 : index
    %get3A_16 = arith.constant 0 : index
    %get3A_17 = vector.load %arg5[%get3A_15, %get3A_16] : memref<1x128xf32, #tpu.memory_space<vmem>>, vector<1x128xf32>
    %add3A = vector.broadcast %get3A_17 : vector<1x128xf32> to vector<3200x128xf32>
    %add3A_18 = arith.addf %reshape3A, %add3A : vector<3200x128xf32>
    %add3A_19 = arith.addf %dot_general3A_5, %add3A_18 : vector<3200x128xf32>
    %logistic3A = arith.negf %add3A_19 : vector<3200x128xf32>
    %logistic3A_20 = math.exp %logistic3A : vector<3200x128xf32>
    %logistic3A_21 = arith.constant 1.000000e+00 : f32
    %logistic3A_22 = vector.broadcast %logistic3A_21 : f32 to vector<3200x128xf32>
    %logistic3A_23 = arith.addf %logistic3A_22, %logistic3A_20 : vector<3200x128xf32>
    %logistic3A_24 = arith.divf %logistic3A_22, %logistic3A_23 : vector<3200x128xf32>
    %mul3A = arith.mulf %add3A_19, %logistic3A_24 : vector<3200x128xf32>
    %convert_element_type3A_25 = arith.truncf %mul3A : vector<3200x128xf32> to vector<3200x128xbf16>
    %get3A_26 = arith.constant 0 : index
    %get3A_27 = arith.constant 0 : index
    %get3A_28 = vector.load %arg6[%get3A_26, %get3A_27] : memref<128x128xbf16, #tpu.memory_space<vmem>>, vector<128x128xbf16>
    %dot_general3A_29 = arith.constant dense<0.000000e+00> : vector<3200x128xf32>
    %dot_general3A_30 = tpu.matmul %convert_element_type3A_25, %get3A_28, %dot_general3A_29 {dimension_numbers = #tpu.dot_dimension_numbers<[1], [0], [0], [1], [0, 0, 1, 1], [], []>, transpose_lhs_hint = false} : vector<3200x128xbf16>, vector<128x128xbf16>, vector<3200x128xf32> -> vector<3200x128xf32>
    %get3A_31 = arith.constant 0 : index
    %get3A_32 = arith.constant 0 : index
    %get3A_33 = vector.load %arg7[%get3A_31, %get3A_32] : memref<1x128xf32, #tpu.memory_space<vmem>>, vector<1x128xf32>
    %add3A_34 = vector.broadcast %get3A_33 : vector<1x128xf32> to vector<3200x128xf32>
    %add3A_35 = arith.addf %dot_general3A_30, %add3A_34 : vector<3200x128xf32>
    %logistic3A_36 = arith.negf %add3A_35 : vector<3200x128xf32>
    %logistic3A_37 = math.exp %logistic3A_36 : vector<3200x128xf32>
    %logistic3A_38 = arith.constant 1.000000e+00 : f32
    %logistic3A_39 = vector.broadcast %logistic3A_38 : f32 to vector<3200x128xf32>
    %logistic3A_40 = arith.addf %logistic3A_39, %logistic3A_37 : vector<3200x128xf32>
    %logistic3A_41 = arith.divf %logistic3A_39, %logistic3A_40 : vector<3200x128xf32>
    %mul3A_42 = arith.mulf %add3A_35, %logistic3A_41 : vector<3200x128xf32>
    %swap3A = arith.constant 0 : index
    %swap3A_43 = arith.constant 0 : index
    %swap3A_44 = vector.load %arg8[%swap3A, %swap3A_43] : memref<3200x128xf32, #tpu.memory_space<vmem>>, vector<3200x128xf32>
    tpu.vector_store %arg8[%swap3A, %swap3A_43], %mul3A_42 {strides = array<i32>} : memref<3200x128xf32, #tpu.memory_space<vmem>>, vector<3200x128xf32>,
    return
  }
  func.func @transform_0(%arg0: i32) -> (i32, i32) {
    %c0_i32 = arith.constant 0 : i32
    %c0_i32_0 = arith.constant 0 : i32
    return %arg0, %c0_i32 : i32, i32
  }
  func.func @transform_1(%arg0: i32) -> (i32, i32) {
    %add3A = arith.constant 0 : i32
    %add3A_0 = arith.addi %arg0, %add3A : i32
    %c0_i32 = arith.constant 0 : i32
    %c0_i32_1 = arith.constant 0 : i32
    return %add3A_0, %c0_i32 : i32, i32
  }
  func.func @transform_2(%arg0: i32) -> (i32, i32) {
    %c0_i32 = arith.constant 0 : i32
    %c0_i32_0 = arith.constant 0 : i32
    %c0_i32_1 = arith.constant 0 : i32
    return %c0_i32, %c0_i32_0 : i32, i32
  }
  func.func @transform_3(%arg0: i32) -> (i32, i32) {
    %c0_i32 = arith.constant 0 : i32
    %c0_i32_0 = arith.constant 0 : i32
    %c0_i32_1 = arith.constant 0 : i32
    return %c0_i32, %c0_i32_0 : i32, i32
  }
  func.func @transform_4(%arg0: i32) -> (i32, i32) {
    %c0_i32 = arith.constant 0 : i32
    %c0_i32_0 = arith.constant 0 : i32
    %c0_i32_1 = arith.constant 0 : i32
    return %c0_i32, %c0_i32_0 : i32, i32
  }
  func.func @transform_5(%arg0: i32) -> (i32, i32) {
    %c0_i32 = arith.constant 0 : i32
    %c0_i32_0 = arith.constant 0 : i32
    %c0_i32_1 = arith.constant 0 : i32
    return %c0_i32, %c0_i32_0 : i32, i32
  }
  func.func @transform_6(%arg0: i32) -> (i32, i32) {
    %c0_i32 = arith.constant 0 : i32
    %c0_i32_0 = arith.constant 0 : i32
    %c0_i32_1 = arith.constant 0 : i32
    return %c0_i32, %c0_i32_0 : i32, i32
  }
  func.func @transform_7(%arg0: i32) -> (i32, i32) {
    %c0_i32 = arith.constant 0 : i32
    %c0_i32_0 = arith.constant 0 : i32
    return %arg0, %c0_i32 : i32, i32
  }
}

module attributes {stable_mosaic.version = 14 : i64} {
  func.func @_final_body(%arg0: memref<10000x128xf32, #tpu.memory_space<vmem>>, %arg1: memref<2x10000x128xf32, #tpu.memory_space<vmem>>, %arg2: memref<2x10000x128xf32, #tpu.memory_space<vmem>>, %arg3: memref<128x128xf32, #tpu.memory_space<vmem>>, %arg4: memref<1x128xf32, #tpu.memory_space<vmem>>, %arg5: memref<128x128xf32, #tpu.memory_space<vmem>>, %arg6: memref<1x128xf32, #tpu.memory_space<vmem>>, %arg7: memref<1x128xf32, #tpu.memory_space<vmem>>, %arg8: memref<1x128xf32, #tpu.memory_space<vmem>>, %arg9: memref<1x128xf32, #tpu.memory_space<vmem>>, %arg10: memref<1x128xf32, #tpu.memory_space<vmem>>, %arg11: memref<10000x128xf32, #tpu.memory_space<vmem>>) attributes {dimension_semantics = [], scalar_prefetch = 0 : i64, scratch_operands = 0 : i64, tpu.core_type = #tpu.core_type<tc>} {
    %get3A = arith.constant 0 : index
    %get3A_0 = arith.constant 0 : index
    %get3A_1 = arith.constant 0 : index
    %get3A_2 = vector.load %arg1[%get3A, %get3A_0, %get3A_1] : memref<2x10000x128xf32, #tpu.memory_space<vmem>>, vector<1x10000x128xf32>
    %get3A_3 = vector.shape_cast %get3A_2 : vector<1x10000x128xf32> to vector<10000x128xf32>
    %get3A_4 = arith.constant 1 : index
    %get3A_5 = arith.constant 0 : index
    %get3A_6 = arith.constant 0 : index
    %get3A_7 = vector.load %arg1[%get3A_4, %get3A_5, %get3A_6] : memref<2x10000x128xf32, #tpu.memory_space<vmem>>, vector<1x10000x128xf32>
    %get3A_8 = vector.shape_cast %get3A_7 : vector<1x10000x128xf32> to vector<10000x128xf32>
    %add3A = arith.addf %get3A_3, %get3A_8 : vector<10000x128xf32>
    %get3A_9 = arith.constant 0 : index
    %get3A_10 = arith.constant 0 : index
    %get3A_11 = arith.constant 0 : index
    %get3A_12 = vector.load %arg2[%get3A_9, %get3A_10, %get3A_11] : memref<2x10000x128xf32, #tpu.memory_space<vmem>>, vector<1x10000x128xf32>
    %get3A_13 = vector.shape_cast %get3A_12 : vector<1x10000x128xf32> to vector<10000x128xf32>
    %add3A_14 = arith.addf %add3A, %get3A_13 : vector<10000x128xf32>
    %get3A_15 = arith.constant 1 : index
    %get3A_16 = arith.constant 0 : index
    %get3A_17 = arith.constant 0 : index
    %get3A_18 = vector.load %arg2[%get3A_15, %get3A_16, %get3A_17] : memref<2x10000x128xf32, #tpu.memory_space<vmem>>, vector<1x10000x128xf32>
    %get3A_19 = vector.shape_cast %get3A_18 : vector<1x10000x128xf32> to vector<10000x128xf32>
    %add3A_20 = arith.addf %add3A_14, %get3A_19 : vector<10000x128xf32>
    %mul3A = arith.constant 1.000000e-01 : f32
    %mul3A_21 = vector.broadcast %mul3A : f32 to vector<10000x128xf32>
    %mul3A_22 = arith.mulf %add3A_20, %mul3A_21 : vector<10000x128xf32>
    %get3A_23 = arith.constant 0 : index
    %get3A_24 = arith.constant 0 : index
    %get3A_25 = vector.load %arg0[%get3A_23, %get3A_24] : memref<10000x128xf32, #tpu.memory_space<vmem>>, vector<10000x128xf32>
    %add3A_26 = arith.addf %get3A_25, %mul3A_22 : vector<10000x128xf32>
    %get3A_27 = arith.constant 0 : index
    %get3A_28 = arith.constant 0 : index
    %get3A_29 = vector.load %arg7[%get3A_27, %get3A_28] : memref<1x128xf32, #tpu.memory_space<vmem>>, vector<1x128xf32>
    %get3A_30 = arith.constant 0 : index
    %get3A_31 = arith.constant 0 : index
    %get3A_32 = vector.load %arg8[%get3A_30, %get3A_31] : memref<1x128xf32, #tpu.memory_space<vmem>>, vector<1x128xf32>
    %reduce_sum3A = arith.constant dense<0.000000e+00> : vector<10000xf32>
    %reduce_sum3A_33 = vector.multi_reduction <add>, %add3A_26, %reduce_sum3A [1] : vector<10000x128xf32> to vector<10000xf32>
    %broadcast_in_dim3A = vector.shape_cast %reduce_sum3A_33 : vector<10000xf32> to vector<10000x1xf32>
    %div3A = arith.constant 1.280000e+02 : f32
    %div3A_34 = vector.broadcast %div3A : f32 to vector<10000x1xf32>
    %div3A_35 = arith.divf %broadcast_in_dim3A, %div3A_34 : vector<10000x1xf32>
    %jit3A = arith.constant 0 : i32
    %reduce_sum3A_36 = arith.constant dense<0.000000e+00> : vector<10000xf32>
    %reduce_sum3A_37 = vector.multi_reduction <add>, %add3A_26, %reduce_sum3A_36 [1] : vector<10000x128xf32> to vector<10000xf32>
    %broadcast_in_dim3A_38 = vector.shape_cast %reduce_sum3A_37 : vector<10000xf32> to vector<10000x1xf32>
    %div3A_39 = arith.constant 1.280000e+02 : f32
    %div3A_40 = vector.broadcast %div3A_39 : f32 to vector<10000x1xf32>
    %div3A_41 = arith.divf %broadcast_in_dim3A_38, %div3A_40 : vector<10000x1xf32>
    %sub3A = vector.broadcast %div3A_41 : vector<10000x1xf32> to vector<10000x128xf32>
    %sub3A_42 = arith.subf %add3A_26, %sub3A : vector<10000x128xf32>
    %square3A = arith.mulf %sub3A_42, %sub3A_42 : vector<10000x128xf32>
    %convert_element_type3A = arith.sitofp %jit3A : i32 to f32
    %sub3A_43 = arith.constant 1.280000e+02 : f32
    %sub3A_44 = arith.subf %sub3A_43, %convert_element_type3A : f32
    %reduce_sum3A_45 = arith.constant dense<0.000000e+00> : vector<10000xf32>
    %reduce_sum3A_46 = vector.multi_reduction <add>, %square3A, %reduce_sum3A_45 [1] : vector<10000x128xf32> to vector<10000xf32>
    %broadcast_in_dim3A_47 = vector.shape_cast %reduce_sum3A_46 : vector<10000xf32> to vector<10000x1xf32>
    %div3A_48 = vector.broadcast %sub3A_44 : f32 to vector<10000x1xf32>
    %div3A_49 = arith.divf %broadcast_in_dim3A_47, %div3A_48 : vector<10000x1xf32>
    %gt3A = arith.constant 0.000000e+00 : f32
    %gt3A_50 = arith.cmpf ogt, %sub3A_44, %gt3A : f32
    %jit3A_51 = arith.constant 0x7FC00000 : f32
    %broadcast_in_dim3A_52 = vector.broadcast %jit3A_51 : f32 to vector<10000x1xf32>
    %select_n3A = arith.select %gt3A_50, %div3A_49, %broadcast_in_dim3A_52 : vector<10000x1xf32>
    %sub3A_53 = vector.broadcast %div3A_35 : vector<10000x1xf32> to vector<10000x128xf32>
    %sub3A_54 = arith.subf %add3A_26, %sub3A_53 : vector<10000x128xf32>
    %add3A_55 = arith.constant 9.99999974E-6 : f32
    %add3A_56 = vector.broadcast %add3A_55 : f32 to vector<10000x1xf32>
    %add3A_57 = arith.addf %select_n3A, %add3A_56 : vector<10000x1xf32>
    %sqrt3A = math.sqrt %add3A_57 : vector<10000x1xf32>
    %div3A_58 = vector.broadcast %sqrt3A : vector<10000x1xf32> to vector<10000x128xf32>
    %div3A_59 = arith.divf %sub3A_54, %div3A_58 : vector<10000x128xf32>
    %mul3A_60 = vector.broadcast %get3A_29 : vector<1x128xf32> to vector<10000x128xf32>
    %mul3A_61 = arith.mulf %div3A_59, %mul3A_60 : vector<10000x128xf32>
    %add3A_62 = vector.broadcast %get3A_32 : vector<1x128xf32> to vector<10000x128xf32>
    %add3A_63 = arith.addf %mul3A_61, %add3A_62 : vector<10000x128xf32>
    %get3A_64 = arith.constant 0 : index
    %get3A_65 = arith.constant 0 : index
    %get3A_66 = vector.load %arg3[%get3A_64, %get3A_65] : memref<128x128xf32, #tpu.memory_space<vmem>>, vector<128x128xf32>
    %dot_general3A = arith.constant dense<0.000000e+00> : vector<10000x128xf32>
    %dot_general3A_67 = tpu.matmul %add3A_63, %get3A_66, %dot_general3A {dimension_numbers = #tpu.dot_dimension_numbers<[1], [0], [0], [1], [0, 0, 1, 1], [], []>, transpose_lhs_hint = false} : vector<10000x128xf32>, vector<128x128xf32>, vector<10000x128xf32> -> vector<10000x128xf32>
    %get3A_68 = arith.constant 0 : index
    %get3A_69 = arith.constant 0 : index
    %get3A_70 = vector.load %arg4[%get3A_68, %get3A_69] : memref<1x128xf32, #tpu.memory_space<vmem>>, vector<1x128xf32>
    %add3A_71 = vector.broadcast %get3A_70 : vector<1x128xf32> to vector<10000x128xf32>
    %add3A_72 = arith.addf %dot_general3A_67, %add3A_71 : vector<10000x128xf32>
    %logistic3A = arith.negf %add3A_72 : vector<10000x128xf32>
    %logistic3A_73 = math.exp %logistic3A : vector<10000x128xf32>
    %logistic3A_74 = arith.constant 1.000000e+00 : f32
    %logistic3A_75 = vector.broadcast %logistic3A_74 : f32 to vector<10000x128xf32>
    %logistic3A_76 = arith.addf %logistic3A_75, %logistic3A_73 : vector<10000x128xf32>
    %logistic3A_77 = arith.divf %logistic3A_75, %logistic3A_76 : vector<10000x128xf32>
    %mul3A_78 = arith.mulf %add3A_72, %logistic3A_77 : vector<10000x128xf32>
    %get3A_79 = arith.constant 0 : index
    %get3A_80 = arith.constant 0 : index
    %get3A_81 = vector.load %arg5[%get3A_79, %get3A_80] : memref<128x128xf32, #tpu.memory_space<vmem>>, vector<128x128xf32>
    %dot_general3A_82 = arith.constant dense<0.000000e+00> : vector<10000x128xf32>
    %dot_general3A_83 = tpu.matmul %mul3A_78, %get3A_81, %dot_general3A_82 {dimension_numbers = #tpu.dot_dimension_numbers<[1], [0], [0], [1], [0, 0, 1, 1], [], []>, transpose_lhs_hint = false} : vector<10000x128xf32>, vector<128x128xf32>, vector<10000x128xf32> -> vector<10000x128xf32>
    %get3A_84 = arith.constant 0 : index
    %get3A_85 = arith.constant 0 : index
    %get3A_86 = vector.load %arg6[%get3A_84, %get3A_85] : memref<1x128xf32, #tpu.memory_space<vmem>>, vector<1x128xf32>
    %add3A_87 = vector.broadcast %get3A_86 : vector<1x128xf32> to vector<10000x128xf32>
    %add3A_88 = arith.addf %dot_general3A_83, %add3A_87 : vector<10000x128xf32>
    %logistic3A_89 = arith.negf %add3A_88 : vector<10000x128xf32>
    %logistic3A_90 = math.exp %logistic3A_89 : vector<10000x128xf32>
    %logistic3A_91 = arith.constant 1.000000e+00 : f32
    %logistic3A_92 = vector.broadcast %logistic3A_91 : f32 to vector<10000x128xf32>
    %logistic3A_93 = arith.addf %logistic3A_92, %logistic3A_90 : vector<10000x128xf32>
    %logistic3A_94 = arith.divf %logistic3A_92, %logistic3A_93 : vector<10000x128xf32>
    %mul3A_95 = arith.mulf %add3A_88, %logistic3A_94 : vector<10000x128xf32>
    %add3A_96 = arith.addf %add3A_63, %mul3A_95 : vector<10000x128xf32>
    %get3A_97 = arith.constant 0 : index
    %get3A_98 = arith.constant 0 : index
    %get3A_99 = vector.load %arg9[%get3A_97, %get3A_98] : memref<1x128xf32, #tpu.memory_space<vmem>>, vector<1x128xf32>
    %get3A_100 = arith.constant 0 : index
    %get3A_101 = arith.constant 0 : index
    %get3A_102 = vector.load %arg10[%get3A_100, %get3A_101] : memref<1x128xf32, #tpu.memory_space<vmem>>, vector<1x128xf32>
    %reduce_sum3A_103 = arith.constant dense<0.000000e+00> : vector<10000xf32>
    %reduce_sum3A_104 = vector.multi_reduction <add>, %add3A_96, %reduce_sum3A_103 [1] : vector<10000x128xf32> to vector<10000xf32>
    %broadcast_in_dim3A_105 = vector.shape_cast %reduce_sum3A_104 : vector<10000xf32> to vector<10000x1xf32>
    %div3A_106 = arith.constant 1.280000e+02 : f32
    %div3A_107 = vector.broadcast %div3A_106 : f32 to vector<10000x1xf32>
    %div3A_108 = arith.divf %broadcast_in_dim3A_105, %div3A_107 : vector<10000x1xf32>
    %jit3A_109 = arith.constant 0 : i32
    %reduce_sum3A_110 = arith.constant dense<0.000000e+00> : vector<10000xf32>
    %reduce_sum3A_111 = vector.multi_reduction <add>, %add3A_96, %reduce_sum3A_110 [1] : vector<10000x128xf32> to vector<10000xf32>
    %broadcast_in_dim3A_112 = vector.shape_cast %reduce_sum3A_111 : vector<10000xf32> to vector<10000x1xf32>
    %div3A_113 = arith.constant 1.280000e+02 : f32
    %div3A_114 = vector.broadcast %div3A_113 : f32 to vector<10000x1xf32>
    %div3A_115 = arith.divf %broadcast_in_dim3A_112, %div3A_114 : vector<10000x1xf32>
    %sub3A_116 = vector.broadcast %div3A_115 : vector<10000x1xf32> to vector<10000x128xf32>
    %sub3A_117 = arith.subf %add3A_96, %sub3A_116 : vector<10000x128xf32>
    %square3A_118 = arith.mulf %sub3A_117, %sub3A_117 : vector<10000x128xf32>
    %convert_element_type3A_119 = arith.sitofp %jit3A_109 : i32 to f32
    %sub3A_120 = arith.constant 1.280000e+02 : f32
    %sub3A_121 = arith.subf %sub3A_120, %convert_element_type3A_119 : f32
    %reduce_sum3A_122 = arith.constant dense<0.000000e+00> : vector<10000xf32>
    %reduce_sum3A_123 = vector.multi_reduction <add>, %square3A_118, %reduce_sum3A_122 [1] : vector<10000x128xf32> to vector<10000xf32>
    %broadcast_in_dim3A_124 = vector.shape_cast %reduce_sum3A_123 : vector<10000xf32> to vector<10000x1xf32>
    %div3A_125 = vector.broadcast %sub3A_121 : f32 to vector<10000x1xf32>
    %div3A_126 = arith.divf %broadcast_in_dim3A_124, %div3A_125 : vector<10000x1xf32>
    %gt3A_127 = arith.constant 0.000000e+00 : f32
    %gt3A_128 = arith.cmpf ogt, %sub3A_121, %gt3A_127 : f32
    %jit3A_129 = arith.constant 0x7FC00000 : f32
    %broadcast_in_dim3A_130 = vector.broadcast %jit3A_129 : f32 to vector<10000x1xf32>
    %select_n3A_131 = arith.select %gt3A_128, %div3A_126, %broadcast_in_dim3A_130 : vector<10000x1xf32>
    %sub3A_132 = vector.broadcast %div3A_108 : vector<10000x1xf32> to vector<10000x128xf32>
    %sub3A_133 = arith.subf %add3A_96, %sub3A_132 : vector<10000x128xf32>
    %add3A_134 = arith.constant 9.99999974E-6 : f32
    %add3A_135 = vector.broadcast %add3A_134 : f32 to vector<10000x1xf32>
    %add3A_136 = arith.addf %select_n3A_131, %add3A_135 : vector<10000x1xf32>
    %sqrt3A_137 = math.sqrt %add3A_136 : vector<10000x1xf32>
    %div3A_138 = vector.broadcast %sqrt3A_137 : vector<10000x1xf32> to vector<10000x128xf32>
    %div3A_139 = arith.divf %sub3A_133, %div3A_138 : vector<10000x128xf32>
    %mul3A_140 = vector.broadcast %get3A_99 : vector<1x128xf32> to vector<10000x128xf32>
    %mul3A_141 = arith.mulf %div3A_139, %mul3A_140 : vector<10000x128xf32>
    %add3A_142 = vector.broadcast %get3A_102 : vector<1x128xf32> to vector<10000x128xf32>
    %add3A_143 = arith.addf %mul3A_141, %add3A_142 : vector<10000x128xf32>
    %swap3A = arith.constant 0 : index
    %swap3A_144 = arith.constant 0 : index
    %swap3A_145 = vector.load %arg11[%swap3A, %swap3A_144] : memref<10000x128xf32, #tpu.memory_space<vmem>>, vector<10000x128xf32>
    tpu.vector_store %arg11[%swap3A, %swap3A_144], %add3A_143 {strides = array<i32>} : memref<10000x128xf32, #tpu.memory_space<vmem>>, vector<10000x128xf32>,
    return
  }
}

</mosaic_0001>

<sc_bundles>
// kernel: kernel.12.cloned.1.call-start
scs
__scs_entry_jumppad:
0x0: {  	(pc) =	sbr.rel $0x88, $3  }
0x1: {  	(tag) =	ssettag $0x0;
	lr =	simm.s32 $0x1  }
0x2: {  	[smem:$0x3F92] =	sst lr;
	_ =	strace $0xD0000000  }
0x3: {  	_ = 	snop  }
0x4: {  	_ = 	snop  }
0x5: {  	_ = 	snop  }
0x6: {  	_ = 	snop  }
0x7: {  	_ = 	snop  }
__scs_overlays_trampoline_lowered:
0x8: {  	[smem:$0x3FA1] =	sst s0  }
0x9: {  	[smem:$0x3FA2] =	sst s1  }
0xa: {  	[smem:$0x3FA3] =	sst s2  }
0xb: {  	[smem:$0x3FA4] =	sst s3  }
0xc: {  	[smem:$0x3FA5] =	sst s4  }
0xd: {  	[smem:$0x3FA6] =	sst s5  }
0xe: {  	[smem:$0x3FA7] =	sst s6  }
0xf: {  	[smem:$0x3FA8] =	sst s7  }
0x10: {  	[smem:$0x3FA9] =	sst s8  }
0x11: {  	[smem:$0x3FAA] =	sst s9;
	s0 =	simm.s32 @!p0 $0x0  }
0x12: {  	s1 =	sld [smem:$0x3F90];
	s0 =	simm.s32 @p0 $0x1  }
0x13: {  	[smem:$0x3FAB] =	sst s0;
	s0 =	simm.s32 @!p1 $0x0  }
0x14: {  	s2 =	sld [smem:$0x3F8F];
	s0 =	simm.s32 @p1 $0x1  }
0x15: {  	[smem:$0x3FAC] =	sst s0;
	s0 =	simm.s32 @!p2 $0x0  }
0x16: {  	s3 =	sld [smem:$0x3FDB];
	s0 =	simm.s32 @p2 $0x1  }
0x17: {  	s4 =	simm.s32 $0x1BF5;
	[smem:$0x3FAE] =	sst s0  }
0x18: {  	s0 =	sld [smem:$0x3F91];
	_ =	swait.ge [sflag:s4], $0x0  }
0x19: {  	s7 =	sld [smem:$0x3F92]  }
0x1a: {  	s8 =	sadd.s32 $0xFFFFE003, lr  }
0x1b: {  	s9 =	sadd.s32 $0xFFFFFEF7, lr;
	s5 =	simm.s32 $0xFFFFFFFF;
	p2 =	slt.u32 s8, $0xFFFFF086  }
0x1c: {  	p1 =	slt.u32 s9, $0xF7A;
	s5 =	simm.s32 @!p2 $0x0  }
0x1d: {  	s5 =	simm.s32 @p1 $0x1;
	p0 =	seq.s32 s7, s2  }
0x1e: {  	s7 =	smul.u32 @!p0 $0xF7A, s2;
	p2 =	seq.s32 @!p0 s5, $0x0  }
0x1f: {  	s9 =	smul.u32 $0xF7A, s1;
	s8 =	simm.s32 @!p0 $0x1BF5;
	p2 =	por !p2, p0  }
0x20: {  	[sflag:s8] =	ssyncset.s32 @!p0 $0xFFFFF086;
	s6 =	sadd.s32 @!p0 s3, s7;
	s7 =	simm.s32 @!p0 $0x108  }
0x21: {  	s3 =	sadd.s32 s3, s9;
	s6 =	sadd.s32 @!p0 $0x88, s6;
	s7 =	simm.s32 @p2 $0x1082  }
0x22: {  	[simem:s7], [sflag:s8] =	dma.local @!p0 [hbm:s6], $0xF7A  }
0x23: {  	s9 =	sor.u32 $0xD0000000, s2;
	s6 =	simm.s32 $0x108;
	_ =	swait.ge @!p0 [sflag:s8], $0x0  }
0x24: {  	s3 =	sadd.s32 $0x88, s3;
	s6 =	simm.s32 @!p1 $0x1082;
	[sflag:s4] =	ssyncset.s32 $0xFFFFF086  }
0x25: {  	[simem:s6], [sflag:s4] =	dma.local [hbm:s3], $0xF7A  }
0x26: {  	[smem:$0x3F92] =	sst s1;
	(tag) =	ssettag s2;
	_ =	strace s9  }
0x27: {  	s1 =	sld [smem:$0x3FA2]  }
0x28: {  	s2 =	sld [smem:$0x3FA3]  }
0x29: {  	s4 =	sld [smem:$0x3FA5]  }
0x2a: {  	p0 =	seq.s32 s5, $0x0;
	s5 =	sld [smem:$0x3FA6]  }
0x2b: {  	s6 =	sld [smem:$0x3FA7]  }
0x2c: {  	s7 =	sld [smem:$0x3FA8]  }
0x2d: {  	s3 =	simm.s32 $0x108;
	s8 =	sld [smem:$0x3FA9]  }
0x2e: {  	s3 =	simm.s32 @!p0 $0x1082;
	s9 =	sld [smem:$0x3FAA]  }
0x2f: {  	lr =	sadd.s32 s0, s3;
	s0 =	sld [smem:$0x3FA1]  }
0x30: {  	s3 =	sld [smem:$0x3FA4]  }
0x31: {  	[smem:$0x3FAD] =	sst s10  }
0x32: {  	s10 =	sld [smem:$0x3FAB];
	_ =	sdelay $0x3  }
0x33: {  	p0 =	seq.s32 s10, $0x1;
	s10 =	sld [smem:$0x3FAD];
	_ =	sdelay $0x3  }
0x34: {  	[smem:$0x3FAD] =	sst s10  }
0x35: {  	s10 =	sld [smem:$0x3FAC];
	_ =	sdelay $0x3  }
0x36: {  	p1 =	seq.s32 s10, $0x1;
	s10 =	sld [smem:$0x3FAD];
	_ =	sdelay $0x3  }
0x37: {  	[smem:$0x3FAD] =	sst s10  }
0x38: {  	s10 =	sld [smem:$0x3FAE]  }
0x39: {  	_ = 	snop;
	(pc) =	sbr.ind lr, $3  }
0x3a: {  	_ = 	snop  }
0x3b: {  	_ = 	snop  }
0x3c: {  	p2 =	seq.s32 s10, $0x1;
	s10 =	sld [smem:$0x3FAD]  }
0x3d: {  	_ =	shalt  }
0x3e: {  	_ =	shalt  }
0x3f: {  	_ =	shalt  }
0x40: {  	_ =	shalt  }
0x41: {  	_ =	shalt  }
0x42: {  	_ =	shalt  }
0x43: {  	_ =	shalt  }
0x44: {  	_ =	shalt  }
0x45: {  	_ =	shalt  }
0x46: {  	_ =	shalt  }
0x47: {  	_ =	shalt  }
0x48: {  	_ =	shalt  }
0x49: {  	_ =	shalt  }
0x4a: {  	_ =	shalt  }
0x4b: {  	_ =	shalt  }
0x4c: {  	_ =	shalt  }
0x4d: {  	_ =	shalt  }
0x4e: {  	_ =	shalt  }
0x4f: {  	_ =	shalt  }
0x50: {  	_ =	shalt  }
0x51: {  	_ =	shalt  }
0x52: {  	_ =	shalt  }
0x53: {  	_ =	shalt  }
0x54: {  	_ =	shalt  }
0x55: {  	_ =	shalt  }
0x56: {  	_ =	shalt  }
0x57: {  	_ =	shalt  }
0x58: {  	_ =	shalt  }
0x59: {  	_ =	shalt  }
0x5a: {  	_ =	shalt  }
0x5b: {  	_ =	shalt  }
0x5c: {  	_ =	shalt  }
0x5d: {  	_ =	shalt  }
0x5e: {  	_ =	shalt  }
0x5f: {  	_ =	shalt  }
0x60: {  	_ =	shalt  }
0x61: {  	_ =	shalt  }
0x62: {  	_ =	shalt  }
0x63: {  	_ =	shalt  }
0x64: {  	_ =	shalt  }
0x65: {  	_ =	shalt  }
0x66: {  	_ =	shalt  }
0x67: {  	_ =	shalt  }
0x68: {  	_ =	shalt  }
0x69: {  	_ =	shalt  }
0x6a: {  	_ =	shalt  }
0x6b: {  	_ =	shalt  }
0x6c: {  	_ =	shalt  }
0x6d: {  	_ =	shalt  }
0x6e: {  	_ =	shalt  }
0x6f: {  	_ =	shalt  }
0x70: {  	_ =	shalt  }
0x71: {  	_ =	shalt  }
0x72: {  	_ =	shalt  }
0x73: {  	_ =	shalt  }
0x74: {  	_ =	shalt  }
0x75: {  	_ =	shalt  }
0x76: {  	_ =	shalt  }
0x77: {  	_ =	shalt  }
0x78: {  	_ =	shalt  }
0x79: {  	_ =	shalt  }
0x7a: {  	_ =	shalt  }
0x7b: {  	_ =	shalt  }
0x7c: {  	_ =	shalt  }
0x7d: {  	_ =	shalt  }
0x7e: {  	_ =	shalt  }
0x7f: {  	_ =	shalt  }
0x80: {  	_ =	shalt  }
0x81: {  	_ =	shalt  }
0x82: {  	_ =	shalt  }
0x83: {  	_ =	shalt  }
0x84: {  	_ =	shalt  }
0x85: {  	_ =	shalt  }
0x86: {  	_ =	shalt  }
0x87: {  	_ =	shalt  }
.Lfunc_end0:
.L_simem_size_0:
called_computation.1_lowered:
.L_overlay_start_0:
0x88: {  	s2 =	sld [smem:$0x3FD9]  }
0x89: {  	s3 =	sld [smem:$0x3FFE];
	_ =	sdelay $0x1  }
0x8a: {  	s1 =	srdreg.scid  }
0x8b: {  	s0 =	sand.u32 $0x1, s1  }
0x8c: {  	s17 =	sshll.u32 s0, $0xA;
	s2 =	sadd.s32 s3, s2  }
0x8d: {  	s2 =	sadd.s32 s2, s17  }
0x8e: {  	[smem:$0x3FB9] =	sst s2  }
0x8f: {  	_ = 	snop  }
0x90: {  	s18 =	sld [smem:$0x3FD0];
	(tm) =	ssettm $0x1  }
0x91: {  	s19 =	sld [smem:$0x3FFB];
	_ =	sdelay $0x3  }
0x92: {  	_ =	strace s19  }
0x93: {  	s2 =	sld [smem:$0x3FFC];
	_ =	sdelay $0x3  }
0x94: {  	_ =	strace s2  }
0x95: {  	s2 =	sld [smem:$0x3FFD];
	_ =	sdelay $0x3  }
0x96: {  	_ =	strace s2  }
0x97: {  	_ =	strace $0x8FFFFFFF  }
0x98: {  	s20 =	sld [smem:$0x3FDB];
	_ =	sdelay $0x1  }
0x99: {  	s4 =	simm.s32 $_scs_section_size  }
0x9a: {  	s5 =	simm.s32 $_size__tile_overlayer_lowered;
	s6 =	simm.s32 $_tile_overlayer_lowered  }
0x9b: {  	s7 =	simm.s32 $0x1BFF;
	s21 =	sshll.u32 s6, $0x1;
	s4 =	sadd.s32 s4, s20  }
0x9c: {  	s22 =	simm.s32 $0x0;
	s5 =	sshll.u32 s5, $0x1;
	s6 =	sadd.s32 s21, s4  }
0x9d: {  	[timem:s22], [sflag:s7] =	dma.local [hbm:s6], s5  }
0x9e: {  	_ =	swait.ge [sflag:s7], s5  }
0x9f: {  	s5 =	ssub.s32 $0x0, s5;
	[sflag:s7] =	ssyncset.done $0x0  }
0xa0: {  	[sflag:s7] =	ssyncadd.s32 s5;
	_ =	sdelay $0x1  }
0xa1: {  	s23 =	simm.s32 $0x1B8B  }
0xa2: {  	_ =	swait.ge [sflag:s23], $0x1  }
0xa3: {  	[sflag:s23] =	ssyncset.done $0x0  }
0xa4: {  	[sflag:s23] =	ssyncadd.s32 $0xFFFFFFFF  }
0xa5: {  	s5 =	sld [smem:$0x0]  }
0xa6: {  	s6 =	sand.u32 $0xFFFFFFFE, s1  }
0xa7: {  	p0 =	sne.s32 s1, s6  }
0xa8: {  	s6 =	sshll.u32 @p0 s6, $0xE  }
0xa9: {  	s6 =	sadd.s32 @p0 $0x11B8D, s6;
	s7 =	sshll.u32 @p0 s5, $0x11  }
0xaa: {  	s6 =	sor.u32 @p0 s7, s6  }
0xab: {  	[sflag:s6] =	ssyncadd.remote.s32 @p0 $0x1;
	_ =	sdelay $0x1  }
0xac: {  	s6 =	simm.s32 @p0 $0x1B8D  }
0xad: {  	_ =	swait.eq @p0 [sflag:s6], $0x1  }
0xae: {  	[sflag:s6] =	ssyncadd.s32 @p0 $0xFFFFFFFF  }
0xaf: {  	s7 =	sshll.u32 @!p0 s1, $0xE  }
0xb0: {  	s7 =	sor.u32 @!p0 $0x4000, s7;
	s6 =	simm.s32 @!p0 $0x1B8D  }
0xb1: {  	s5 =	sshll.u32 @!p0 s5, $0x11;
	s7 =	sadd.s32 @!p0 $0x11B8D, s7;
	_ =	swait.eq @!p0 [sflag:s6], $0x1  }
0xb2: {  	s5 =	sor.u32 @!p0 s5, s7;
	[sflag:s6] =	ssyncadd.s32 @!p0 $0xFFFFFFFF  }
0xb3: {  	s25 =	simm.s32 $0x1B8E;
	s24 =	sld [smem:$0x3FFE];
	[sflag:s5] =	ssyncadd.remote.s32 @!p0 $0x1  }
0xb4: {  	s26 =	simm.s32 $execute0_lowered;
	[smem:$0x3FD2] =	sst s25  }
0xb5: {  	s6 =	sshll.u32 s26, $0x1;
	_ =	strace $0x8000004F;
	[dreg:$0x1] =	wrdreg $0xFFFFFFFF  }
0xb6: {  	s28 =	simm.s32 $_size_execute0_lowered;
	s4 =	sadd.s32 s4, s6;
	[dreg:$0x0] =	wrdreg $0x0  }
0xb7: {  	s6 =	sshll.u32 s28, $0x1;
	[dreg:$0x2] =	wrdreg s4  }
0xb8: {  	[dreg:$0x3] =	wrdreg s6  }
0xb9: {  	[dreg:$0x4] =	wrdreg $0xC0  }
0xba: {  	_ =	task [dreg:s22], $0x5FFFF  }
0xbb: {  	[dreg:$0x1] =	wrdreg $0xFFFFFFFF  }
0xbc: {  	[dreg:$0x0] =	wrdreg $0x60  }
0xbd: {  	[dreg:$0x2] =	wrdreg s24  }
0xbe: {  	[dreg:$0x3] =	wrdreg s18  }
0xbf: {  	[dreg:$0x4] =	wrdreg $0x81000  }
0xc0: {  	[dreg:$0x5] =	wrdreg $0x9  }
0xc1: {  	_ =	task.clear_ibuf [dreg:s22], $0x6FFFF;
	_ =	strace $0x9000004F  }
0xc2: {  	s29 =	simm.s32 $0x9;
	_ =	strace $0x80000051  }
0xc3: {  	_ =	swait.ge [sflag:s29], $0x1  }
0xc4: {  	[sflag:s29] =	ssyncadd.s32 $0xFFFFFFFF  }
0xc5: {  	_ =	strace $0x90000051  }
0xc6: {  	_ =	sfence  }
0xc7: {  	s30 =	sld [smem:$0x0];
	_ =	sdelay $0x2  }
0xc8: {  	s31 =	sshll.u32 s1, $0xD;
	s1 =	sshrl.u32 s1, $0x2  }
0xc9: {  	s4 =	sand.u32 $0x4000, s31;
	s1 =	sadd.s32 s1, s30  }
0xca: {  	s0 =	sor.u32 s4, s0;
	s1 =	sshll.u32 s1, $0x11  }
0xcb: {  	s0 =	sor.u32 s1, s0  }
0xcc: {  	s0 =	sadd.s32 $0x8F2B, s0  }
0xcd: {  	[sflag:s0] =	ssyncadd.remote.s32 $0x1  }
0xce: {  	_ =	sfence.sel $0xFFFF  }
0xcf: {  	[dreg:$0x0] =	wrdreg $0xFFFFFFFF;
	(pc) =	sbr.abs _section_cstart, $3  }
0xd0: {  	[dreg:$0x1] =	wrdreg $0xFFFFFFFF  }
0xd1: {  	_ =	task.clear_ibuf [dreg:s22], $0x2FFFF;
	_ =	strace $0x9FFFFFFF  }
0xd2: {  	(tm) =	ssettm $0x7FFFFFFF  }
0xd3: {  	_ =	shalt  }
tec
execute0_lowered:
.L_overlay_start_1:
0x0: {  	(tag) =	ssettag $0x1  }
0x1: {  	s3 =	rddreg [dreg:$0x0]  }
0x2: {  	s4 =	rddreg [dreg:$0x1]  }
0x3: {  	s1 =	rddreg [dreg:$0x2]  }
0x4: {  	s0 =	rddreg [dreg:$0x3]  }
0x5: {  	s5 =	srdreg.scid;
	s20 =	stileid.u32;
	s2 =	simm.s32 $0x0  }
0x6: {  	s19 =	simm.s32 $0x2;
	s9 =	sand.u32 $0x1, s5;
	s21 =	smul.u32 $0x13880, s20  }
0x7: {  	[smem:$0x7FF] =	sst s2;
	s7 =	sshll.u32 s20, $0x1;
	s15 =	smul.u32 $0x27000, s20  }
0x8: {  	s10 =	sadd.s32 $0x76AE00, s3;
	s11 =	sadd.s32 $0xE000, s3;
	s18 =	smul.u32 $0x4E0, s20  }
0x9: {  	s25 =	sshll.u32 s20, $0x6;
	p0 =	sne.s32 s20, $0x0;
	s6 =	smul.u32 $0x138800, s9  }
0xa: {  	s20 =	simm.s32 $0x0;
	_ =	strace $0x80000050;
	s16 =	smul.u32 $0x13800, s9  }
0xb: {  	s7 =	sor.u32 s9, s7;
	s8 =	ssub.s32 $0x2, s9;
	s29 =	smul.u32 $0x270, s9  }
0xc: {  	s26 =	sshll.u32 s9, $0x7;
	s7 =	smul.u32 $0x1380, s7;
	s22 =	sshrl.u32 s8, $0x1  }
0xd: {  	s14 =	sadd.s32 s21, s1;
	s24 =	sshrl.u32 s21, $0x3;
	s30 =	sadd.s32 s15, s10  }
0xe: {  	s31 =	sadd.s32 s18, s11;
	s15 =	simm.s32 $0x100;
	s6 =	sadd.s32 s21, s6  }
0xf: {  	s18 =	simm.s32 $0x80;
	s6 =	sshrl.u32 s6, $0x3;
	s23 =	sadd.s32 $0x1300, s7  }
0x10: {  	s13 =	ssub.s32 s8, s22;
	s12 =	sadd.s32 s6, s3;
	s7 =	sshrl.u32 s23, $0x3  }
0x11: {  	s3 =	sadd.s32 s4, s24;
	s4 =	sor.u32 $0x1C03, s25;
	s6 =	sshll.u32 s23, $0x4  }
0x12: {  	s5 =	sadd.s32 s11, s7;
	s6 =	sadd.s32 s10, s6;
	s7 =	sor.u32 $0x27000, s26  }
0x13: {  	s9 =	sadd.s32 $0x66000, s12;
	s28 =	sshrl.u32 s7, $0x3;
	s17 =	sshll.u32 s7, $0x4  }
0x14: {  	s12 =	sadd.s32 s29, s31;
	s7 =	sadd.s32 s11, s28;
	s8 =	sadd.s32 s10, s17  }
0x15: {  	s10 =	smax.u32 s13, $0x1;
	s11 =	sadd.s32 s16, s30;
	s13 =	sshrl.u32 s14, $0x3  }
0x16: {  	s14 =	simm.s32 $0x3;
	s16 =	simm.s32 $0x4100;
	s17 =	simm.s32 $0x1  }
.LBB2_1:
0x17: {  	[spmem:s13], [sflag:s4] =	dma.local [hbm:s3], $0x2710  }
0x18: {  	_ =	swait.ge [sflag:s14], $0x2710  }
0x19: {  	[sflag:s14] =	ssyncset.done $0x0  }
0x1a: {  	[sflag:s14] =	ssyncadd.s32 $0xFFFFD8F0  }
0x1b: {  	s21 =	sadd.s32 $0x0, s12;
	[bflag:$0x0] =	sbarrier.arrive $0xFFFF  }
0x1c: {  	[tilespmem:s2], [sflag:$0x3] =	stream.linear.gather [hbm4b:s21+s2], $0x100, $0x38;
	[tilespmem:$0x1B980] =	vst v63  }
0x1d: {  	_ =	swait.ge [sflag:s14], $0x100  }
0x1e: {  	[sflag:s14] =	ssyncset.done $0x0  }
0x1f: {  	[sflag:s14] =	ssyncadd.s32 $0xFFFFFF00  }
0x20: {  	[tilespmem:s15], [sflag:$0x1] =	stream.linear.gather [hbm4b:s11+s2], $0x4000, $0x38;
	[tilespmem:$0x1B980] =	vst v63  }
0x21: {  	s31 =	sadd.s32 $0x800, s11  }
0x22: {  	[tilespmem:s16], [sflag:$0x1] =	stream.linear.gather [hbm4b:s31+s2], $0x4000, $0x38;
	[tilespmem:$0x1B980] =	vst v63  }
0x23: {  	_ =	swait.ge [sflag:s17], $0x4000  }
0x24: {  	[sflag:s17] =	ssyncset.done $0x0  }
0x25: {  	[sflag:s17] =	ssyncadd.s32 $0xFFFFC000  }
0x26: {  	[spmem:s1] =	stream.indirect.scatter.add.f32 [tilespmem:s15], [sflag:$0x2], $0x80, s2, s18, $0xb8;
	[tilespmem:$0x1B980] =	vst v63  }
0x27: {  	_ =	swait.ge [sflag:s17], $0x4000  }
0x28: {  	[sflag:s17] =	ssyncset.done $0x0  }
0x29: {  	[sflag:s17] =	ssyncadd.s32 $0xFFFFC000  }
0x2a: {  	[spmem:s1] =	stream.indirect.scatter.add.f32 [tilespmem:s16], [sflag:$0x2], $0x80, s18, s18, $0xb8;
	[tilespmem:$0x1B980] =	vst v63  }
0x2b: {  	_ =	swait.ge [sflag:s19], $0x4000  }
0x2c: {  	[sflag:s19] =	ssyncset.done $0x0  }
0x2d: {  	[sflag:s19] =	ssyncadd.s32 $0xFFFFC000  }
0x2e: {  	s22 =	simm.s32 $0x20;
	_ =	swait.ge [sflag:s19], $0x4000  }
0x2f: {  	s23 =	simm.s32 $0x40;
	s21 =	sadd.s32 $0x1000, s11;
	[sflag:s19] =	ssyncset.done $0x0  }
.LBB2_2:
0x30: {  	s24 =	sadd.s32 s22, s12  }
0x31: {  	[sflag:s19] =	ssyncadd.s32 $0xFFFFC000;
	s22 =	smov.u32 s23;
	s25 =	sadd.s32 $0x20, s23  }
0x32: {  	[tilespmem:s2], [sflag:$0x3] =	stream.linear.gather [hbm4b:s24+s2], $0x100, $0x38;
	[tilespmem:$0x1B980] =	vst v63  }
0x33: {  	p1 =	sne.s32 s23, $0x240;
	_ =	swait.ge [sflag:s14], $0x100  }
0x34: {  	[sflag:s14] =	ssyncset.done $0x0  }
0x35: {  	[sflag:s14] =	ssyncadd.s32 $0xFFFFFF00  }
0x36: {  	[tilespmem:s15], [sflag:$0x1] =	stream.linear.gather [hbm4b:s21+s2], $0x4000, $0x38;
	[tilespmem:$0x1B980] =	vst v63  }
0x37: {  	s23 =	sadd.s32 $0x800, s21  }
0x38: {  	[tilespmem:s16], [sflag:$0x1] =	stream.linear.gather [hbm4b:s23+s2], $0x4000, $0x38;
	[tilespmem:$0x1B980] =	vst v63  }
0x39: {  	_ =	swait.ge [sflag:s17], $0x4000  }
0x3a: {  	[sflag:s17] =	ssyncset.done $0x0  }
0x3b: {  	[sflag:s17] =	ssyncadd.s32 $0xFFFFC000  }
0x3c: {  	[spmem:s1] =	stream.indirect.scatter.add.f32 [tilespmem:s15], [sflag:$0x2], $0x80, s2, s18, $0xb8;
	[tilespmem:$0x1B980] =	vst v63  }
0x3d: {  	_ =	swait.ge [sflag:s17], $0x4000  }
0x3e: {  	[sflag:s17] =	ssyncset.done $0x0  }
0x3f: {  	[sflag:s17] =	ssyncadd.s32 $0xFFFFC000  }
0x40: {  	[spmem:s1] =	stream.indirect.scatter.add.f32 [tilespmem:s16], [sflag:$0x2], $0x80, s18, s18, $0xb8;
	[tilespmem:$0x1B980] =	vst v63  }
.Ltmp0:
0x41: {  	_ =	swait.ge [sflag:s19], $0x4000;
	(pc) =	sbr.rel @p1 .LBB2_2-.Ltmp0, $4  }
0x42: {  	[sflag:s19] =	ssyncset.done $0x0  }
0x43: {  	[sflag:s19] =	ssyncadd.s32 $0xFFFFC000  }
0x44: {  	_ =	swait.ge [sflag:s19], $0x4000  }
0x45: {  	s21 =	sadd.s32 $0x1000, s21;
	s23 =	smov.u32 s25;
	[sflag:s19] =	ssyncset.done $0x0  }
0x46: {  	s22 =	sadd.s32 s22, s12;
	[sflag:s19] =	ssyncadd.s32 $0xFFFFC000  }
0x47: {  	[tilespmem:s2], [sflag:$0x3] =	stream.linear.gather [hbm4b:s22+s2], $0x100, $0x38;
	[tilespmem:$0x1B980] =	vst v63  }
0x48: {  	_ =	swait.ge [sflag:s14], $0x100  }
0x49: {  	[sflag:s14] =	ssyncset.done $0x0  }
0x4a: {  	[sflag:s14] =	ssyncadd.s32 $0xFFFFFF00  }
0x4b: {  	[tilespmem:s15], [sflag:$0x1] =	stream.linear.gather [hbm4b:s21+s2], $0x4000, $0x38;
	[tilespmem:$0x1B980] =	vst v63  }
0x4c: {  	s31 =	sadd.s32 $0x800, s21  }
0x4d: {  	[tilespmem:s16], [sflag:$0x1] =	stream.linear.gather [hbm4b:s31+s2], $0x4000, $0x38;
	[tilespmem:$0x1B980] =	vst v63  }
0x4e: {  	_ =	swait.ge [sflag:s17], $0x4000  }
0x4f: {  	[sflag:s17] =	ssyncset.done $0x0  }
0x50: {  	[sflag:s17] =	ssyncadd.s32 $0xFFFFC000  }
0x51: {  	[spmem:s1] =	stream.indirect.scatter.add.f32 [tilespmem:s15], [sflag:$0x2], $0x80, s2, s18, $0xb8;
	[tilespmem:$0x1B980] =	vst v63  }
0x52: {  	_ =	swait.ge [sflag:s17], $0x4000  }
0x53: {  	[sflag:s17] =	ssyncset.done $0x0  }
0x54: {  	[sflag:s17] =	ssyncadd.s32 $0xFFFFC000  }
0x55: {  	[spmem:s1] =	stream.indirect.scatter.add.f32 [tilespmem:s16], [sflag:$0x2], $0x80, s18, s18, $0xb8;
	[tilespmem:$0x1B980] =	vst v63  }
0x56: {  	_ =	swait.ge [sflag:s19], $0x4000  }
0x57: {  	[sflag:s19] =	ssyncset.done $0x0  }
0x58: {  	[sflag:s19] =	ssyncadd.s32 $0xFFFFC000  }
0x59: {  	_ =	swait.ge [sflag:s19], $0x4000  }
0x5a: {  	[sflag:s19] =	ssyncset.done $0x0  }
0x5b: {  	[sflag:s19] =	ssyncadd.s32 $0xFFFFC000  }
0x5c: {  	[tilespmem:s2], [sflag:$0x3] =	stream.linear.gather [hbm4b:s5+s2], $0x80, $0x38;
	[tilespmem:$0x1B980] =	vst v63  }
0x5d: {  	_ =	swait.ge [sflag:s14], $0x80  }
0x5e: {  	[sflag:s14] =	ssyncset.done $0x0  }
0x5f: {  	[sflag:s14] =	ssyncadd.s32 $0xFFFFFF80  }
0x60: {  	[tilespmem:s15], [sflag:$0x3] =	stream.linear.gather [hbm4b:s6+s2], $0x4000, $0x38;
	[tilespmem:$0x1B980] =	vst v63  }
0x61: {  	_ =	swait.ge [sflag:s14], $0x4000  }
0x62: {  	[sflag:s14] =	ssyncset.done $0x0  }
0x63: {  	[sflag:s14] =	ssyncadd.s32 $0xFFFFC000  }
0x64: {  	[spmem:s1] =	stream.indirect.scatter.add.f32 [tilespmem:s15], [sflag:$0x3], $0x80, s2, s18, $0xb8;
	[tilespmem:$0x1B980] =	vst v63  }
0x65: {  	_ =	swait.ge [sflag:s14], $0x4000  }
0x66: {  	[sflag:s14] =	ssyncset.done $0x0  }
0x67: {  	s22 =	simm.s32 @!p0 $0x3;
	s21 =	simm.s32 @!p0 $0x0;
	[sflag:s14] =	ssyncadd.s32 $0xFFFFC000  }
0x68: {  	[tilespmem:s21], [sflag:$0x3] =	stream.linear.gather @!p0 [hbm4b:s7+s21], $0x80, $0x38;
	[tilespmem:$0x1B980] =	vst v63  }
0x69: {  	_ =	swait.ge @!p0 [sflag:s22], $0x80  }
0x6a: {  	[sflag:s22] =	ssyncset.done @!p0 $0x0  }
0x6b: {  	s23 =	simm.s32 @!p0 $0x100;
	[sflag:s22] =	ssyncadd.s32 @!p0 $0xFFFFFF80  }
0x6c: {  	[tilespmem:s23], [sflag:$0x3] =	stream.linear.gather @!p0 [hbm4b:s8+s21], $0x4000, $0x38;
	[tilespmem:$0x1B980] =	vst v63  }
0x6d: {  	_ =	swait.ge @!p0 [sflag:s22], $0x4000  }
0x6e: {  	[sflag:s22] =	ssyncset.done @!p0 $0x0  }
0x6f: {  	s24 =	simm.s32 @!p0 $0x80;
	[sflag:s22] =	ssyncadd.s32 @!p0 $0xFFFFC000  }
0x70: {  	[spmem:s1] =	stream.indirect.scatter.add.f32 @!p0 [tilespmem:s23], [sflag:$0x3], $0x80, s21, s24, $0xb8;
	[tilespmem:$0x1B980] =	vst v63  }
0x71: {  	_ =	swait.ge @!p0 [sflag:s22], $0x4000  }
0x72: {  	s20 =	sadd.s32 $0x1, s20;
	[sflag:s22] =	ssyncset.done @!p0 $0x0  }
0x73: {  	p1 =	sne.s32 s20, s10;
	[sflag:s22] =	ssyncadd.s32 @!p0 $0xFFFFC000  }
.Ltmp1:
0x74: {  	[bflag:$0x0] =	sbarrier.arrive $0xFFFF;
	(pc) =	sbr.rel @p1 .LBB2_1-.Ltmp1, $4  }
0x75: {  	[hbm:s9], [sflag:s4] =	dma.local [spmem:s13], $0x2710  }
0x76: {  	_ =	swait.ge [sflag:s14], $0x2710  }
0x77: {  	[sflag:s14] =	ssyncset.done $0x0  }
0x78: {  	[sflag:s14] =	ssyncadd.s32 $0xFFFFD8F0  }
0x79: {  	_ =	sfence.sel $0x180000  }
0x7a: {  	[bflag:$0x0] =	sbarrier.arrive $0xFFFF  }
0x7b: {  	_ =	strace $0x90000050  }
0x7c: {  	s0 =	sadd.s32 @!p0 $0x100000, s0;
	[bflag:$0x2] =	sbarrier.arrive $0xFFFF  }
0x7d: {  	[sflag:s0] =	ssyncadd.tile.s32 @!p0 $0x1;
	_ =	shalt  }
.Lfunc_end2:
_tile_overlayer_lowered:
.L_overlay_start_2:
0x7e: {  	(tag) =	ssettag $0x2  }
0x7f: {  	s0 =	rddreg [dreg:$0x0];
	s2 =	stileid.u32  }
0x80: {  	s1 =	rddreg [dreg:$0x1];
	p0 =	sne.s32 s2, $0x0  }
0x81: {  	s3 =	rddreg [dreg:$0x2];
	[bflag:$0x3] =	sbarrier.arrive $0xFFFF;
	s2 =	simm.s32 @!p0 $0x1C03  }
0x82: {  	[timem:s3], [sflag:s2] =	dma.local @!p0 [hbm:s0], s1  }
0x83: {  	s0 =	simm.s32 @!p0 $0x3  }
0x84: {  	_ =	swait.ge @!p0 [sflag:s0], s1  }
0x85: {  	s1 =	ssub.s32 @!p0 $0x0, s1;
	[sflag:s0] =	ssyncset.done @!p0 $0x0  }
0x86: {  	[sflag:s0] =	ssyncadd.s32 @!p0 s1  }
0x87: {  	[bflag:$0x3] =	sbarrier.arrive $0xFFFF  }
0x88: {  	_ =	shalt  }

// kernel: kernel.15.cloned.1.call-start
scs
__scs_entry_jumppad:
0x0: {  	(pc) =	sbr.rel $0x88, $3  }
0x1: {  	(tag) =	ssettag $0x0;
	lr =	simm.s32 $0x1  }
0x2: {  	[smem:$0x3F92] =	sst lr;
	_ =	strace $0xD0000000  }
0x3: {  	_ = 	snop  }
0x4: {  	_ = 	snop  }
0x5: {  	_ = 	snop  }
0x6: {  	_ = 	snop  }
0x7: {  	_ = 	snop  }
__scs_overlays_trampoline_lowered:
0x8: {  	[smem:$0x3FA1] =	sst s0  }
0x9: {  	[smem:$0x3FA2] =	sst s1  }
0xa: {  	[smem:$0x3FA3] =	sst s2  }
0xb: {  	[smem:$0x3FA4] =	sst s3  }
0xc: {  	[smem:$0x3FA5] =	sst s4  }
0xd: {  	[smem:$0x3FA6] =	sst s5  }
0xe: {  	[smem:$0x3FA7] =	sst s6  }
0xf: {  	[smem:$0x3FA8] =	sst s7  }
0x10: {  	[smem:$0x3FA9] =	sst s8  }
0x11: {  	[smem:$0x3FAA] =	sst s9;
	s0 =	simm.s32 @!p0 $0x0  }
0x12: {  	s1 =	sld [smem:$0x3F90];
	s0 =	simm.s32 @p0 $0x1  }
0x13: {  	[smem:$0x3FAB] =	sst s0;
	s0 =	simm.s32 @!p1 $0x0  }
0x14: {  	s2 =	sld [smem:$0x3F8F];
	s0 =	simm.s32 @p1 $0x1  }
0x15: {  	[smem:$0x3FAC] =	sst s0;
	s0 =	simm.s32 @!p2 $0x0  }
0x16: {  	s3 =	sld [smem:$0x3FDB];
	s0 =	simm.s32 @p2 $0x1  }
0x17: {  	s4 =	simm.s32 $0x1BF5;
	[smem:$0x3FAE] =	sst s0  }
0x18: {  	s0 =	sld [smem:$0x3F91];
	_ =	swait.ge [sflag:s4], $0x0  }
0x19: {  	s7 =	sld [smem:$0x3F92]  }
0x1a: {  	s8 =	sadd.s32 $0xFFFFE003, lr  }
0x1b: {  	s9 =	sadd.s32 $0xFFFFFEF7, lr;
	s5 =	simm.s32 $0xFFFFFFFF;
	p2 =	slt.u32 s8, $0xFFFFF086  }
0x1c: {  	p1 =	slt.u32 s9, $0xF7A;
	s5 =	simm.s32 @!p2 $0x0  }
0x1d: {  	s5 =	simm.s32 @p1 $0x1;
	p0 =	seq.s32 s7, s2  }
0x1e: {  	s7 =	smul.u32 @!p0 $0xF7A, s2;
	p2 =	seq.s32 @!p0 s5, $0x0  }
0x1f: {  	s9 =	smul.u32 $0xF7A, s1;
	s8 =	simm.s32 @!p0 $0x1BF5;
	p2 =	por !p2, p0  }
0x20: {  	[sflag:s8] =	ssyncset.s32 @!p0 $0xFFFFF086;
	s6 =	sadd.s32 @!p0 s3, s7;
	s7 =	simm.s32 @!p0 $0x108  }
0x21: {  	s3 =	sadd.s32 s3, s9;
	s6 =	sadd.s32 @!p0 $0x88, s6;
	s7 =	simm.s32 @p2 $0x1082  }
0x22: {  	[simem:s7], [sflag:s8] =	dma.local @!p0 [hbm:s6], $0xF7A  }
0x23: {  	s9 =	sor.u32 $0xD0000000, s2;
	s6 =	simm.s32 $0x108;
	_ =	swait.ge @!p0 [sflag:s8], $0x0  }
0x24: {  	s3 =	sadd.s32 $0x88, s3;
	s6 =	simm.s32 @!p1 $0x1082;
	[sflag:s4] =	ssyncset.s32 $0xFFFFF086  }
0x25: {  	[simem:s6], [sflag:s4] =	dma.local [hbm:s3], $0xF7A  }
0x26: {  	[smem:$0x3F92] =	sst s1;
	(tag) =	ssettag s2;
	_ =	strace s9  }
0x27: {  	s1 =	sld [smem:$0x3FA2]  }
0x28: {  	s2 =	sld [smem:$0x3FA3]  }
0x29: {  	s4 =	sld [smem:$0x3FA5]  }
0x2a: {  	p0 =	seq.s32 s5, $0x0;
	s5 =	sld [smem:$0x3FA6]  }
0x2b: {  	s6 =	sld [smem:$0x3FA7]  }
0x2c: {  	s7 =	sld [smem:$0x3FA8]  }
0x2d: {  	s3 =	simm.s32 $0x108;
	s8 =	sld [smem:$0x3FA9]  }
0x2e: {  	s3 =	simm.s32 @!p0 $0x1082;
	s9 =	sld [smem:$0x3FAA]  }
0x2f: {  	lr =	sadd.s32 s0, s3;
	s0 =	sld [smem:$0x3FA1]  }
0x30: {  	s3 =	sld [smem:$0x3FA4]  }
0x31: {  	[smem:$0x3FAD] =	sst s10  }
0x32: {  	s10 =	sld [smem:$0x3FAB];
	_ =	sdelay $0x3  }
0x33: {  	p0 =	seq.s32 s10, $0x1;
	s10 =	sld [smem:$0x3FAD];
	_ =	sdelay $0x3  }
0x34: {  	[smem:$0x3FAD] =	sst s10  }
0x35: {  	s10 =	sld [smem:$0x3FAC];
	_ =	sdelay $0x3  }
0x36: {  	p1 =	seq.s32 s10, $0x1;
	s10 =	sld [smem:$0x3FAD];
	_ =	sdelay $0x3  }
0x37: {  	[smem:$0x3FAD] =	sst s10  }
0x38: {  	s10 =	sld [smem:$0x3FAE]  }
0x39: {  	_ = 	snop;
	(pc) =	sbr.ind lr, $3  }
0x3a: {  	_ = 	snop  }
0x3b: {  	_ = 	snop  }
0x3c: {  	p2 =	seq.s32 s10, $0x1;
	s10 =	sld [smem:$0x3FAD]  }
0x3d: {  	_ =	shalt  }
0x3e: {  	_ =	shalt  }
0x3f: {  	_ =	shalt  }
0x40: {  	_ =	shalt  }
0x41: {  	_ =	shalt  }
0x42: {  	_ =	shalt  }
0x43: {  	_ =	shalt  }
0x44: {  	_ =	shalt  }
0x45: {  	_ =	shalt  }
0x46: {  	_ =	shalt  }
0x47: {  	_ =	shalt  }
0x48: {  	_ =	shalt  }
0x49: {  	_ =	shalt  }
0x4a: {  	_ =	shalt  }
0x4b: {  	_ =	shalt  }
0x4c: {  	_ =	shalt  }
0x4d: {  	_ =	shalt  }
0x4e: {  	_ =	shalt  }
0x4f: {  	_ =	shalt  }
0x50: {  	_ =	shalt  }
0x51: {  	_ =	shalt  }
0x52: {  	_ =	shalt  }
0x53: {  	_ =	shalt  }
0x54: {  	_ =	shalt  }
0x55: {  	_ =	shalt  }
0x56: {  	_ =	shalt  }
0x57: {  	_ =	shalt  }
0x58: {  	_ =	shalt  }
0x59: {  	_ =	shalt  }
0x5a: {  	_ =	shalt  }
0x5b: {  	_ =	shalt  }
0x5c: {  	_ =	shalt  }
0x5d: {  	_ =	shalt  }
0x5e: {  	_ =	shalt  }
0x5f: {  	_ =	shalt  }
0x60: {  	_ =	shalt  }
0x61: {  	_ =	shalt  }
0x62: {  	_ =	shalt  }
0x63: {  	_ =	shalt  }
0x64: {  	_ =	shalt  }
0x65: {  	_ =	shalt  }
0x66: {  	_ =	shalt  }
0x67: {  	_ =	shalt  }
0x68: {  	_ =	shalt  }
0x69: {  	_ =	shalt  }
0x6a: {  	_ =	shalt  }
0x6b: {  	_ =	shalt  }
0x6c: {  	_ =	shalt  }
0x6d: {  	_ =	shalt  }
0x6e: {  	_ =	shalt  }
0x6f: {  	_ =	shalt  }
0x70: {  	_ =	shalt  }
0x71: {  	_ =	shalt  }
0x72: {  	_ =	shalt  }
0x73: {  	_ =	shalt  }
0x74: {  	_ =	shalt  }
0x75: {  	_ =	shalt  }
0x76: {  	_ =	shalt  }
0x77: {  	_ =	shalt  }
0x78: {  	_ =	shalt  }
0x79: {  	_ =	shalt  }
0x7a: {  	_ =	shalt  }
0x7b: {  	_ =	shalt  }
0x7c: {  	_ =	shalt  }
0x7d: {  	_ =	shalt  }
0x7e: {  	_ =	shalt  }
0x7f: {  	_ =	shalt  }
0x80: {  	_ =	shalt  }
0x81: {  	_ =	shalt  }
0x82: {  	_ =	shalt  }
0x83: {  	_ =	shalt  }
0x84: {  	_ =	shalt  }
0x85: {  	_ =	shalt  }
0x86: {  	_ =	shalt  }
0x87: {  	_ =	shalt  }
.Lfunc_end0:
.L_simem_size_0:
called_computation.2_lowered:
.L_overlay_start_0:
0x88: {  	s2 =	sld [smem:$0x3FD9]  }
0x89: {  	s3 =	sld [smem:$0x3FFE];
	_ =	sdelay $0x1  }
0x8a: {  	s1 =	srdreg.scid  }
0x8b: {  	s0 =	sand.u32 $0x1, s1  }
0x8c: {  	s17 =	sshll.u32 s0, $0xA;
	s2 =	sadd.s32 s3, s2  }
0x8d: {  	s2 =	sadd.s32 s2, s17  }
0x8e: {  	[smem:$0x3FB9] =	sst s2  }
0x8f: {  	_ = 	snop  }
0x90: {  	s2 =	sld [smem:$0x3FC9];
	(tm) =	ssettm $0x1  }
0x91: {  	s18 =	sld [smem:$0x3FFB];
	_ =	sdelay $0x3  }
0x92: {  	_ =	strace s18  }
0x93: {  	s3 =	sld [smem:$0x3FFC];
	_ =	sdelay $0x3  }
0x94: {  	_ =	strace s3  }
0x95: {  	s3 =	sld [smem:$0x3FFD];
	_ =	sdelay $0x3  }
0x96: {  	_ =	strace s3  }
0x97: {  	_ =	strace $0x8FFFFFFF  }
0x98: {  	s19 =	sld [smem:$0x3FDB];
	_ =	sdelay $0x1  }
0x99: {  	s4 =	simm.s32 $_scs_section_size  }
0x9a: {  	s5 =	simm.s32 $_size__tile_overlayer_lowered;
	s6 =	simm.s32 $_tile_overlayer_lowered  }
0x9b: {  	s22 =	simm.s32 $0x1BFF;
	s21 =	sshll.u32 s6, $0x1;
	s3 =	sadd.s32 s4, s19  }
0x9c: {  	s7 =	simm.s32 $0x0;
	s20 =	sshll.u32 s5, $0x1;
	s5 =	sadd.s32 s21, s3  }
0x9d: {  	[timem:s7], [sflag:s22] =	dma.local [hbm:s5], s20  }
0x9e: {  	_ =	swait.ge [sflag:s22], s20  }
0x9f: {  	s4 =	ssub.s32 $0x0, s20;
	[sflag:s22] =	ssyncset.done $0x0  }
0xa0: {  	[sflag:s22] =	ssyncadd.s32 s4;
	_ =	sdelay $0x1  }
0xa1: {  	s23 =	simm.s32 $0x1B8B  }
0xa2: {  	_ =	swait.ge [sflag:s23], $0x1  }
0xa3: {  	[sflag:s23] =	ssyncset.done $0x0  }
0xa4: {  	s25 =	simm.s32 $0x1B8E;
	s24 =	sld [smem:$0x3FFE];
	[sflag:s23] =	ssyncadd.s32 $0xFFFFFFFF  }
0xa5: {  	s26 =	simm.s32 $execute0_lowered;
	[smem:$0x3FD2] =	sst s25  }
0xa6: {  	s5 =	sshll.u32 s26, $0x1;
	_ =	strace $0x80000046;
	[dreg:$0x1] =	wrdreg $0xFFFFFFFF  }
0xa7: {  	s28 =	simm.s32 $_size_execute0_lowered;
	s3 =	sadd.s32 s3, s5;
	[dreg:$0x0] =	wrdreg $0x0  }
0xa8: {  	s5 =	sshll.u32 s28, $0x1;
	[dreg:$0x2] =	wrdreg s3  }
0xa9: {  	[dreg:$0x3] =	wrdreg s5  }
0xaa: {  	[dreg:$0x4] =	wrdreg $0xC0  }
0xab: {  	_ =	task [dreg:s7], $0x5FFFF  }
0xac: {  	[dreg:$0x1] =	wrdreg $0xFFFFFFFF  }
0xad: {  	[dreg:$0x0] =	wrdreg $0x60  }
0xae: {  	[dreg:$0x2] =	wrdreg s2  }
0xaf: {  	[dreg:$0x3] =	wrdreg s24  }
0xb0: {  	[dreg:$0x4] =	wrdreg $0xA  }
0xb1: {  	_ =	task.clear_ibuf [dreg:s7], $0x5FFFF;
	_ =	strace $0x90000046  }
0xb2: {  	s29 =	simm.s32 $0xA;
	_ =	strace $0x80000048  }
0xb3: {  	_ =	swait.ge [sflag:s29], $0x1  }
0xb4: {  	[sflag:s29] =	ssyncadd.s32 $0xFFFFFFFF  }
0xb5: {  	_ =	strace $0x90000048  }
0xb6: {  	_ =	sfence  }
0xb7: {  	s30 =	sld [smem:$0x0];
	_ =	sdelay $0x2  }
0xb8: {  	s31 =	sshll.u32 s1, $0xD;
	s1 =	sshrl.u32 s1, $0x2  }
0xb9: {  	s3 =	sand.u32 $0x4000, s31;
	s1 =	sadd.s32 s1, s30  }
0xba: {  	s0 =	sor.u32 s3, s0;
	s1 =	sshll.u32 s1, $0x11  }
0xbb: {  	s0 =	sor.u32 s1, s0  }
0xbc: {  	s0 =	sadd.s32 $0x8F2B, s0  }
0xbd: {  	[sflag:s0] =	ssyncadd.remote.s32 $0x1  }
0xbe: {  	_ =	sfence.sel $0xFFFF  }
0xbf: {  	[dreg:$0x0] =	wrdreg $0xFFFFFFFF;
	(pc) =	sbr.abs _section_cstart, $3  }
0xc0: {  	[dreg:$0x1] =	wrdreg $0xFFFFFFFF  }
0xc1: {  	_ =	task.clear_ibuf [dreg:s7], $0x2FFFF;
	_ =	strace $0x9FFFFFFF  }
0xc2: {  	(tm) =	ssettm $0x7FFFFFFF  }
0xc3: {  	_ =	shalt  }
tec
execute0_lowered:
.L_overlay_start_1:
0x0: {  	(tag) =	ssettag $0x1  }
0x1: {  	s1 =	rddreg [dreg:$0x0]  }
0x2: {  	s3 =	rddreg [dreg:$0x1]  }
0x3: {  	s0 =	rddreg [dreg:$0x2];
	s2 =	simm.s32 $0x0  }
0x4: {  	s4 =	srdreg.scid;
	s15 =	stileid.u32;
	s12 =	simm.s32 $0x100  }
0x5: {  	s13 =	simm.s32 $0x8180;
	s14 =	simm.s32 $0x1;
	[smem:$0x7FF] =	sst s2  }
0x6: {  	s5 =	sadd.s32 $0x4200, s3;
	s4 =	sand.u32 $0x1, s4;
	s8 =	smul.u32 $0x4E, s15  }
0x7: {  	s11 =	sadd.s32 $0x17E00, s3;
	s28 =	smul.u32 $0x27000, s15;
	p0 =	sne.s32 s15, $0x0  }
0x8: {  	s15 =	simm.s32 $0x0;
	_ =	strace $0x80000047;
	s6 =	ssub.s32 $0x2, s4  }
0x9: {  	s7 =	sshll.u32 s4, $0x4;
	s10 =	smul.u32 $0x27, s4;
	s26 =	sshll.u32 s4, $0xB  }
0xa: {  	s29 =	smul.u32 $0x13800, s4;
	s9 =	sshrl.u32 s6, $0x1;
	s7 =	sadd.s32 s7, s5  }
0xb: {  	s31 =	sadd.s32 s28, s11;
	s6 =	ssub.s32 s6, s9;
	s3 =	sadd.s32 $0x9C20, s7  }
0xc: {  	s8 =	sadd.s32 s10, s8;
	s7 =	sadd.s32 s26, s11;
	s9 =	simm.s32 $0x80  }
0xd: {  	s10 =	simm.s32 $0x180;
	s11 =	simm.s32 $0x4180;
	s8 =	sshll.u32 s8, $0x4  }
0xe: {  	s4 =	sadd.s32 $0x270000, s7;
	s7 =	sadd.s32 s29, s31;
	s30 =	sadd.s32 s5, s8  }
0xf: {  	s5 =	smax.u32 s6, $0x1;
	s8 =	simm.s32 $0x2;
	s6 =	sadd.s32 $0x4E20, s30  }
.LBB2_1:
0x10: {  	s16 =	sadd.s32 $0x0, s6  }
0x11: {  	[tilespmem:s2], [sflag:$0x2] =	stream.linear.gather [hbm4b:s16+s2], $0x180, $0x38;
	[tilespmem:$0xC180] =	vst v63  }
0x12: {  	_ =	swait.ge [sflag:s8], $0x180  }
0x13: {  	[sflag:s8] =	ssyncset.done $0x0  }
0x14: {  	[sflag:s8] =	ssyncadd.s32 $0xFFFFFE80  }
0x15: {  	[tilespmem:s10], [sflag:$0x1] =	stream.indirect.gather [hbm4b:s1+s9], $0x80, s2, s9, $0xb8;
	[tilespmem:$0xC180] =	vst v63  }
0x16: {  	_ = 	snop  }
0x17: {  	[tilespmem:s11], [sflag:$0x1] =	stream.indirect.gather [hbm4b:s1+s9], $0x80, s9, s9, $0xb8;
	[tilespmem:$0xC180] =	vst v63  }
0x18: {  	_ = 	snop  }
0x19: {  	[tilespmem:s13], [sflag:$0x1] =	stream.indirect.gather [hbm4b:s1+s9], $0x80, s12, s9, $0xb8;
	[tilespmem:$0xC180] =	vst v63  }
0x1a: {  	_ =	swait.ge [sflag:s14], $0x4000  }
0x1b: {  	[sflag:s14] =	ssyncset.done $0x0  }
0x1c: {  	[sflag:s14] =	ssyncadd.s32 $0xFFFFC000  }
0x1d: {  	_ =	swait.ge [sflag:s14], $0x4000  }
0x1e: {  	[sflag:s14] =	ssyncset.done $0x0  }
0x1f: {  	[sflag:s14] =	ssyncadd.s32 $0xFFFFC000  }
0x20: {  	_ =	swait.ge [sflag:s14], $0x4000  }
0x21: {  	[sflag:s14] =	ssyncset.done $0x0  }
0x22: {  	[sflag:s14] =	ssyncadd.s32 $0xFFFFC000  }
0x23: {  	[hbm4b:s7+s2] =	stream.linear.scatter [tilespmem:s10], [sflag:$0x2], $0xC000, $0x38;
	[tilespmem:$0xC180] =	vst v63  }
0x24: {  	s17 =	simm.s32 $0x30;
	_ =	swait.ge [sflag:s8], $0xC000  }
0x25: {  	s18 =	simm.s32 $0x60;
	s16 =	sadd.s32 $0x1800, s7;
	[sflag:s8] =	ssyncset.done $0x0  }
.LBB2_2:
0x26: {  	s19 =	sadd.s32 s17, s6  }
0x27: {  	[sflag:s8] =	ssyncadd.s32 $0xFFFF4000;
	s17 =	smov.u32 s18;
	s20 =	sadd.s32 $0x30, s18  }
0x28: {  	[tilespmem:s2], [sflag:$0x2] =	stream.linear.gather [hbm4b:s19+s2], $0x180, $0x38;
	[tilespmem:$0xC180] =	vst v63  }
0x29: {  	p1 =	sne.s32 s18, $0x240;
	_ =	swait.ge [sflag:s8], $0x180  }
0x2a: {  	[sflag:s8] =	ssyncset.done $0x0  }
0x2b: {  	[sflag:s8] =	ssyncadd.s32 $0xFFFFFE80  }
0x2c: {  	[tilespmem:s10], [sflag:$0x1] =	stream.indirect.gather [hbm4b:s1+s9], $0x80, s2, s9, $0xb8;
	[tilespmem:$0xC180] =	vst v63  }
0x2d: {  	_ = 	snop  }
0x2e: {  	[tilespmem:s11], [sflag:$0x1] =	stream.indirect.gather [hbm4b:s1+s9], $0x80, s9, s9, $0xb8;
	[tilespmem:$0xC180] =	vst v63  }
0x2f: {  	_ = 	snop  }
0x30: {  	[tilespmem:s13], [sflag:$0x1] =	stream.indirect.gather [hbm4b:s1+s9], $0x80, s12, s9, $0xb8;
	[tilespmem:$0xC180] =	vst v63  }
0x31: {  	_ =	swait.ge [sflag:s14], $0x4000  }
0x32: {  	[sflag:s14] =	ssyncset.done $0x0  }
0x33: {  	[sflag:s14] =	ssyncadd.s32 $0xFFFFC000  }
0x34: {  	_ =	swait.ge [sflag:s14], $0x4000  }
0x35: {  	[sflag:s14] =	ssyncset.done $0x0  }
0x36: {  	[sflag:s14] =	ssyncadd.s32 $0xFFFFC000  }
0x37: {  	_ =	swait.ge [sflag:s14], $0x4000  }
.Ltmp0:
0x38: {  	[sflag:s14] =	ssyncset.done $0x0;
	(pc) =	sbr.rel @p1 .LBB2_2-.Ltmp0, $4  }
0x39: {  	[sflag:s14] =	ssyncadd.s32 $0xFFFFC000  }
0x3a: {  	[hbm4b:s16+s2] =	stream.linear.scatter [tilespmem:s10], [sflag:$0x2], $0xC000, $0x38;
	[tilespmem:$0xC180] =	vst v63  }
0x3b: {  	_ =	swait.ge [sflag:s8], $0xC000  }
0x3c: {  	s18 =	smov.u32 s20;
	s16 =	sadd.s32 $0x1800, s16;
	[sflag:s8] =	ssyncset.done $0x0  }
0x3d: {  	s17 =	sadd.s32 s17, s6;
	[sflag:s8] =	ssyncadd.s32 $0xFFFF4000  }
0x3e: {  	[tilespmem:s2], [sflag:$0x2] =	stream.linear.gather [hbm4b:s17+s2], $0x180, $0x38;
	[tilespmem:$0xC180] =	vst v63  }
0x3f: {  	_ =	swait.ge [sflag:s8], $0x180  }
0x40: {  	[sflag:s8] =	ssyncset.done $0x0  }
0x41: {  	[sflag:s8] =	ssyncadd.s32 $0xFFFFFE80  }
0x42: {  	[tilespmem:s10], [sflag:$0x1] =	stream.indirect.gather [hbm4b:s1+s9], $0x80, s2, s9, $0xb8;
	[tilespmem:$0xC180] =	vst v63  }
0x43: {  	_ = 	snop  }
0x44: {  	[tilespmem:s11], [sflag:$0x1] =	stream.indirect.gather [hbm4b:s1+s9], $0x80, s9, s9, $0xb8;
	[tilespmem:$0xC180] =	vst v63  }
0x45: {  	_ = 	snop  }
0x46: {  	[tilespmem:s13], [sflag:$0x1] =	stream.indirect.gather [hbm4b:s1+s9], $0x80, s12, s9, $0xb8;
	[tilespmem:$0xC180] =	vst v63  }
0x47: {  	_ =	swait.ge [sflag:s14], $0x4000  }
0x48: {  	[sflag:s14] =	ssyncset.done $0x0  }
0x49: {  	[sflag:s14] =	ssyncadd.s32 $0xFFFFC000  }
0x4a: {  	_ =	swait.ge [sflag:s14], $0x4000  }
0x4b: {  	[sflag:s14] =	ssyncset.done $0x0  }
0x4c: {  	[sflag:s14] =	ssyncadd.s32 $0xFFFFC000  }
0x4d: {  	_ =	swait.ge [sflag:s14], $0x4000  }
0x4e: {  	[sflag:s14] =	ssyncset.done $0x0  }
0x4f: {  	[sflag:s14] =	ssyncadd.s32 $0xFFFFC000  }
0x50: {  	[hbm4b:s16+s2] =	stream.linear.scatter [tilespmem:s10], [sflag:$0x2], $0xC000, $0x38;
	[tilespmem:$0xC180] =	vst v63  }
0x51: {  	_ =	swait.ge [sflag:s8], $0xC000  }
0x52: {  	[sflag:s8] =	ssyncset.done $0x0  }
0x53: {  	s17 =	simm.s32 @!p0 $0x2;
	s16 =	simm.s32 @!p0 $0x0;
	[sflag:s8] =	ssyncadd.s32 $0xFFFF4000  }
0x54: {  	[tilespmem:s16], [sflag:$0x2] =	stream.linear.gather @!p0 [hbm4b:s3+s16], $0x80, $0x38;
	[tilespmem:$0xC180] =	vst v63  }
0x55: {  	_ =	swait.ge @!p0 [sflag:s17], $0x80  }
0x56: {  	[sflag:s17] =	ssyncset.done @!p0 $0x0  }
0x57: {  	s18 =	simm.s32 @!p0 $0x80;
	s19 =	simm.s32 @!p0 $0x180;
	[sflag:s17] =	ssyncadd.s32 @!p0 $0xFFFFFF80  }
0x58: {  	[tilespmem:s19], [sflag:$0x1] =	stream.indirect.gather @!p0 [hbm4b:s1+s18], $0x80, s16, s18, $0xb8;
	[tilespmem:$0xC180] =	vst v63  }
0x59: {  	s18 =	simm.s32 @!p0 $0x1  }
0x5a: {  	s15 =	sadd.s32 $0x1, s15;
	_ =	swait.ge @!p0 [sflag:s18], $0x4000  }
0x5b: {  	p1 =	sne.s32 s15, s5;
	[sflag:s18] =	ssyncset.done @!p0 $0x0  }
.Ltmp1:
0x5c: {  	[sflag:s18] =	ssyncadd.s32 @!p0 $0xFFFFC000;
	(pc) =	sbr.rel @p1 .LBB2_1-.Ltmp1, $4  }
0x5d: {  	[hbm4b:s4+s16] =	stream.linear.scatter @!p0 [tilespmem:s19], [sflag:$0x2], $0x4000, $0x38;
	[tilespmem:$0xC180] =	vst v63  }
0x5e: {  	_ =	swait.ge @!p0 [sflag:s17], $0x4000  }
0x5f: {  	[sflag:s17] =	ssyncset.done @!p0 $0x0  }
0x60: {  	[sflag:s17] =	ssyncadd.s32 @!p0 $0xFFFFC000  }
0x61: {  	_ =	sfence.sel $0x180000  }
0x62: {  	[bflag:$0x0] =	sbarrier.arrive $0xFFFF  }
0x63: {  	_ =	strace $0x90000047  }
0x64: {  	s0 =	sadd.s32 @!p0 $0x100000, s0;
	[bflag:$0x2] =	sbarrier.arrive $0xFFFF  }
0x65: {  	[sflag:s0] =	ssyncadd.tile.s32 @!p0 $0x1;
	_ =	shalt  }
.Lfunc_end2:
_tile_overlayer_lowered:
.L_overlay_start_2:
0x66: {  	(tag) =	ssettag $0x2  }
0x67: {  	s0 =	rddreg [dreg:$0x0];
	s2 =	stileid.u32  }
0x68: {  	s1 =	rddreg [dreg:$0x1];
	p0 =	sne.s32 s2, $0x0  }
0x69: {  	s3 =	rddreg [dreg:$0x2];
	[bflag:$0x3] =	sbarrier.arrive $0xFFFF;
	s2 =	simm.s32 @!p0 $0x1C02  }
0x6a: {  	[timem:s3], [sflag:s2] =	dma.local @!p0 [hbm:s0], s1  }
0x6b: {  	s0 =	simm.s32 @!p0 $0x2  }
0x6c: {  	_ =	swait.ge @!p0 [sflag:s0], s1  }
0x6d: {  	s1 =	ssub.s32 @!p0 $0x0, s1;
	[sflag:s0] =	ssyncset.done @!p0 $0x0  }
0x6e: {  	[sflag:s0] =	ssyncadd.s32 @!p0 s1  }
0x6f: {  	[bflag:$0x3] =	sbarrier.arrive $0xFFFF  }
0x70: {  	_ =	shalt  }

// kernel: kernel.18.cloned.1.call-start
scs
__scs_entry_jumppad:
0x0: {  	(pc) =	sbr.rel $0x88, $3  }
0x1: {  	(tag) =	ssettag $0x0;
	lr =	simm.s32 $0x1  }
0x2: {  	[smem:$0x3F92] =	sst lr;
	_ =	strace $0xD0000000  }
0x3: {  	_ = 	snop  }
0x4: {  	_ = 	snop  }
0x5: {  	_ = 	snop  }
0x6: {  	_ = 	snop  }
0x7: {  	_ = 	snop  }
__scs_overlays_trampoline_lowered:
0x8: {  	[smem:$0x3FA1] =	sst s0  }
0x9: {  	[smem:$0x3FA2] =	sst s1  }
0xa: {  	[smem:$0x3FA3] =	sst s2  }
0xb: {  	[smem:$0x3FA4] =	sst s3  }
0xc: {  	[smem:$0x3FA5] =	sst s4  }
0xd: {  	[smem:$0x3FA6] =	sst s5  }
0xe: {  	[smem:$0x3FA7] =	sst s6  }
0xf: {  	[smem:$0x3FA8] =	sst s7  }
0x10: {  	[smem:$0x3FA9] =	sst s8  }
0x11: {  	[smem:$0x3FAA] =	sst s9;
	s0 =	simm.s32 @!p0 $0x0  }
0x12: {  	s1 =	sld [smem:$0x3F90];
	s0 =	simm.s32 @p0 $0x1  }
0x13: {  	[smem:$0x3FAB] =	sst s0;
	s0 =	simm.s32 @!p1 $0x0  }
0x14: {  	s2 =	sld [smem:$0x3F8F];
	s0 =	simm.s32 @p1 $0x1  }
0x15: {  	[smem:$0x3FAC] =	sst s0;
	s0 =	simm.s32 @!p2 $0x0  }
0x16: {  	s3 =	sld [smem:$0x3FDB];
	s0 =	simm.s32 @p2 $0x1  }
0x17: {  	s4 =	simm.s32 $0x1BF5;
	[smem:$0x3FAE] =	sst s0  }
0x18: {  	s0 =	sld [smem:$0x3F91];
	_ =	swait.ge [sflag:s4], $0x0  }
0x19: {  	s7 =	sld [smem:$0x3F92]  }
0x1a: {  	s8 =	sadd.s32 $0xFFFFE003, lr  }
0x1b: {  	s9 =	sadd.s32 $0xFFFFFEF7, lr;
	s5 =	simm.s32 $0xFFFFFFFF;
	p2 =	slt.u32 s8, $0xFFFFF086  }
0x1c: {  	p1 =	slt.u32 s9, $0xF7A;
	s5 =	simm.s32 @!p2 $0x0  }
0x1d: {  	s5 =	simm.s32 @p1 $0x1;
	p0 =	seq.s32 s7, s2  }
0x1e: {  	s7 =	smul.u32 @!p0 $0xF7A, s2;
	p2 =	seq.s32 @!p0 s5, $0x0  }
0x1f: {  	s9 =	smul.u32 $0xF7A, s1;
	s8 =	simm.s32 @!p0 $0x1BF5;
	p2 =	por !p2, p0  }
0x20: {  	[sflag:s8] =	ssyncset.s32 @!p0 $0xFFFFF086;
	s6 =	sadd.s32 @!p0 s3, s7;
	s7 =	simm.s32 @!p0 $0x108  }
0x21: {  	s3 =	sadd.s32 s3, s9;
	s6 =	sadd.s32 @!p0 $0x88, s6;
	s7 =	simm.s32 @p2 $0x1082  }
0x22: {  	[simem:s7], [sflag:s8] =	dma.local @!p0 [hbm:s6], $0xF7A  }
0x23: {  	s9 =	sor.u32 $0xD0000000, s2;
	s6 =	simm.s32 $0x108;
	_ =	swait.ge @!p0 [sflag:s8], $0x0  }
0x24: {  	s3 =	sadd.s32 $0x88, s3;
	s6 =	simm.s32 @!p1 $0x1082;
	[sflag:s4] =	ssyncset.s32 $0xFFFFF086  }
0x25: {  	[simem:s6], [sflag:s4] =	dma.local [hbm:s3], $0xF7A  }
0x26: {  	[smem:$0x3F92] =	sst s1;
	(tag) =	ssettag s2;
	_ =	strace s9  }
0x27: {  	s1 =	sld [smem:$0x3FA2]  }
0x28: {  	s2 =	sld [smem:$0x3FA3]  }
0x29: {  	s4 =	sld [smem:$0x3FA5]  }
0x2a: {  	p0 =	seq.s32 s5, $0x0;
	s5 =	sld [smem:$0x3FA6]  }
0x2b: {  	s6 =	sld [smem:$0x3FA7]  }
0x2c: {  	s7 =	sld [smem:$0x3FA8]  }
0x2d: {  	s3 =	simm.s32 $0x108;
	s8 =	sld [smem:$0x3FA9]  }
0x2e: {  	s3 =	simm.s32 @!p0 $0x1082;
	s9 =	sld [smem:$0x3FAA]  }
0x2f: {  	lr =	sadd.s32 s0, s3;
	s0 =	sld [smem:$0x3FA1]  }
0x30: {  	s3 =	sld [smem:$0x3FA4]  }
0x31: {  	[smem:$0x3FAD] =	sst s10  }
0x32: {  	s10 =	sld [smem:$0x3FAB];
	_ =	sdelay $0x3  }
0x33: {  	p0 =	seq.s32 s10, $0x1;
	s10 =	sld [smem:$0x3FAD];
	_ =	sdelay $0x3  }
0x34: {  	[smem:$0x3FAD] =	sst s10  }
0x35: {  	s10 =	sld [smem:$0x3FAC];
	_ =	sdelay $0x3  }
0x36: {  	p1 =	seq.s32 s10, $0x1;
	s10 =	sld [smem:$0x3FAD];
	_ =	sdelay $0x3  }
0x37: {  	[smem:$0x3FAD] =	sst s10  }
0x38: {  	s10 =	sld [smem:$0x3FAE]  }
0x39: {  	_ = 	snop;
	(pc) =	sbr.ind lr, $3  }
0x3a: {  	_ = 	snop  }
0x3b: {  	_ = 	snop  }
0x3c: {  	p2 =	seq.s32 s10, $0x1;
	s10 =	sld [smem:$0x3FAD]  }
0x3d: {  	_ =	shalt  }
0x3e: {  	_ =	shalt  }
0x3f: {  	_ =	shalt  }
0x40: {  	_ =	shalt  }
0x41: {  	_ =	shalt  }
0x42: {  	_ =	shalt  }
0x43: {  	_ =	shalt  }
0x44: {  	_ =	shalt  }
0x45: {  	_ =	shalt  }
0x46: {  	_ =	shalt  }
0x47: {  	_ =	shalt  }
0x48: {  	_ =	shalt  }
0x49: {  	_ =	shalt  }
0x4a: {  	_ =	shalt  }
0x4b: {  	_ =	shalt  }
0x4c: {  	_ =	shalt  }
0x4d: {  	_ =	shalt  }
0x4e: {  	_ =	shalt  }
0x4f: {  	_ =	shalt  }
0x50: {  	_ =	shalt  }
0x51: {  	_ =	shalt  }
0x52: {  	_ =	shalt  }
0x53: {  	_ =	shalt  }
0x54: {  	_ =	shalt  }
0x55: {  	_ =	shalt  }
0x56: {  	_ =	shalt  }
0x57: {  	_ =	shalt  }
0x58: {  	_ =	shalt  }
0x59: {  	_ =	shalt  }
0x5a: {  	_ =	shalt  }
0x5b: {  	_ =	shalt  }
0x5c: {  	_ =	shalt  }
0x5d: {  	_ =	shalt  }
0x5e: {  	_ =	shalt  }
0x5f: {  	_ =	shalt  }
0x60: {  	_ =	shalt  }
0x61: {  	_ =	shalt  }
0x62: {  	_ =	shalt  }
0x63: {  	_ =	shalt  }
0x64: {  	_ =	shalt  }
0x65: {  	_ =	shalt  }
0x66: {  	_ =	shalt  }
0x67: {  	_ =	shalt  }
0x68: {  	_ =	shalt  }
0x69: {  	_ =	shalt  }
0x6a: {  	_ =	shalt  }
0x6b: {  	_ =	shalt  }
0x6c: {  	_ =	shalt  }
0x6d: {  	_ =	shalt  }
0x6e: {  	_ =	shalt  }
0x6f: {  	_ =	shalt  }
0x70: {  	_ =	shalt  }
0x71: {  	_ =	shalt  }
0x72: {  	_ =	shalt  }
0x73: {  	_ =	shalt  }
0x74: {  	_ =	shalt  }
0x75: {  	_ =	shalt  }
0x76: {  	_ =	shalt  }
0x77: {  	_ =	shalt  }
0x78: {  	_ =	shalt  }
0x79: {  	_ =	shalt  }
0x7a: {  	_ =	shalt  }
0x7b: {  	_ =	shalt  }
0x7c: {  	_ =	shalt  }
0x7d: {  	_ =	shalt  }
0x7e: {  	_ =	shalt  }
0x7f: {  	_ =	shalt  }
0x80: {  	_ =	shalt  }
0x81: {  	_ =	shalt  }
0x82: {  	_ =	shalt  }
0x83: {  	_ =	shalt  }
0x84: {  	_ =	shalt  }
0x85: {  	_ =	shalt  }
0x86: {  	_ =	shalt  }
0x87: {  	_ =	shalt  }
.Lfunc_end0:
.L_simem_size_0:
called_computation.3_lowered:
.L_overlay_start_0:
0x88: {  	s2 =	sld [smem:$0x3FD9]  }
0x89: {  	s3 =	sld [smem:$0x3FFE];
	_ =	sdelay $0x1  }
0x8a: {  	s1 =	srdreg.scid  }
0x8b: {  	s0 =	sand.u32 $0x1, s1  }
0x8c: {  	s17 =	sshll.u32 s0, $0xA;
	s2 =	sadd.s32 s3, s2  }
0x8d: {  	s2 =	sadd.s32 s2, s17  }
0x8e: {  	[smem:$0x3FB9] =	sst s2  }
0x8f: {  	_ = 	snop  }
0x90: {  	s18 =	sld [smem:$0x3FD0];
	(tm) =	ssettm $0x1  }
0x91: {  	s19 =	sld [smem:$0x3FFB];
	_ =	sdelay $0x3  }
0x92: {  	_ =	strace s19  }
0x93: {  	s2 =	sld [smem:$0x3FFC];
	_ =	sdelay $0x3  }
0x94: {  	_ =	strace s2  }
0x95: {  	s2 =	sld [smem:$0x3FFD];
	_ =	sdelay $0x3  }
0x96: {  	_ =	strace s2  }
0x97: {  	_ =	strace $0x8FFFFFFF  }
0x98: {  	s20 =	sld [smem:$0x3FDB];
	_ =	sdelay $0x1  }
0x99: {  	s4 =	simm.s32 $_scs_section_size  }
0x9a: {  	s5 =	simm.s32 $_size__tile_overlayer_lowered;
	s6 =	simm.s32 $_tile_overlayer_lowered  }
0x9b: {  	s7 =	simm.s32 $0x1BFF;
	s21 =	sshll.u32 s6, $0x1;
	s4 =	sadd.s32 s4, s20  }
0x9c: {  	s22 =	simm.s32 $0x0;
	s5 =	sshll.u32 s5, $0x1;
	s6 =	sadd.s32 s21, s4  }
0x9d: {  	[timem:s22], [sflag:s7] =	dma.local [hbm:s6], s5  }
0x9e: {  	_ =	swait.ge [sflag:s7], s5  }
0x9f: {  	s5 =	ssub.s32 $0x0, s5;
	[sflag:s7] =	ssyncset.done $0x0  }
0xa0: {  	[sflag:s7] =	ssyncadd.s32 s5;
	_ =	sdelay $0x1  }
0xa1: {  	s23 =	simm.s32 $0x1B8B  }
0xa2: {  	_ =	swait.ge [sflag:s23], $0x1  }
0xa3: {  	[sflag:s23] =	ssyncset.done $0x0  }
0xa4: {  	[sflag:s23] =	ssyncadd.s32 $0xFFFFFFFF  }
0xa5: {  	s5 =	sld [smem:$0x0]  }
0xa6: {  	s6 =	sand.u32 $0xFFFFFFFE, s1  }
0xa7: {  	p0 =	sne.s32 s1, s6  }
0xa8: {  	s6 =	sshll.u32 @p0 s6, $0xE  }
0xa9: {  	s6 =	sadd.s32 @p0 $0x11B8D, s6;
	s7 =	sshll.u32 @p0 s5, $0x11  }
0xaa: {  	s6 =	sor.u32 @p0 s7, s6  }
0xab: {  	[sflag:s6] =	ssyncadd.remote.s32 @p0 $0x1;
	_ =	sdelay $0x1  }
0xac: {  	s6 =	simm.s32 @p0 $0x1B8D  }
0xad: {  	_ =	swait.eq @p0 [sflag:s6], $0x1  }
0xae: {  	[sflag:s6] =	ssyncadd.s32 @p0 $0xFFFFFFFF  }
0xaf: {  	s7 =	sshll.u32 @!p0 s1, $0xE  }
0xb0: {  	s7 =	sor.u32 @!p0 $0x4000, s7;
	s6 =	simm.s32 @!p0 $0x1B8D  }
0xb1: {  	s5 =	sshll.u32 @!p0 s5, $0x11;
	s7 =	sadd.s32 @!p0 $0x11B8D, s7;
	_ =	swait.eq @!p0 [sflag:s6], $0x1  }
0xb2: {  	s5 =	sor.u32 @!p0 s5, s7;
	[sflag:s6] =	ssyncadd.s32 @!p0 $0xFFFFFFFF  }
0xb3: {  	s25 =	simm.s32 $0x1B8E;
	s24 =	sld [smem:$0x3FFE];
	[sflag:s5] =	ssyncadd.remote.s32 @!p0 $0x1  }
0xb4: {  	s26 =	simm.s32 $execute0_lowered;
	[smem:$0x3FD2] =	sst s25  }
0xb5: {  	s6 =	sshll.u32 s26, $0x1;
	_ =	strace $0x8000004C;
	[dreg:$0x1] =	wrdreg $0xFFFFFFFF  }
0xb6: {  	s28 =	simm.s32 $_size_execute0_lowered;
	s4 =	sadd.s32 s4, s6;
	[dreg:$0x0] =	wrdreg $0x0  }
0xb7: {  	s6 =	sshll.u32 s28, $0x1;
	[dreg:$0x2] =	wrdreg s4  }
0xb8: {  	[dreg:$0x3] =	wrdreg s6  }
0xb9: {  	[dreg:$0x4] =	wrdreg $0xC0  }
0xba: {  	_ =	task [dreg:s22], $0x5FFFF  }
0xbb: {  	[dreg:$0x1] =	wrdreg $0xFFFFFFFF  }
0xbc: {  	[dreg:$0x0] =	wrdreg $0x60  }
0xbd: {  	[dreg:$0x2] =	wrdreg s24  }
0xbe: {  	[dreg:$0x3] =	wrdreg s18  }
0xbf: {  	[dreg:$0x4] =	wrdreg $0x81000  }
0xc0: {  	[dreg:$0x5] =	wrdreg $0xA  }
0xc1: {  	_ =	task.clear_ibuf [dreg:s22], $0x6FFFF;
	_ =	strace $0x9000004C  }
0xc2: {  	s29 =	simm.s32 $0xA;
	_ =	strace $0x8000004E  }
0xc3: {  	_ =	swait.ge [sflag:s29], $0x1  }
0xc4: {  	[sflag:s29] =	ssyncadd.s32 $0xFFFFFFFF  }
0xc5: {  	_ =	strace $0x9000004E  }
0xc6: {  	_ =	sfence  }
0xc7: {  	s30 =	sld [smem:$0x0];
	_ =	sdelay $0x2  }
0xc8: {  	s31 =	sshll.u32 s1, $0xD;
	s1 =	sshrl.u32 s1, $0x2  }
0xc9: {  	s4 =	sand.u32 $0x4000, s31;
	s1 =	sadd.s32 s1, s30  }
0xca: {  	s0 =	sor.u32 s4, s0;
	s1 =	sshll.u32 s1, $0x11  }
0xcb: {  	s0 =	sor.u32 s1, s0  }
0xcc: {  	s0 =	sadd.s32 $0x8F2B, s0  }
0xcd: {  	[sflag:s0] =	ssyncadd.remote.s32 $0x1  }
0xce: {  	_ =	sfence.sel $0xFFFF  }
0xcf: {  	[dreg:$0x0] =	wrdreg $0xFFFFFFFF;
	(pc) =	sbr.abs _section_cstart, $3  }
0xd0: {  	[dreg:$0x1] =	wrdreg $0xFFFFFFFF  }
0xd1: {  	_ =	task.clear_ibuf [dreg:s22], $0x2FFFF;
	_ =	strace $0x9FFFFFFF  }
0xd2: {  	(tm) =	ssettm $0x7FFFFFFF  }
0xd3: {  	_ =	shalt  }
tec
execute0_lowered:
.L_overlay_start_1:
0x0: {  	(tag) =	ssettag $0x1  }
0x1: {  	s3 =	rddreg [dreg:$0x0]  }
0x2: {  	s4 =	rddreg [dreg:$0x1]  }
0x3: {  	s1 =	rddreg [dreg:$0x2]  }
0x4: {  	s0 =	rddreg [dreg:$0x3];
	s2 =	simm.s32 $0x0;
	s5 =	srdreg.scid  }
0x5: {  	s21 =	stileid.u32;
	[smem:$0x7FF] =	sst s2  }
0x6: {  	s11 =	sand.u32 $0x1, s5;
	s31 =	smul.u32 $0x13880, s21;
	s12 =	sadd.s32 $0x4F9E00, s3  }
0x7: {  	s13 =	sadd.s32 $0xE000, s3;
	s8 =	sshll.u32 s21, $0x1;
	s19 =	sshll.u32 s21, $0x6  }
0x8: {  	s28 =	smul.u32 $0x27000, s21;
	p0 =	sne.s32 s21, $0x0;
	_ =	strace $0x8000004D  }
0x9: {  	s6 =	smul.u32 $0x138800, s11;
	s7 =	ssub.s32 $0x2, s11;
	s8 =	sor.u32 s11, s8  }
0xa: {  	s23 =	sshll.u32 s11, $0x4;
	s24 =	sshll.u32 s11, $0xB;
	s29 =	smul.u32 $0x13800, s11  }
0xb: {  	s9 =	sshrl.u32 s7, $0x1;
	s16 =	smul.u32 $0x1380, s8;
	s15 =	sadd.s32 s31, s1  }
0xc: {  	s17 =	sshrl.u32 s31, $0x3;
	s18 =	smul.u32 $0x9C000, s8;
	s8 =	sadd.s32 s24, s12  }
0xd: {  	s6 =	sadd.s32 s31, s6;
	s14 =	ssub.s32 s7, s9;
	s7 =	sadd.s32 s23, s13  }
0xe: {  	s8 =	sadd.s32 $0x270000, s8;
	s31 =	sadd.s32 s28, s12;
	s6 =	sshrl.u32 s6, $0x3  }
0xf: {  	s20 =	sshrl.u32 s18, $0x3;
	s18 =	smul.u32 $0x4E, s21;
	s7 =	sadd.s32 $0x9C20, s7  }
0x10: {  	s10 =	sadd.s32 s6, s3;
	s6 =	sshrl.u32 s16, $0x3;
	s16 =	smul.u32 $0x138000, s21  }
0x11: {  	s3 =	sadd.s32 s4, s17;
	s4 =	sor.u32 $0x1C03, s19;
	s17 =	smul.u32 $0x9C000, s11  }
0x12: {  	s22 =	sadd.s32 s12, s20;
	s19 =	smul.u32 $0x27, s11;
	s20 =	simm.s32 $0x2  }
0x13: {  	s21 =	simm.s32 $0x0;
	s6 =	sadd.s32 s13, s6;
	s9 =	sadd.s32 $0x17E00, s10  }
0x14: {  	s10 =	smax.u32 s14, $0x1;
	s5 =	sadd.s32 $0x5080, s6;
	s6 =	sadd.s32 $0x13000, s22  }
0x15: {  	s25 =	sadd.s32 s17, s16;
	s26 =	sadd.s32 s19, s18;
	s17 =	simm.s32 $0x4100  }
0x16: {  	s18 =	simm.s32 $0x1;
	s14 =	sadd.s32 $0x4000, s25;
	s16 =	sshll.u32 s26, $0x4  }
0x17: {  	s19 =	simm.s32 $0x80;
	s30 =	sshrl.u32 s14, $0x3;
	s13 =	sadd.s32 s13, s16  }
0x18: {  	s14 =	sshrl.u32 s15, $0x3;
	s15 =	simm.s32 $0x3;
	s16 =	simm.s32 $0x100  }
0x19: {  	s11 =	sadd.s32 s30, s12;
	s12 =	sadd.s32 $0x4E20, s13;
	s13 =	sadd.s32 s29, s31  }
.LBB2_1:
0x1a: {  	[spmem:s14], [sflag:s4] =	dma.local [hbm:s3], $0x2710  }
0x1b: {  	_ =	swait.ge [sflag:s15], $0x2710  }
0x1c: {  	[sflag:s15] =	ssyncset.done $0x0  }
0x1d: {  	[sflag:s15] =	ssyncadd.s32 $0xFFFFD8F0  }
0x1e: {  	[bflag:$0x0] =	sbarrier.arrive $0xFFFF  }
0x1f: {  	[tilespmem:s2], [sflag:$0x3] =	stream.linear.gather [hbm4b:s12+s2], $0x100, $0x38;
	[tilespmem:$0x1B980] =	vst v63  }
0x20: {  	_ =	swait.ge [sflag:s15], $0x100  }
0x21: {  	[sflag:s15] =	ssyncset.done $0x0  }
0x22: {  	s22 =	sadd.s32 $0x0, s13;
	[sflag:s15] =	ssyncadd.s32 $0xFFFFFF00  }
0x23: {  	[tilespmem:s16], [sflag:$0x1] =	stream.linear.gather [hbm4b:s22+s2], $0x4000, $0x38;
	[tilespmem:$0x1B980] =	vst v63  }
0x24: {  	s31 =	sadd.s32 $0x0, s11  }
0x25: {  	[tilespmem:s17], [sflag:$0x1] =	stream.linear.gather [hbm4b:s31+s2], $0x4000, $0x38;
	[tilespmem:$0x1B980] =	vst v63  }
0x26: {  	_ =	swait.ge [sflag:s18], $0x4000  }
0x27: {  	[sflag:s18] =	ssyncset.done $0x0  }
0x28: {  	[sflag:s18] =	ssyncadd.s32 $0xFFFFC000  }
0x29: {  	[spmem:s1] =	stream.indirect.scatter.add.f32 [tilespmem:s16], [sflag:$0x2], $0x80, s2, s19, $0xb8;
	[tilespmem:$0x1B980] =	vst v63  }
0x2a: {  	_ =	swait.ge [sflag:s18], $0x4000  }
0x2b: {  	[sflag:s18] =	ssyncset.done $0x0  }
0x2c: {  	[sflag:s18] =	ssyncadd.s32 $0xFFFFC000  }
0x2d: {  	[spmem:s1] =	stream.indirect.scatter.add.f32 [tilespmem:s17], [sflag:$0x2], $0x80, s19, s19, $0xb8;
	[tilespmem:$0x1B980] =	vst v63  }
0x2e: {  	_ =	swait.ge [sflag:s20], $0x4000  }
0x2f: {  	[sflag:s20] =	ssyncset.done $0x0  }
0x30: {  	[sflag:s20] =	ssyncadd.s32 $0xFFFFC000  }
0x31: {  	_ =	swait.ge [sflag:s20], $0x4000  }
0x32: {  	s23 =	smov.u32 s12;
	s22 =	simm.s32 $0x1000;
	[sflag:s20] =	ssyncset.done $0x0  }
.LBB2_2:
0x33: {  	p1 =	sne.s32 s22, $0x12000;
	[sflag:s20] =	ssyncadd.s32 $0xFFFFC000;
	s23 =	sadd.s32 $0x20, s23  }
0x34: {  	[tilespmem:s2], [sflag:$0x3] =	stream.linear.gather [hbm4b:s23+s2], $0x100, $0x38;
	[tilespmem:$0x1B980] =	vst v63  }
0x35: {  	s24 =	smov.u32 s22;
	s22 =	sadd.s32 $0x1000, s22;
	_ =	swait.ge [sflag:s15], $0x100  }
0x36: {  	[sflag:s15] =	ssyncset.done $0x0  }
0x37: {  	s25 =	sadd.s32 s24, s13;
	[sflag:s15] =	ssyncadd.s32 $0xFFFFFF00  }
0x38: {  	[tilespmem:s16], [sflag:$0x1] =	stream.linear.gather [hbm4b:s25+s2], $0x4000, $0x38;
	[tilespmem:$0x1B980] =	vst v63  }
0x39: {  	s24 =	sadd.s32 s24, s11  }
0x3a: {  	[tilespmem:s17], [sflag:$0x1] =	stream.linear.gather [hbm4b:s24+s2], $0x4000, $0x38;
	[tilespmem:$0x1B980] =	vst v63  }
0x3b: {  	_ =	swait.ge [sflag:s18], $0x4000  }
0x3c: {  	[sflag:s18] =	ssyncset.done $0x0  }
0x3d: {  	[sflag:s18] =	ssyncadd.s32 $0xFFFFC000  }
0x3e: {  	[spmem:s1] =	stream.indirect.scatter.add.f32 [tilespmem:s16], [sflag:$0x2], $0x80, s2, s19, $0xb8;
	[tilespmem:$0x1B980] =	vst v63  }
0x3f: {  	_ =	swait.ge [sflag:s18], $0x4000  }
0x40: {  	[sflag:s18] =	ssyncset.done $0x0  }
0x41: {  	[sflag:s18] =	ssyncadd.s32 $0xFFFFC000  }
0x42: {  	[spmem:s1] =	stream.indirect.scatter.add.f32 [tilespmem:s17], [sflag:$0x2], $0x80, s19, s19, $0xb8;
	[tilespmem:$0x1B980] =	vst v63  }
.Ltmp0:
0x43: {  	_ =	swait.ge [sflag:s20], $0x4000;
	(pc) =	sbr.rel @p1 .LBB2_2-.Ltmp0, $4  }
0x44: {  	[sflag:s20] =	ssyncset.done $0x0  }
0x45: {  	[sflag:s20] =	ssyncadd.s32 $0xFFFFC000  }
0x46: {  	_ =	swait.ge [sflag:s20], $0x4000  }
0x47: {  	[sflag:s20] =	ssyncset.done $0x0  }
0x48: {  	[sflag:s20] =	ssyncadd.s32 $0xFFFFC000  }
0x49: {  	[tilespmem:s2], [sflag:$0x3] =	stream.linear.gather [hbm4b:s5+s2], $0x80, $0x38;
	[tilespmem:$0x1B980] =	vst v63  }
0x4a: {  	_ =	swait.ge [sflag:s15], $0x80  }
0x4b: {  	[sflag:s15] =	ssyncset.done $0x0  }
0x4c: {  	[sflag:s15] =	ssyncadd.s32 $0xFFFFFF80  }
0x4d: {  	[tilespmem:s16], [sflag:$0x3] =	stream.linear.gather [hbm4b:s6+s2], $0x4000, $0x38;
	[tilespmem:$0x1B980] =	vst v63  }
0x4e: {  	_ =	swait.ge [sflag:s15], $0x4000  }
0x4f: {  	[sflag:s15] =	ssyncset.done $0x0  }
0x50: {  	[sflag:s15] =	ssyncadd.s32 $0xFFFFC000  }
0x51: {  	[spmem:s1] =	stream.indirect.scatter.add.f32 [tilespmem:s16], [sflag:$0x3], $0x80, s2, s19, $0xb8;
	[tilespmem:$0x1B980] =	vst v63  }
0x52: {  	_ =	swait.ge [sflag:s15], $0x4000  }
0x53: {  	[sflag:s15] =	ssyncset.done $0x0  }
0x54: {  	s22 =	simm.s32 @!p0 $0x0;
	s23 =	simm.s32 @!p0 $0x3;
	[sflag:s15] =	ssyncadd.s32 $0xFFFFC000  }
0x55: {  	[tilespmem:s22], [sflag:$0x3] =	stream.linear.gather @!p0 [hbm4b:s7+s22], $0x80, $0x38;
	[tilespmem:$0x1B980] =	vst v63  }
0x56: {  	_ =	swait.ge @!p0 [sflag:s23], $0x80  }
0x57: {  	[sflag:s23] =	ssyncset.done @!p0 $0x0  }
0x58: {  	s24 =	simm.s32 @!p0 $0x100;
	[sflag:s23] =	ssyncadd.s32 @!p0 $0xFFFFFF80  }
0x59: {  	[tilespmem:s24], [sflag:$0x3] =	stream.linear.gather @!p0 [hbm4b:s8+s22], $0x4000, $0x38;
	[tilespmem:$0x1B980] =	vst v63  }
0x5a: {  	_ =	swait.ge @!p0 [sflag:s23], $0x4000  }
0x5b: {  	[sflag:s23] =	ssyncset.done @!p0 $0x0  }
0x5c: {  	s25 =	simm.s32 @!p0 $0x80;
	[sflag:s23] =	ssyncadd.s32 @!p0 $0xFFFFC000  }
0x5d: {  	[spmem:s1] =	stream.indirect.scatter.add.f32 @!p0 [tilespmem:s24], [sflag:$0x3], $0x80, s22, s25, $0xb8;
	[tilespmem:$0x1B980] =	vst v63  }
0x5e: {  	_ =	swait.ge @!p0 [sflag:s23], $0x4000  }
0x5f: {  	s21 =	sadd.s32 $0x1, s21;
	[sflag:s23] =	ssyncset.done @!p0 $0x0  }
0x60: {  	p1 =	sne.s32 s21, s10;
	[sflag:s23] =	ssyncadd.s32 @!p0 $0xFFFFC000  }
.Ltmp1:
0x61: {  	[bflag:$0x0] =	sbarrier.arrive $0xFFFF;
	(pc) =	sbr.rel @p1 .LBB2_1-.Ltmp1, $4  }
0x62: {  	[hbm:s9], [sflag:s4] =	dma.local [spmem:s14], $0x2710  }
0x63: {  	_ =	swait.ge [sflag:s15], $0x2710  }
0x64: {  	[sflag:s15] =	ssyncset.done $0x0  }
0x65: {  	[sflag:s15] =	ssyncadd.s32 $0xFFFFD8F0  }
0x66: {  	_ =	sfence.sel $0x180000  }
0x67: {  	[bflag:$0x0] =	sbarrier.arrive $0xFFFF  }
0x68: {  	_ =	strace $0x9000004D  }
0x69: {  	s0 =	sadd.s32 @!p0 $0x100000, s0;
	[bflag:$0x2] =	sbarrier.arrive $0xFFFF  }
0x6a: {  	[sflag:s0] =	ssyncadd.tile.s32 @!p0 $0x1;
	_ =	shalt  }
.Lfunc_end2:
_tile_overlayer_lowered:
.L_overlay_start_2:
0x6b: {  	(tag) =	ssettag $0x2  }
0x6c: {  	s0 =	rddreg [dreg:$0x0];
	s2 =	stileid.u32  }
0x6d: {  	s1 =	rddreg [dreg:$0x1];
	p0 =	sne.s32 s2, $0x0  }
0x6e: {  	s3 =	rddreg [dreg:$0x2];
	[bflag:$0x3] =	sbarrier.arrive $0xFFFF;
	s2 =	simm.s32 @!p0 $0x1C03  }
0x6f: {  	[timem:s3], [sflag:s2] =	dma.local @!p0 [hbm:s0], s1  }
0x70: {  	s0 =	simm.s32 @!p0 $0x3  }
0x71: {  	_ =	swait.ge @!p0 [sflag:s0], s1  }
0x72: {  	s1 =	ssub.s32 @!p0 $0x0, s1;
	[sflag:s0] =	ssyncset.done @!p0 $0x0  }
0x73: {  	[sflag:s0] =	ssyncadd.s32 @!p0 s1  }
0x74: {  	[bflag:$0x3] =	sbarrier.arrive $0xFFFF  }
0x75: {  	_ =	shalt  }

// kernel: kernel.9.cloned.1.call-start
scs
__scs_entry_jumppad:
0x0: {  	(pc) =	sbr.rel $0x88, $3  }
0x1: {  	(tag) =	ssettag $0x0;
	lr =	simm.s32 $0x1  }
0x2: {  	[smem:$0x3F92] =	sst lr;
	_ =	strace $0xD0000000  }
0x3: {  	_ = 	snop  }
0x4: {  	_ = 	snop  }
0x5: {  	_ = 	snop  }
0x6: {  	_ = 	snop  }
0x7: {  	_ = 	snop  }
__scs_overlays_trampoline_lowered:
0x8: {  	[smem:$0x3FA1] =	sst s0  }
0x9: {  	[smem:$0x3FA2] =	sst s1  }
0xa: {  	[smem:$0x3FA3] =	sst s2  }
0xb: {  	[smem:$0x3FA4] =	sst s3  }
0xc: {  	[smem:$0x3FA5] =	sst s4  }
0xd: {  	[smem:$0x3FA6] =	sst s5  }
0xe: {  	[smem:$0x3FA7] =	sst s6  }
0xf: {  	[smem:$0x3FA8] =	sst s7  }
0x10: {  	[smem:$0x3FA9] =	sst s8  }
0x11: {  	[smem:$0x3FAA] =	sst s9;
	s0 =	simm.s32 @!p0 $0x0  }
0x12: {  	s1 =	sld [smem:$0x3F90];
	s0 =	simm.s32 @p0 $0x1  }
0x13: {  	[smem:$0x3FAB] =	sst s0;
	s0 =	simm.s32 @!p1 $0x0  }
0x14: {  	s2 =	sld [smem:$0x3F8F];
	s0 =	simm.s32 @p1 $0x1  }
0x15: {  	[smem:$0x3FAC] =	sst s0;
	s0 =	simm.s32 @!p2 $0x0  }
0x16: {  	s3 =	sld [smem:$0x3FDB];
	s0 =	simm.s32 @p2 $0x1  }
0x17: {  	s4 =	simm.s32 $0x1BF5;
	[smem:$0x3FAE] =	sst s0  }
0x18: {  	s0 =	sld [smem:$0x3F91];
	_ =	swait.ge [sflag:s4], $0x0  }
0x19: {  	s7 =	sld [smem:$0x3F92]  }
0x1a: {  	s8 =	sadd.s32 $0xFFFFE003, lr  }
0x1b: {  	s9 =	sadd.s32 $0xFFFFFEF7, lr;
	s5 =	simm.s32 $0xFFFFFFFF;
	p2 =	slt.u32 s8, $0xFFFFF086  }
0x1c: {  	p1 =	slt.u32 s9, $0xF7A;
	s5 =	simm.s32 @!p2 $0x0  }
0x1d: {  	s5 =	simm.s32 @p1 $0x1;
	p0 =	seq.s32 s7, s2  }
0x1e: {  	s7 =	smul.u32 @!p0 $0xF7A, s2;
	p2 =	seq.s32 @!p0 s5, $0x0  }
0x1f: {  	s9 =	smul.u32 $0xF7A, s1;
	s8 =	simm.s32 @!p0 $0x1BF5;
	p2 =	por !p2, p0  }
0x20: {  	[sflag:s8] =	ssyncset.s32 @!p0 $0xFFFFF086;
	s6 =	sadd.s32 @!p0 s3, s7;
	s7 =	simm.s32 @!p0 $0x108  }
0x21: {  	s3 =	sadd.s32 s3, s9;
	s6 =	sadd.s32 @!p0 $0x88, s6;
	s7 =	simm.s32 @p2 $0x1082  }
0x22: {  	[simem:s7], [sflag:s8] =	dma.local @!p0 [hbm:s6], $0xF7A  }
0x23: {  	s9 =	sor.u32 $0xD0000000, s2;
	s6 =	simm.s32 $0x108;
	_ =	swait.ge @!p0 [sflag:s8], $0x0  }
0x24: {  	s3 =	sadd.s32 $0x88, s3;
	s6 =	simm.s32 @!p1 $0x1082;
	[sflag:s4] =	ssyncset.s32 $0xFFFFF086  }
0x25: {  	[simem:s6], [sflag:s4] =	dma.local [hbm:s3], $0xF7A  }
0x26: {  	[smem:$0x3F92] =	sst s1;
	(tag) =	ssettag s2;
	_ =	strace s9  }
0x27: {  	s1 =	sld [smem:$0x3FA2]  }
0x28: {  	s2 =	sld [smem:$0x3FA3]  }
0x29: {  	s4 =	sld [smem:$0x3FA5]  }
0x2a: {  	p0 =	seq.s32 s5, $0x0;
	s5 =	sld [smem:$0x3FA6]  }
0x2b: {  	s6 =	sld [smem:$0x3FA7]  }
0x2c: {  	s7 =	sld [smem:$0x3FA8]  }
0x2d: {  	s3 =	simm.s32 $0x108;
	s8 =	sld [smem:$0x3FA9]  }
0x2e: {  	s3 =	simm.s32 @!p0 $0x1082;
	s9 =	sld [smem:$0x3FAA]  }
0x2f: {  	lr =	sadd.s32 s0, s3;
	s0 =	sld [smem:$0x3FA1]  }
0x30: {  	s3 =	sld [smem:$0x3FA4]  }
0x31: {  	[smem:$0x3FAD] =	sst s10  }
0x32: {  	s10 =	sld [smem:$0x3FAB];
	_ =	sdelay $0x3  }
0x33: {  	p0 =	seq.s32 s10, $0x1;
	s10 =	sld [smem:$0x3FAD];
	_ =	sdelay $0x3  }
0x34: {  	[smem:$0x3FAD] =	sst s10  }
0x35: {  	s10 =	sld [smem:$0x3FAC];
	_ =	sdelay $0x3  }
0x36: {  	p1 =	seq.s32 s10, $0x1;
	s10 =	sld [smem:$0x3FAD];
	_ =	sdelay $0x3  }
0x37: {  	[smem:$0x3FAD] =	sst s10  }
0x38: {  	s10 =	sld [smem:$0x3FAE]  }
0x39: {  	_ = 	snop;
	(pc) =	sbr.ind lr, $3  }
0x3a: {  	_ = 	snop  }
0x3b: {  	_ = 	snop  }
0x3c: {  	p2 =	seq.s32 s10, $0x1;
	s10 =	sld [smem:$0x3FAD]  }
0x3d: {  	_ =	shalt  }
0x3e: {  	_ =	shalt  }
0x3f: {  	_ =	shalt  }
0x40: {  	_ =	shalt  }
0x41: {  	_ =	shalt  }
0x42: {  	_ =	shalt  }
0x43: {  	_ =	shalt  }
0x44: {  	_ =	shalt  }
0x45: {  	_ =	shalt  }
0x46: {  	_ =	shalt  }
0x47: {  	_ =	shalt  }
0x48: {  	_ =	shalt  }
0x49: {  	_ =	shalt  }
0x4a: {  	_ =	shalt  }
0x4b: {  	_ =	shalt  }
0x4c: {  	_ =	shalt  }
0x4d: {  	_ =	shalt  }
0x4e: {  	_ =	shalt  }
0x4f: {  	_ =	shalt  }
0x50: {  	_ =	shalt  }
0x51: {  	_ =	shalt  }
0x52: {  	_ =	shalt  }
0x53: {  	_ =	shalt  }
0x54: {  	_ =	shalt  }
0x55: {  	_ =	shalt  }
0x56: {  	_ =	shalt  }
0x57: {  	_ =	shalt  }
0x58: {  	_ =	shalt  }
0x59: {  	_ =	shalt  }
0x5a: {  	_ =	shalt  }
0x5b: {  	_ =	shalt  }
0x5c: {  	_ =	shalt  }
0x5d: {  	_ =	shalt  }
0x5e: {  	_ =	shalt  }
0x5f: {  	_ =	shalt  }
0x60: {  	_ =	shalt  }
0x61: {  	_ =	shalt  }
0x62: {  	_ =	shalt  }
0x63: {  	_ =	shalt  }
0x64: {  	_ =	shalt  }
0x65: {  	_ =	shalt  }
0x66: {  	_ =	shalt  }
0x67: {  	_ =	shalt  }
0x68: {  	_ =	shalt  }
0x69: {  	_ =	shalt  }
0x6a: {  	_ =	shalt  }
0x6b: {  	_ =	shalt  }
0x6c: {  	_ =	shalt  }
0x6d: {  	_ =	shalt  }
0x6e: {  	_ =	shalt  }
0x6f: {  	_ =	shalt  }
0x70: {  	_ =	shalt  }
0x71: {  	_ =	shalt  }
0x72: {  	_ =	shalt  }
0x73: {  	_ =	shalt  }
0x74: {  	_ =	shalt  }
0x75: {  	_ =	shalt  }
0x76: {  	_ =	shalt  }
0x77: {  	_ =	shalt  }
0x78: {  	_ =	shalt  }
0x79: {  	_ =	shalt  }
0x7a: {  	_ =	shalt  }
0x7b: {  	_ =	shalt  }
0x7c: {  	_ =	shalt  }
0x7d: {  	_ =	shalt  }
0x7e: {  	_ =	shalt  }
0x7f: {  	_ =	shalt  }
0x80: {  	_ =	shalt  }
0x81: {  	_ =	shalt  }
0x82: {  	_ =	shalt  }
0x83: {  	_ =	shalt  }
0x84: {  	_ =	shalt  }
0x85: {  	_ =	shalt  }
0x86: {  	_ =	shalt  }
0x87: {  	_ =	shalt  }
.Lfunc_end0:
.L_simem_size_0:
called_computation_lowered:
.L_overlay_start_0:
0x88: {  	s2 =	sld [smem:$0x3FD9]  }
0x89: {  	s3 =	sld [smem:$0x3FFE];
	_ =	sdelay $0x1  }
0x8a: {  	s1 =	srdreg.scid  }
0x8b: {  	s0 =	sand.u32 $0x1, s1  }
0x8c: {  	s17 =	sshll.u32 s0, $0xA;
	s2 =	sadd.s32 s3, s2  }
0x8d: {  	s2 =	sadd.s32 s2, s17  }
0x8e: {  	[smem:$0x3FB9] =	sst s2  }
0x8f: {  	_ = 	snop  }
0x90: {  	s18 =	sld [smem:$0x3FC9];
	(tm) =	ssettm $0x1  }
0x91: {  	s19 =	sld [smem:$0x3FFB];
	_ =	sdelay $0x3  }
0x92: {  	_ =	strace s19  }
0x93: {  	s2 =	sld [smem:$0x3FFC];
	_ =	sdelay $0x3  }
0x94: {  	_ =	strace s2  }
0x95: {  	s2 =	sld [smem:$0x3FFD];
	_ =	sdelay $0x3  }
0x96: {  	_ =	strace s2  }
0x97: {  	_ =	strace $0x8FFFFFFF  }
0x98: {  	s20 =	sld [smem:$0x3FDB];
	_ =	sdelay $0x1  }
0x99: {  	s4 =	simm.s32 $_scs_section_size  }
0x9a: {  	s5 =	simm.s32 $_size__tile_overlayer_lowered;
	s6 =	simm.s32 $_tile_overlayer_lowered  }
0x9b: {  	s7 =	simm.s32 $0x1BFF;
	s21 =	sshll.u32 s6, $0x1;
	s4 =	sadd.s32 s4, s20  }
0x9c: {  	s22 =	simm.s32 $0x0;
	s5 =	sshll.u32 s5, $0x1;
	s6 =	sadd.s32 s21, s4  }
0x9d: {  	[timem:s22], [sflag:s7] =	dma.local [hbm:s6], s5  }
0x9e: {  	_ =	swait.ge [sflag:s7], s5  }
0x9f: {  	s5 =	ssub.s32 $0x0, s5;
	[sflag:s7] =	ssyncset.done $0x0  }
0xa0: {  	[sflag:s7] =	ssyncadd.s32 s5;
	_ =	sdelay $0x1  }
0xa1: {  	s23 =	simm.s32 $0x1B8B  }
0xa2: {  	_ =	swait.ge [sflag:s23], $0x1  }
0xa3: {  	[sflag:s23] =	ssyncset.done $0x0  }
0xa4: {  	[sflag:s23] =	ssyncadd.s32 $0xFFFFFFFF  }
0xa5: {  	s5 =	sld [smem:$0x0]  }
0xa6: {  	s6 =	sand.u32 $0xFFFFFFFE, s1  }
0xa7: {  	p0 =	sne.s32 s1, s6  }
0xa8: {  	s6 =	sshll.u32 @p0 s6, $0xE  }
0xa9: {  	s6 =	sadd.s32 @p0 $0x11B8D, s6;
	s7 =	sshll.u32 @p0 s5, $0x11  }
0xaa: {  	s6 =	sor.u32 @p0 s7, s6  }
0xab: {  	[sflag:s6] =	ssyncadd.remote.s32 @p0 $0x1;
	_ =	sdelay $0x1  }
0xac: {  	s6 =	simm.s32 @p0 $0x1B8D  }
0xad: {  	_ =	swait.eq @p0 [sflag:s6], $0x1  }
0xae: {  	[sflag:s6] =	ssyncadd.s32 @p0 $0xFFFFFFFF  }
0xaf: {  	s7 =	sshll.u32 @!p0 s1, $0xE  }
0xb0: {  	s7 =	sor.u32 @!p0 $0x4000, s7;
	s6 =	simm.s32 @!p0 $0x1B8D  }
0xb1: {  	s5 =	sshll.u32 @!p0 s5, $0x11;
	s7 =	sadd.s32 @!p0 $0x11B8D, s7;
	_ =	swait.eq @!p0 [sflag:s6], $0x1  }
0xb2: {  	s5 =	sor.u32 @!p0 s5, s7;
	[sflag:s6] =	ssyncadd.s32 @!p0 $0xFFFFFFFF  }
0xb3: {  	s25 =	simm.s32 $0x1B8E;
	s24 =	sld [smem:$0x3FFE];
	[sflag:s5] =	ssyncadd.remote.s32 @!p0 $0x1  }
0xb4: {  	s26 =	simm.s32 $execute0_lowered;
	[smem:$0x3FD2] =	sst s25  }
0xb5: {  	s6 =	sshll.u32 s26, $0x1;
	_ =	strace $0x80000049;
	[dreg:$0x1] =	wrdreg $0xFFFFFFFF  }
0xb6: {  	s28 =	simm.s32 $_size_execute0_lowered;
	s4 =	sadd.s32 s4, s6;
	[dreg:$0x0] =	wrdreg $0x0  }
0xb7: {  	s6 =	sshll.u32 s28, $0x1;
	[dreg:$0x2] =	wrdreg s4  }
0xb8: {  	[dreg:$0x3] =	wrdreg s6  }
0xb9: {  	[dreg:$0x4] =	wrdreg $0xC0  }
0xba: {  	_ =	task [dreg:s22], $0x5FFFF  }
0xbb: {  	[dreg:$0x1] =	wrdreg $0xFFFFFFFF  }
0xbc: {  	[dreg:$0x0] =	wrdreg $0x60  }
0xbd: {  	[dreg:$0x2] =	wrdreg s18  }
0xbe: {  	[dreg:$0x3] =	wrdreg s24  }
0xbf: {  	[dreg:$0x4] =	wrdreg $0x9  }
0xc0: {  	_ =	task.clear_ibuf [dreg:s22], $0x5FFFF;
	_ =	strace $0x90000049  }
0xc1: {  	s29 =	simm.s32 $0x9;
	_ =	strace $0x8000004B  }
0xc2: {  	_ =	swait.ge [sflag:s29], $0x1  }
0xc3: {  	[sflag:s29] =	ssyncadd.s32 $0xFFFFFFFF  }
0xc4: {  	_ =	strace $0x9000004B  }
0xc5: {  	_ =	sfence  }
0xc6: {  	s30 =	sld [smem:$0x0];
	_ =	sdelay $0x2  }
0xc7: {  	s31 =	sshll.u32 s1, $0xD;
	s1 =	sshrl.u32 s1, $0x2  }
0xc8: {  	s4 =	sand.u32 $0x4000, s31;
	s1 =	sadd.s32 s1, s30  }
0xc9: {  	s0 =	sor.u32 s4, s0;
	s1 =	sshll.u32 s1, $0x11  }
0xca: {  	s0 =	sor.u32 s1, s0  }
0xcb: {  	s0 =	sadd.s32 $0x8F2B, s0  }
0xcc: {  	[sflag:s0] =	ssyncadd.remote.s32 $0x1  }
0xcd: {  	_ =	sfence.sel $0xFFFF  }
0xce: {  	[dreg:$0x0] =	wrdreg $0xFFFFFFFF;
	(pc) =	sbr.abs _section_cstart, $3  }
0xcf: {  	[dreg:$0x1] =	wrdreg $0xFFFFFFFF  }
0xd0: {  	_ =	task.clear_ibuf [dreg:s22], $0x2FFFF;
	_ =	strace $0x9FFFFFFF  }
0xd1: {  	(tm) =	ssettm $0x7FFFFFFF  }
tec
execute0_lowered:
.L_overlay_start_1:
0x0: {  	(tag) =	ssettag $0x1  }
0x1: {  	s1 =	rddreg [dreg:$0x0]  }
0x2: {  	s3 =	rddreg [dreg:$0x1]  }
0x3: {  	s0 =	rddreg [dreg:$0x2];
	s2 =	simm.s32 $0x0;
	s4 =	srdreg.scid  }
0x4: {  	s15 =	stileid.u32;
	s13 =	simm.s32 $0x8180;
	s14 =	simm.s32 $0x1  }
0x5: {  	[smem:$0x7FF] =	sst s2;
	s5 =	sadd.s32 $0x4200, s3;
	s8 =	smul.u32 $0x27000, s15  }
0x6: {  	s6 =	sadd.s32 $0x288E00, s3;
	s4 =	sand.u32 $0x1, s4;
	s11 =	smul.u32 $0x4E0, s15  }
0x7: {  	p0 =	sne.s32 s15, $0x0;
	s15 =	simm.s32 $0x0;
	_ =	strace $0x8000004A  }
0x8: {  	s29 =	ssub.s32 $0x2, s4;
	s7 =	sshll.u32 s4, $0x7;
	s10 =	smul.u32 $0x13800, s4  }
0x9: {  	s12 =	smul.u32 $0x270, s4;
	s9 =	sshrl.u32 s29, $0x1;
	s7 =	sor.u32 $0x27000, s7  }
0xa: {  	s31 =	sadd.s32 s11, s5;
	s11 =	simm.s32 $0x4180;
	s30 =	sshrl.u32 s7, $0x3  }
0xb: {  	s9 =	ssub.s32 s29, s9;
	s7 =	sshll.u32 s7, $0x4;
	s3 =	sadd.s32 s5, s30  }
0xc: {  	s4 =	sadd.s32 s6, s7;
	s6 =	sadd.s32 s8, s6;
	s5 =	smax.u32 s9, $0x1  }
0xd: {  	s7 =	sadd.s32 s12, s31;
	s8 =	simm.s32 $0x2;
	s9 =	simm.s32 $0x80  }
0xe: {  	s12 =	simm.s32 $0x100;
	s6 =	sadd.s32 s10, s6;
	s10 =	simm.s32 $0x180  }
.LBB2_1:
0xf: {  	s16 =	sadd.s32 $0x0, s7  }
0x10: {  	[tilespmem:s2], [sflag:$0x2] =	stream.linear.gather [hbm4b:s16+s2], $0x180, $0x38;
	[tilespmem:$0xC180] =	vst v63  }
0x11: {  	_ =	swait.ge [sflag:s8], $0x180  }
0x12: {  	[sflag:s8] =	ssyncset.done $0x0  }
0x13: {  	[sflag:s8] =	ssyncadd.s32 $0xFFFFFE80  }
0x14: {  	[tilespmem:s10], [sflag:$0x1] =	stream.indirect.gather [hbm4b:s1+s9], $0x80, s2, s9, $0xb8;
	[tilespmem:$0xC180] =	vst v63  }
0x15: {  	_ = 	snop  }
0x16: {  	[tilespmem:s11], [sflag:$0x1] =	stream.indirect.gather [hbm4b:s1+s9], $0x80, s9, s9, $0xb8;
	[tilespmem:$0xC180] =	vst v63  }
0x17: {  	_ = 	snop  }
0x18: {  	[tilespmem:s13], [sflag:$0x1] =	stream.indirect.gather [hbm4b:s1+s9], $0x80, s12, s9, $0xb8;
	[tilespmem:$0xC180] =	vst v63  }
0x19: {  	_ =	swait.ge [sflag:s14], $0x4000  }
0x1a: {  	[sflag:s14] =	ssyncset.done $0x0  }
0x1b: {  	[sflag:s14] =	ssyncadd.s32 $0xFFFFC000  }
0x1c: {  	_ =	swait.ge [sflag:s14], $0x4000  }
0x1d: {  	[sflag:s14] =	ssyncset.done $0x0  }
0x1e: {  	[sflag:s14] =	ssyncadd.s32 $0xFFFFC000  }
0x1f: {  	_ =	swait.ge [sflag:s14], $0x4000  }
0x20: {  	[sflag:s14] =	ssyncset.done $0x0  }
0x21: {  	[sflag:s14] =	ssyncadd.s32 $0xFFFFC000  }
0x22: {  	[hbm4b:s6+s2] =	stream.linear.scatter [tilespmem:s10], [sflag:$0x2], $0xC000, $0x38;
	[tilespmem:$0xC180] =	vst v63  }
0x23: {  	s17 =	simm.s32 $0x30;
	_ =	swait.ge [sflag:s8], $0xC000  }
0x24: {  	s18 =	simm.s32 $0x60;
	s16 =	sadd.s32 $0x1800, s6;
	[sflag:s8] =	ssyncset.done $0x0  }
.LBB2_2:
0x25: {  	s19 =	sadd.s32 s17, s7  }
0x26: {  	[sflag:s8] =	ssyncadd.s32 $0xFFFF4000;
	s17 =	smov.u32 s18;
	s20 =	sadd.s32 $0x30, s18  }
0x27: {  	[tilespmem:s2], [sflag:$0x2] =	stream.linear.gather [hbm4b:s19+s2], $0x180, $0x38;
	[tilespmem:$0xC180] =	vst v63  }
0x28: {  	p1 =	sne.s32 s18, $0x240;
	_ =	swait.ge [sflag:s8], $0x180  }
0x29: {  	[sflag:s8] =	ssyncset.done $0x0  }
0x2a: {  	[sflag:s8] =	ssyncadd.s32 $0xFFFFFE80  }
0x2b: {  	[tilespmem:s10], [sflag:$0x1] =	stream.indirect.gather [hbm4b:s1+s9], $0x80, s2, s9, $0xb8;
	[tilespmem:$0xC180] =	vst v63  }
0x2c: {  	_ = 	snop  }
0x2d: {  	[tilespmem:s11], [sflag:$0x1] =	stream.indirect.gather [hbm4b:s1+s9], $0x80, s9, s9, $0xb8;
	[tilespmem:$0xC180] =	vst v63  }
0x2e: {  	_ = 	snop  }
0x2f: {  	[tilespmem:s13], [sflag:$0x1] =	stream.indirect.gather [hbm4b:s1+s9], $0x80, s12, s9, $0xb8;
	[tilespmem:$0xC180] =	vst v63  }
0x30: {  	_ =	swait.ge [sflag:s14], $0x4000  }
0x31: {  	[sflag:s14] =	ssyncset.done $0x0  }
0x32: {  	[sflag:s14] =	ssyncadd.s32 $0xFFFFC000  }
0x33: {  	_ =	swait.ge [sflag:s14], $0x4000  }
0x34: {  	[sflag:s14] =	ssyncset.done $0x0  }
0x35: {  	[sflag:s14] =	ssyncadd.s32 $0xFFFFC000  }
0x36: {  	_ =	swait.ge [sflag:s14], $0x4000  }
.Ltmp0:
0x37: {  	[sflag:s14] =	ssyncset.done $0x0;
	(pc) =	sbr.rel @p1 .LBB2_2-.Ltmp0, $4  }
0x38: {  	[sflag:s14] =	ssyncadd.s32 $0xFFFFC000  }
0x39: {  	[hbm4b:s16+s2] =	stream.linear.scatter [tilespmem:s10], [sflag:$0x2], $0xC000, $0x38;
	[tilespmem:$0xC180] =	vst v63  }
0x3a: {  	_ =	swait.ge [sflag:s8], $0xC000  }
0x3b: {  	s18 =	smov.u32 s20;
	s16 =	sadd.s32 $0x1800, s16;
	[sflag:s8] =	ssyncset.done $0x0  }
0x3c: {  	s17 =	sadd.s32 s17, s7;
	[sflag:s8] =	ssyncadd.s32 $0xFFFF4000  }
0x3d: {  	[tilespmem:s2], [sflag:$0x2] =	stream.linear.gather [hbm4b:s17+s2], $0x180, $0x38;
	[tilespmem:$0xC180] =	vst v63  }
0x3e: {  	_ =	swait.ge [sflag:s8], $0x180  }
0x3f: {  	[sflag:s8] =	ssyncset.done $0x0  }
0x40: {  	[sflag:s8] =	ssyncadd.s32 $0xFFFFFE80  }
0x41: {  	[tilespmem:s10], [sflag:$0x1] =	stream.indirect.gather [hbm4b:s1+s9], $0x80, s2, s9, $0xb8;
	[tilespmem:$0xC180] =	vst v63  }
0x42: {  	_ = 	snop  }
0x43: {  	[tilespmem:s11], [sflag:$0x1] =	stream.indirect.gather [hbm4b:s1+s9], $0x80, s9, s9, $0xb8;
	[tilespmem:$0xC180] =	vst v63  }
0x44: {  	_ = 	snop  }
0x45: {  	[tilespmem:s13], [sflag:$0x1] =	stream.indirect.gather [hbm4b:s1+s9], $0x80, s12, s9, $0xb8;
	[tilespmem:$0xC180] =	vst v63  }
0x46: {  	_ =	swait.ge [sflag:s14], $0x4000  }
0x47: {  	[sflag:s14] =	ssyncset.done $0x0  }
0x48: {  	[sflag:s14] =	ssyncadd.s32 $0xFFFFC000  }
0x49: {  	_ =	swait.ge [sflag:s14], $0x4000  }
0x4a: {  	[sflag:s14] =	ssyncset.done $0x0  }
0x4b: {  	[sflag:s14] =	ssyncadd.s32 $0xFFFFC000  }
0x4c: {  	_ =	swait.ge [sflag:s14], $0x4000  }
0x4d: {  	[sflag:s14] =	ssyncset.done $0x0  }
0x4e: {  	[sflag:s14] =	ssyncadd.s32 $0xFFFFC000  }
0x4f: {  	[hbm4b:s16+s2] =	stream.linear.scatter [tilespmem:s10], [sflag:$0x2], $0xC000, $0x38;
	[tilespmem:$0xC180] =	vst v63  }
0x50: {  	_ =	swait.ge [sflag:s8], $0xC000  }
0x51: {  	[sflag:s8] =	ssyncset.done $0x0  }
0x52: {  	s17 =	simm.s32 @!p0 $0x2;
	s16 =	simm.s32 @!p0 $0x0;
	[sflag:s8] =	ssyncadd.s32 $0xFFFF4000  }
0x53: {  	[tilespmem:s16], [sflag:$0x2] =	stream.linear.gather @!p0 [hbm4b:s3+s16], $0x80, $0x38;
	[tilespmem:$0xC180] =	vst v63  }
0x54: {  	_ =	swait.ge @!p0 [sflag:s17], $0x80  }
0x55: {  	[sflag:s17] =	ssyncset.done @!p0 $0x0  }
0x56: {  	s18 =	simm.s32 @!p0 $0x80;
	s19 =	simm.s32 @!p0 $0x180;
	[sflag:s17] =	ssyncadd.s32 @!p0 $0xFFFFFF80  }
0x57: {  	[tilespmem:s19], [sflag:$0x1] =	stream.indirect.gather @!p0 [hbm4b:s1+s18], $0x80, s16, s18, $0xb8;
	[tilespmem:$0xC180] =	vst v63  }
0x58: {  	s18 =	simm.s32 @!p0 $0x1  }
0x59: {  	s15 =	sadd.s32 $0x1, s15;
	_ =	swait.ge @!p0 [sflag:s18], $0x4000  }
0x5a: {  	p1 =	sne.s32 s15, s5;
	[sflag:s18] =	ssyncset.done @!p0 $0x0  }
.Ltmp1:
0x5b: {  	[sflag:s18] =	ssyncadd.s32 @!p0 $0xFFFFC000;
	(pc) =	sbr.rel @p1 .LBB2_1-.Ltmp1, $4  }
0x5c: {  	[hbm4b:s4+s16] =	stream.linear.scatter @!p0 [tilespmem:s19], [sflag:$0x2], $0x4000, $0x38;
	[tilespmem:$0xC180] =	vst v63  }
0x5d: {  	_ =	swait.ge @!p0 [sflag:s17], $0x4000  }
0x5e: {  	[sflag:s17] =	ssyncset.done @!p0 $0x0  }
0x5f: {  	[sflag:s17] =	ssyncadd.s32 @!p0 $0xFFFFC000  }
0x60: {  	_ =	sfence.sel $0x180000  }
0x61: {  	[bflag:$0x0] =	sbarrier.arrive $0xFFFF  }
0x62: {  	_ =	strace $0x9000004A  }
0x63: {  	s0 =	sadd.s32 @!p0 $0x100000, s0;
	[bflag:$0x2] =	sbarrier.arrive $0xFFFF  }
0x64: {  	[sflag:s0] =	ssyncadd.tile.s32 @!p0 $0x1;
	_ =	shalt  }
.Lfunc_end2:
_tile_overlayer_lowered:
.L_overlay_start_2:
0x65: {  	(tag) =	ssettag $0x2  }
0x66: {  	s0 =	rddreg [dreg:$0x0];
	s2 =	stileid.u32  }
0x67: {  	s1 =	rddreg [dreg:$0x1];
	p0 =	sne.s32 s2, $0x0  }
0x68: {  	s3 =	rddreg [dreg:$0x2];
	[bflag:$0x3] =	sbarrier.arrive $0xFFFF;
	s2 =	simm.s32 @!p0 $0x1C02  }
0x69: {  	[timem:s3], [sflag:s2] =	dma.local @!p0 [hbm:s0], s1  }
0x6a: {  	s0 =	simm.s32 @!p0 $0x2  }
0x6b: {  	_ =	swait.ge @!p0 [sflag:s0], s1  }
0x6c: {  	s1 =	ssub.s32 @!p0 $0x0, s1;
	[sflag:s0] =	ssyncset.done @!p0 $0x0  }
0x6d: {  	[sflag:s0] =	ssyncadd.s32 @!p0 s1  }
0x6e: {  	[bflag:$0x3] =	sbarrier.arrive $0xFFFF  }
0x6f: {  	_ =	shalt  }

</sc_bundles>
